<compile_context>
chip_gen: v7x
topology: tpu7x:2x2x1
jax: 0.10.2.dev20260603
libtpu: 0.0.44.dev20260713+nightly
codegen_flags: <defaults>
</compile_context>

<pallas_src>
import functools

import jax
import jax.numpy as jnp
from jax import lax
from jax.experimental import pallas as pl
from jax.experimental.pallas import tpu as pltpu
from jax.experimental.pallas import tpu_sc as plsc

_S = 8192
_NC = 2
_NS = 16
_NW = _NC * _NS
_L = 16
_BLOCK_A = 4096


def _sc_partials(vp_h, x0_h, x1_h, wb_h,
                 out_hbm,
                 bufs0, bufs1, sem0, sem1, acc, obuf,
                 *, atoms_per_tile, n):
    wid = lax.axis_index("s") * _NC + lax.axis_index("c")
    base_atom = wid * atoms_per_tile
    nblk = atoms_per_tile // _BLOCK_A
    sems = (sem0, sem1)

    zero16 = jnp.zeros((_L,), jnp.float32)
    lane = lax.iota(jnp.int32, _L)

    @plsc.parallel_loop(0, 5 * _S, _L, unroll=8)
    def _zero(o):
        acc[pl.ds(o, _L)] = zero16

    def start_block(blk, parity):
        a0 = base_atom + blk * _BLOCK_A
        bufs, sem = (bufs0, bufs1)[parity], sems[parity]
        hs = []
        for c in range(3):
            hs.append(pltpu.async_copy(
                vp_h.at[pl.ds(c * n + a0, _BLOCK_A)], bufs[c], sem))
            hs.append(pltpu.async_copy(
                x0_h.at[pl.ds(c * n + a0, _BLOCK_A)], bufs[3 + c], sem))
            hs.append(pltpu.async_copy(
                x1_h.at[pl.ds(c * n + a0, _BLOCK_A)], bufs[6 + c], sem))
        hs.append(pltpu.async_copy(wb_h.at[pl.ds(a0, _BLOCK_A)], bufs[9], sem))
        return hs

    pending = {0: start_block(0, 0)}

    ss = jnp.zeros((_L,), jnp.float32)
    curb = jnp.full((_L,), -1, jnp.int32)
    carry = (ss, curb, zero16, zero16, zero16, zero16, zero16)
    bfirst = jnp.int32(0)
    blast = jnp.int32(0)

    for blk in range(nblk):
        parity = blk % 2
        if blk + 1 < nblk:
            pending[(blk + 1) % 2] = start_block(blk + 1, (blk + 1) % 2)
        for h in pending.pop(parity):
            h.wait()
        bufs = (bufs0, bufs1)[parity]
        b0, b1, b2, b3, b4, b5, b6, b7, b8, b9 = bufs
        if blk == 0:
            bfirst = b9[pl.ds(0, _L)][0] & 16383
        if blk == nblk - 1:
            blast = b9[pl.ds(_BLOCK_A - _L, _L)][_L - 1] & 16383

        @plsc.parallel_loop(0, _BLOCK_A, _L, unroll=4, carry=carry)
        def carry(o, carry):
            ss, curb, rsx, rsy, rsz, rcm, rcf = carry
            dx = b0[pl.ds(o, _L)] - b6[pl.ds(o, _L)] + b3[pl.ds(o, _L)]
            dy = b1[pl.ds(o, _L)] - b7[pl.ds(o, _L)] + b4[pl.ds(o, _L)]
            dz = b2[pl.ds(o, _L)] - b8[pl.ds(o, _L)] + b5[pl.ds(o, _L)]
            raw = b9[pl.ds(o, _L)]
            bv = raw & 16383
            wv = 1.0 - (raw >> 30).astype(jnp.float32)
            wdx = wv * dx
            wdy = wv * dy
            wdz = wv * dz
            ss = ss + wdx * dx + wdy * dy + wdz * dz
            same = bv == curb
            flush = jnp.logical_not(same) & (curb >= 0)
            ci = jnp.maximum(curb, 0)
            plsc.addupdate_scatter(acc, [ci], rsx, mask=flush)
            plsc.addupdate_scatter(acc, [_S + ci], rsy, mask=flush)
            plsc.addupdate_scatter(acc, [2 * _S + ci], rsz, mask=flush)
            plsc.addupdate_scatter(acc, [3 * _S + ci], rcm, mask=flush)
            plsc.addupdate_scatter(acc, [4 * _S + ci], rcf, mask=flush)
            rsx = jnp.where(same, rsx + wdx, wdx)
            rsy = jnp.where(same, rsy + wdy, wdy)
            rsz = jnp.where(same, rsz + wdz, wdz)
            rcm = jnp.where(same, rcm + wv, wv)
            rcf = jnp.where(same, rcf + (1.0 - wv), 1.0 - wv)
            return (ss, bv, rsx, rsy, rsz, rcm, rcf)

    ss, curb, rsx, rsy, rsz, rcm, rcf = carry
    valid = curb >= 0
    ci = jnp.maximum(curb, 0)
    plsc.addupdate_scatter(acc, [ci], rsx, mask=valid)
    plsc.addupdate_scatter(acc, [_S + ci], rsy, mask=valid)
    plsc.addupdate_scatter(acc, [2 * _S + ci], rsz, mask=valid)
    plsc.addupdate_scatter(acc, [3 * _S + ci], rcm, mask=valid)
    plsc.addupdate_scatter(acc, [4 * _S + ci], rcf, mask=valid)

    @plsc.parallel_loop(0, _S, _L, unroll=2, carry=(zero16, zero16))
    def _cn(o, cn):
        corrv, nmv = cn
        sv = lane + o
        sxv = acc[pl.ds(o, _L)]
        syv = acc[pl.ds(_S + o, _L)]
        szv = acc[pl.ds(2 * _S + o, _L)]
        cmv = acc[pl.ds(3 * _S + o, _L)]
        cfv = acc[pl.ds(4 * _S + o, _L)]
        take = (sv > bfirst) & (sv < blast) & (cfv == 0.0)
        s2 = sxv * sxv + syv * syv + szv * szv
        corrv = corrv + jnp.where(take, s2 / jnp.maximum(cmv, 1.0), 0.0)
        nmv = nmv + cmv
        return (corrv, nmv)

    corrv, nmv = _cn

    l5 = lane - 5
    mult = jnp.where(lane < 5, lane, jnp.where(lane < 10, l5, 0))
    base = jnp.where(lane < 5, bfirst, jnp.where(lane < 10, blast, 0))
    bvals = plsc.load_gather(acc, [mult * _S + base])
    dup = (lane >= 5) & (lane < 10) & (bfirst == blast)
    bvals = jnp.where(dup, 0.0, bvals)
    idv = jnp.where(lane == 10, bfirst, jnp.where(lane == 11, blast, 0))
    bvals = jnp.where(lane >= 10, idv.astype(jnp.float32), bvals)

    obuf[pl.ds(0, _L)] = ss
    obuf[pl.ds(_L, _L)] = corrv
    obuf[pl.ds(2 * _L, _L)] = nmv
    obuf[pl.ds(3 * _L, _L)] = bvals
    pltpu.sync_copy(obuf, out_hbm.at[wid])


def _tc_merge(q_ref, out_ref):
    q = q_ref[...]
    ssq = jnp.sum(q[:, 0:16])
    corr_int = jnp.sum(q[:, 16:32])
    nm = jnp.sum(q[:, 32:48])
    bm = q[:, 48:64]
    ids = jnp.concatenate([bm[:, 10:11], bm[:, 11:12]], axis=0)
    vals = jnp.concatenate([bm[:, 0:5], bm[:, 5:10]], axis=0)
    sysv = lax.broadcasted_iota(jnp.int32, (2 * _NW, _S), 1)
    onehot = (ids.astype(jnp.int32) == sysv).astype(jnp.float32)
    totals = lax.dot_general(vals, onehot, (((0,), (0,)), ((), ())))
    pres = jnp.sum(onehot, axis=0, keepdims=True)
    tsx = totals[0:1]
    tsy = totals[1:2]
    tsz = totals[2:3]
    tcm = totals[3:4]
    tcf = totals[4:5]
    s2 = tsx * tsx + tsy * tsy + tsz * tsz
    take = (pres > 0.0) & (tcf == 0.0)
    corr_b = jnp.sum(jnp.where(take, s2 / jnp.maximum(tcm, 1.0), 0.0))
    out_ref[0, 0] = (ssq - corr_int - corr_b) / jnp.maximum(nm, 1.0)


def kernel(v_pred, x0, x1, fixed, batch_idx, num_systems):
    n = v_pred.shape[0]
    atoms_per_tile = n // _NW

    vp = v_pred.T.reshape(-1)
    a0f = x0.T.reshape(-1)
    a1f = x1.T.reshape(-1)
    wb = batch_idx.astype(jnp.int32) | (fixed.astype(jnp.int32) << 30)

    fbuf = [pltpu.VMEM((_BLOCK_A,), jnp.float32) for _ in range(9)]
    ibuf = [pltpu.VMEM((_BLOCK_A,), jnp.int32)]
    mesh = plsc.VectorSubcoreMesh(core_axis_name="c", subcore_axis_name="s")
    q = pl.kernel(
        functools.partial(_sc_partials, atoms_per_tile=atoms_per_tile, n=n),
        out_type=jax.ShapeDtypeStruct((_NW, 4 * _L), jnp.float32),
        mesh=mesh,
        compiler_params=pltpu.CompilerParams(needs_layout_passes=False),
        scratch_types=(
            tuple(fbuf) + tuple(ibuf),
            tuple(fbuf) + tuple(ibuf),
            pltpu.SemaphoreType.DMA,
            pltpu.SemaphoreType.DMA,
            pltpu.VMEM((5 * _S,), jnp.float32),
            pltpu.VMEM((4 * _L,), jnp.float32),
        ),
    )(vp, a0f, a1f, wb)

    out = pl.pallas_call(
        _tc_merge,
        out_shape=jax.ShapeDtypeStruct((1, 1), jnp.float32),
        out_specs=pl.BlockSpec(memory_space=pltpu.SMEM),
    )(q)

    loss = out[0, 0]
    return loss + jnp.zeros_like(loss) * num_systems

# --- scband reference (transcript-rebuilt; emitter-appended) ---
"""Pipeline reference for scband-flow-matching-loss-77180562309558 (READ-ONLY COPY).

The authoritative reference and input builder live on the scoring server;
editing this copy changes nothing except your own understanding.
"""

import jax, jax.numpy as jnp
import numpy as np


def _com_projection_batched(v, mobile, batch_idx, num_systems):
    # Subtract per-system mean over mobile atoms; frozen atoms pass through.
    # Systems containing any frozen atom are skipped (means zeroed).
    w = mobile.astype(v.dtype)[:, None]
    sums = jax.ops.segment_sum(v * w, batch_idx, num_segments=num_systems)
    counts = jax.ops.segment_sum(mobile.astype(v.dtype), batch_idx, num_segments=num_systems)
    means = sums / jnp.clip(counts, 1.0)[:, None]
    frozen_counts = jax.ops.segment_sum((~mobile).astype(v.dtype), batch_idx, num_segments=num_systems)
    has_frozen = (frozen_counts > 0).astype(v.dtype)[:, None]
    means = means * (1.0 - has_frozen)
    return v - means[batch_idx] * w


def apply_output_projections(v, fixed, batch_idx, num_systems):
    # (i) hard-mask v[fixed] = 0, (ii) CoM subtraction over mobile atoms
    v = jnp.where(fixed[:, None], 0.0, v)
    return _com_projection_batched(v, ~fixed, batch_idx, num_systems)


def setup_inputs(seed: int = 0) -> dict:
    key = jax.random.key(seed)
    k1, k2, k3, k4, k5 = jax.random.split(key, 5)
    N = 524288
    S = 8192
    v_pred = jax.random.normal(k1, (N, 3), dtype=jnp.float32)
    x0 = jax.random.normal(k2, (N, 3), dtype=jnp.float32)
    x1 = jax.random.normal(k3, (N, 3), dtype=jnp.float32)
    fixed = jax.random.randint(k4, (N,), 0, 2).astype(bool)
    batch_idx = jnp.sort(jax.random.randint(k5, (N,), 0, S)).astype(jnp.int32)
    return {"v_pred": v_pred, "x0": x0, "x1": x1, "fixed": fixed, "batch_idx": batch_idx, "num_systems": S}


def reference(v_pred, x0, x1, fixed, batch_idx, num_systems):
    # Flow-matching loss: target velocity u = x1 - x0 (linear interpolant),
    # both prediction and target passed through output projections,
    # MSE over mobile atoms only.
    static_num_systems = 8192
    target = x1 - x0
    u = apply_output_projections(target, fixed, batch_idx, static_num_systems)
    v = apply_output_projections(v_pred, fixed, batch_idx, static_num_systems)
    mobile = (~fixed).astype(v.dtype)
    sq = jnp.sum((v - u) ** 2, axis=-1) * mobile
    denom = jnp.clip(jnp.sum(mobile), 1.0)
    loss = jnp.sum(sq) / denom
    return loss + jnp.zeros_like(loss) * num_systems

if __name__ == "__main__":
    import jax
    _d = setup_inputs()
    print(jax.jit(kernel)(*tuple(_d.values())))

</pallas_src>

<mosaic_0001>
#map = affine_map<(d0, d1) -> (0)>
#map1 = affine_map<(d0, d1) -> (0, 0)>
module attributes {stable_mosaic.version = 14 : i64} {
  func.func @_sc_partials(%arg0: i32, %arg1: i32, %arg2: memref<1572864xf32, #tpu.memory_space<hbm>>, %arg3: memref<1572864xf32, #tpu.memory_space<hbm>>, %arg4: memref<1572864xf32, #tpu.memory_space<hbm>>, %arg5: memref<524288xi32, #tpu.memory_space<hbm>>, %arg6: memref<32x64xf32, #tpu.memory_space<hbm>>, %arg7: memref<4096xf32, #tpu.memory_space<vmem>>, %arg8: memref<4096xf32, #tpu.memory_space<vmem>>, %arg9: memref<4096xf32, #tpu.memory_space<vmem>>, %arg10: memref<4096xf32, #tpu.memory_space<vmem>>, %arg11: memref<4096xf32, #tpu.memory_space<vmem>>, %arg12: memref<4096xf32, #tpu.memory_space<vmem>>, %arg13: memref<4096xf32, #tpu.memory_space<vmem>>, %arg14: memref<4096xf32, #tpu.memory_space<vmem>>, %arg15: memref<4096xf32, #tpu.memory_space<vmem>>, %arg16: memref<4096xi32, #tpu.memory_space<vmem>>, %arg17: memref<4096xf32, #tpu.memory_space<vmem>>, %arg18: memref<4096xf32, #tpu.memory_space<vmem>>, %arg19: memref<4096xf32, #tpu.memory_space<vmem>>, %arg20: memref<4096xf32, #tpu.memory_space<vmem>>, %arg21: memref<4096xf32, #tpu.memory_space<vmem>>, %arg22: memref<4096xf32, #tpu.memory_space<vmem>>, %arg23: memref<4096xf32, #tpu.memory_space<vmem>>, %arg24: memref<4096xf32, #tpu.memory_space<vmem>>, %arg25: memref<4096xf32, #tpu.memory_space<vmem>>, %arg26: memref<4096xi32, #tpu.memory_space<vmem>>, %arg27: memref<!tpu.dma_semaphore, #tpu.memory_space<semaphore_mem>>, %arg28: memref<!tpu.dma_semaphore, #tpu.memory_space<semaphore_mem>>, %arg29: memref<40960xf32, #tpu.memory_space<vmem>>, %arg30: memref<64xf32, #tpu.memory_space<vmem>>) attributes {dimension_semantics = [#tpu.dimension_semantics<core_parallel>, #tpu.dimension_semantics<subcore_parallel>], iteration_bounds = array<i64: 2, 16>, scalar_prefetch = 0 : i64, scratch_operands = 24 : i64, tpu.core_type = #tpu.core_type<sc_vector_subcore>, window_params = [{transform_indices = #map}, {transform_indices = #map}, {transform_indices = #map}, {transform_indices = #map}, {transform_indices = #map1}]} {
    %mul3A = arith.constant 2 : i32
    %mul3A_0 = arith.muli %arg1, %mul3A : i32
    %add3A = arith.addi %mul3A_0, %arg0 : i32
    %mul3A_1 = arith.constant 16384 : i32
    %mul3A_2 = arith.muli %add3A, %mul3A_1 : i32
    %broadcast_in_dim3A = arith.constant 0.000000e+00 : f32
    %broadcast_in_dim3A_3 = vector.broadcast %broadcast_in_dim3A : f32 to vector<16xf32>
    %iota3A = tpu.iota {dimensions = array<i32: 0>} : vector<16xi32>
    %parallel_loop3A = arith.constant 0 : i32
    %parallel_loop3A_4 = arith.constant 40960 : i32
    %parallel_loop3A_5 = arith.constant 16 : i32
    scf.for %parallel_loop3A_352 = %parallel_loop3A to %parallel_loop3A_4 step %parallel_loop3A_5  : i32 {
      %parallel_loop3A_353 = arith.index_cast %parallel_loop3A_352 : i32 to index
      %parallel_loop3A_354 = tpu.vector_load %arg29[%parallel_loop3A_353] {strides = array<i32>} : memref<40960xf32, #tpu.memory_space<vmem>>, vector<16xf32>,
      tpu.vector_store %arg29[%parallel_loop3A_353], %broadcast_in_dim3A_3 {strides = array<i32>} : memref<40960xf32, #tpu.memory_space<vmem>>, vector<16xf32>,
    } {sc.loop_unroll_factor = 8 : i64, sc.parallel_access}
    %add3A_6 = arith.constant 0 : i32
    %add3A_7 = arith.addi %mul3A_2, %add3A_6 : i32
    %add3A_8 = arith.constant 0 : i32
    %add3A_9 = arith.addi %add3A_8, %add3A_7 : i32
    %dma_start3A = tpu.memref_slice %arg2[%add3A_9] : memref<1572864xf32, #tpu.memory_space<hbm>> -> memref<4096xf32, #tpu.memory_space<hbm>>
    %dma_start3A_10 = tpu.memref_slice %arg2[%add3A_9] : memref<1572864xf32, #tpu.memory_space<hbm>> -> memref<4096xf32, #tpu.memory_space<hbm>>
    tpu.enqueue_dma source(%dma_start3A_10 : memref<4096xf32, #tpu.memory_space<hbm>>) target(%arg7 : memref<4096xf32, #tpu.memory_space<vmem>>) target_semaphore(%arg27 : memref<!tpu.dma_semaphore, #tpu.memory_space<semaphore_mem>>)
    %add3A_11 = arith.constant 0 : i32
    %add3A_12 = arith.addi %add3A_11, %add3A_7 : i32
    %dma_start3A_13 = tpu.memref_slice %arg3[%add3A_12] : memref<1572864xf32, #tpu.memory_space<hbm>> -> memref<4096xf32, #tpu.memory_space<hbm>>
    %dma_start3A_14 = tpu.memref_slice %arg3[%add3A_12] : memref<1572864xf32, #tpu.memory_space<hbm>> -> memref<4096xf32, #tpu.memory_space<hbm>>
    tpu.enqueue_dma source(%dma_start3A_14 : memref<4096xf32, #tpu.memory_space<hbm>>) target(%arg10 : memref<4096xf32, #tpu.memory_space<vmem>>) target_semaphore(%arg27 : memref<!tpu.dma_semaphore, #tpu.memory_space<semaphore_mem>>)
    %add3A_15 = arith.constant 0 : i32
    %add3A_16 = arith.addi %add3A_15, %add3A_7 : i32
    %dma_start3A_17 = tpu.memref_slice %arg4[%add3A_16] : memref<1572864xf32, #tpu.memory_space<hbm>> -> memref<4096xf32, #tpu.memory_space<hbm>>
    %dma_start3A_18 = tpu.memref_slice %arg4[%add3A_16] : memref<1572864xf32, #tpu.memory_space<hbm>> -> memref<4096xf32, #tpu.memory_space<hbm>>
    tpu.enqueue_dma source(%dma_start3A_18 : memref<4096xf32, #tpu.memory_space<hbm>>) target(%arg13 : memref<4096xf32, #tpu.memory_space<vmem>>) target_semaphore(%arg27 : memref<!tpu.dma_semaphore, #tpu.memory_space<semaphore_mem>>)
    %add3A_19 = arith.constant 524288 : i32
    %add3A_20 = arith.addi %add3A_19, %add3A_7 : i32
    %dma_start3A_21 = tpu.memref_slice %arg2[%add3A_20] : memref<1572864xf32, #tpu.memory_space<hbm>> -> memref<4096xf32, #tpu.memory_space<hbm>>
    %dma_start3A_22 = tpu.memref_slice %arg2[%add3A_20] : memref<1572864xf32, #tpu.memory_space<hbm>> -> memref<4096xf32, #tpu.memory_space<hbm>>
    tpu.enqueue_dma source(%dma_start3A_22 : memref<4096xf32, #tpu.memory_space<hbm>>) target(%arg8 : memref<4096xf32, #tpu.memory_space<vmem>>) target_semaphore(%arg27 : memref<!tpu.dma_semaphore, #tpu.memory_space<semaphore_mem>>)
    %add3A_23 = arith.constant 524288 : i32
    %add3A_24 = arith.addi %add3A_23, %add3A_7 : i32
    %dma_start3A_25 = tpu.memref_slice %arg3[%add3A_24] : memref<1572864xf32, #tpu.memory_space<hbm>> -> memref<4096xf32, #tpu.memory_space<hbm>>
    %dma_start3A_26 = tpu.memref_slice %arg3[%add3A_24] : memref<1572864xf32, #tpu.memory_space<hbm>> -> memref<4096xf32, #tpu.memory_space<hbm>>
    tpu.enqueue_dma source(%dma_start3A_26 : memref<4096xf32, #tpu.memory_space<hbm>>) target(%arg11 : memref<4096xf32, #tpu.memory_space<vmem>>) target_semaphore(%arg27 : memref<!tpu.dma_semaphore, #tpu.memory_space<semaphore_mem>>)
    %add3A_27 = arith.constant 524288 : i32
    %add3A_28 = arith.addi %add3A_27, %add3A_7 : i32
    %dma_start3A_29 = tpu.memref_slice %arg4[%add3A_28] : memref<1572864xf32, #tpu.memory_space<hbm>> -> memref<4096xf32, #tpu.memory_space<hbm>>
    %dma_start3A_30 = tpu.memref_slice %arg4[%add3A_28] : memref<1572864xf32, #tpu.memory_space<hbm>> -> memref<4096xf32, #tpu.memory_space<hbm>>
    tpu.enqueue_dma source(%dma_start3A_30 : memref<4096xf32, #tpu.memory_space<hbm>>) target(%arg14 : memref<4096xf32, #tpu.memory_space<vmem>>) target_semaphore(%arg27 : memref<!tpu.dma_semaphore, #tpu.memory_space<semaphore_mem>>)
    %add3A_31 = arith.constant 1048576 : i32
    %add3A_32 = arith.addi %add3A_31, %add3A_7 : i32
    %dma_start3A_33 = tpu.memref_slice %arg2[%add3A_32] : memref<1572864xf32, #tpu.memory_space<hbm>> -> memref<4096xf32, #tpu.memory_space<hbm>>
    %dma_start3A_34 = tpu.memref_slice %arg2[%add3A_32] : memref<1572864xf32, #tpu.memory_space<hbm>> -> memref<4096xf32, #tpu.memory_space<hbm>>
    tpu.enqueue_dma source(%dma_start3A_34 : memref<4096xf32, #tpu.memory_space<hbm>>) target(%arg9 : memref<4096xf32, #tpu.memory_space<vmem>>) target_semaphore(%arg27 : memref<!tpu.dma_semaphore, #tpu.memory_space<semaphore_mem>>)
    %add3A_35 = arith.constant 1048576 : i32
    %add3A_36 = arith.addi %add3A_35, %add3A_7 : i32
    %dma_start3A_37 = tpu.memref_slice %arg3[%add3A_36] : memref<1572864xf32, #tpu.memory_space<hbm>> -> memref<4096xf32, #tpu.memory_space<hbm>>
    %dma_start3A_38 = tpu.memref_slice %arg3[%add3A_36] : memref<1572864xf32, #tpu.memory_space<hbm>> -> memref<4096xf32, #tpu.memory_space<hbm>>
    tpu.enqueue_dma source(%dma_start3A_38 : memref<4096xf32, #tpu.memory_space<hbm>>) target(%arg12 : memref<4096xf32, #tpu.memory_space<vmem>>) target_semaphore(%arg27 : memref<!tpu.dma_semaphore, #tpu.memory_space<semaphore_mem>>)
    %add3A_39 = arith.constant 1048576 : i32
    %add3A_40 = arith.addi %add3A_39, %add3A_7 : i32
    %dma_start3A_41 = tpu.memref_slice %arg4[%add3A_40] : memref<1572864xf32, #tpu.memory_space<hbm>> -> memref<4096xf32, #tpu.memory_space<hbm>>
    %dma_start3A_42 = tpu.memref_slice %arg4[%add3A_40] : memref<1572864xf32, #tpu.memory_space<hbm>> -> memref<4096xf32, #tpu.memory_space<hbm>>
    tpu.enqueue_dma source(%dma_start3A_42 : memref<4096xf32, #tpu.memory_space<hbm>>) target(%arg15 : memref<4096xf32, #tpu.memory_space<vmem>>) target_semaphore(%arg27 : memref<!tpu.dma_semaphore, #tpu.memory_space<semaphore_mem>>)
    %dma_start3A_43 = tpu.memref_slice %arg5[%add3A_7] : memref<524288xi32, #tpu.memory_space<hbm>> -> memref<4096xi32, #tpu.memory_space<hbm>>
    %dma_start3A_44 = tpu.memref_slice %arg5[%add3A_7] : memref<524288xi32, #tpu.memory_space<hbm>> -> memref<4096xi32, #tpu.memory_space<hbm>>
    tpu.enqueue_dma source(%dma_start3A_44 : memref<4096xi32, #tpu.memory_space<hbm>>) target(%arg16 : memref<4096xi32, #tpu.memory_space<vmem>>) target_semaphore(%arg27 : memref<!tpu.dma_semaphore, #tpu.memory_space<semaphore_mem>>)
    %broadcast_in_dim3A_45 = arith.constant 0.000000e+00 : f32
    %broadcast_in_dim3A_46 = vector.broadcast %broadcast_in_dim3A_45 : f32 to vector<16xf32>
    %broadcast_in_dim3A_47 = arith.constant -1 : i32
    %broadcast_in_dim3A_48 = vector.broadcast %broadcast_in_dim3A_47 : i32 to vector<16xi32>
    %add3A_49 = arith.constant 4096 : i32
    %add3A_50 = arith.addi %mul3A_2, %add3A_49 : i32
    %add3A_51 = arith.constant 0 : i32
    %add3A_52 = arith.addi %add3A_51, %add3A_50 : i32
    %dma_start3A_53 = tpu.memref_slice %arg2[%add3A_52] : memref<1572864xf32, #tpu.memory_space<hbm>> -> memref<4096xf32, #tpu.memory_space<hbm>>
    %dma_start3A_54 = tpu.memref_slice %arg2[%add3A_52] : memref<1572864xf32, #tpu.memory_space<hbm>> -> memref<4096xf32, #tpu.memory_space<hbm>>
    tpu.enqueue_dma source(%dma_start3A_54 : memref<4096xf32, #tpu.memory_space<hbm>>) target(%arg17 : memref<4096xf32, #tpu.memory_space<vmem>>) target_semaphore(%arg28 : memref<!tpu.dma_semaphore, #tpu.memory_space<semaphore_mem>>)
    %add3A_55 = arith.constant 0 : i32
    %add3A_56 = arith.addi %add3A_55, %add3A_50 : i32
    %dma_start3A_57 = tpu.memref_slice %arg3[%add3A_56] : memref<1572864xf32, #tpu.memory_space<hbm>> -> memref<4096xf32, #tpu.memory_space<hbm>>
    %dma_start3A_58 = tpu.memref_slice %arg3[%add3A_56] : memref<1572864xf32, #tpu.memory_space<hbm>> -> memref<4096xf32, #tpu.memory_space<hbm>>
    tpu.enqueue_dma source(%dma_start3A_58 : memref<4096xf32, #tpu.memory_space<hbm>>) target(%arg20 : memref<4096xf32, #tpu.memory_space<vmem>>) target_semaphore(%arg28 : memref<!tpu.dma_semaphore, #tpu.memory_space<semaphore_mem>>)
    %add3A_59 = arith.constant 0 : i32
    %add3A_60 = arith.addi %add3A_59, %add3A_50 : i32
    %dma_start3A_61 = tpu.memref_slice %arg4[%add3A_60] : memref<1572864xf32, #tpu.memory_space<hbm>> -> memref<4096xf32, #tpu.memory_space<hbm>>
    %dma_start3A_62 = tpu.memref_slice %arg4[%add3A_60] : memref<1572864xf32, #tpu.memory_space<hbm>> -> memref<4096xf32, #tpu.memory_space<hbm>>
    tpu.enqueue_dma source(%dma_start3A_62 : memref<4096xf32, #tpu.memory_space<hbm>>) target(%arg23 : memref<4096xf32, #tpu.memory_space<vmem>>) target_semaphore(%arg28 : memref<!tpu.dma_semaphore, #tpu.memory_space<semaphore_mem>>)
    %add3A_63 = arith.constant 524288 : i32
    %add3A_64 = arith.addi %add3A_63, %add3A_50 : i32
    %dma_start3A_65 = tpu.memref_slice %arg2[%add3A_64] : memref<1572864xf32, #tpu.memory_space<hbm>> -> memref<4096xf32, #tpu.memory_space<hbm>>
    %dma_start3A_66 = tpu.memref_slice %arg2[%add3A_64] : memref<1572864xf32, #tpu.memory_space<hbm>> -> memref<4096xf32, #tpu.memory_space<hbm>>
    tpu.enqueue_dma source(%dma_start3A_66 : memref<4096xf32, #tpu.memory_space<hbm>>) target(%arg18 : memref<4096xf32, #tpu.memory_space<vmem>>) target_semaphore(%arg28 : memref<!tpu.dma_semaphore, #tpu.memory_space<semaphore_mem>>)
    %add3A_67 = arith.constant 524288 : i32
    %add3A_68 = arith.addi %add3A_67, %add3A_50 : i32
    %dma_start3A_69 = tpu.memref_slice %arg3[%add3A_68] : memref<1572864xf32, #tpu.memory_space<hbm>> -> memref<4096xf32, #tpu.memory_space<hbm>>
    %dma_start3A_70 = tpu.memref_slice %arg3[%add3A_68] : memref<1572864xf32, #tpu.memory_space<hbm>> -> memref<4096xf32, #tpu.memory_space<hbm>>
    tpu.enqueue_dma source(%dma_start3A_70 : memref<4096xf32, #tpu.memory_space<hbm>>) target(%arg21 : memref<4096xf32, #tpu.memory_space<vmem>>) target_semaphore(%arg28 : memref<!tpu.dma_semaphore, #tpu.memory_space<semaphore_mem>>)
    %add3A_71 = arith.constant 524288 : i32
    %add3A_72 = arith.addi %add3A_71, %add3A_50 : i32
    %dma_start3A_73 = tpu.memref_slice %arg4[%add3A_72] : memref<1572864xf32, #tpu.memory_space<hbm>> -> memref<4096xf32, #tpu.memory_space<hbm>>
    %dma_start3A_74 = tpu.memref_slice %arg4[%add3A_72] : memref<1572864xf32, #tpu.memory_space<hbm>> -> memref<4096xf32, #tpu.memory_space<hbm>>
    tpu.enqueue_dma source(%dma_start3A_74 : memref<4096xf32, #tpu.memory_space<hbm>>) target(%arg24 : memref<4096xf32, #tpu.memory_space<vmem>>) target_semaphore(%arg28 : memref<!tpu.dma_semaphore, #tpu.memory_space<semaphore_mem>>)
    %add3A_75 = arith.constant 1048576 : i32
    %add3A_76 = arith.addi %add3A_75, %add3A_50 : i32
    %dma_start3A_77 = tpu.memref_slice %arg2[%add3A_76] : memref<1572864xf32, #tpu.memory_space<hbm>> -> memref<4096xf32, #tpu.memory_space<hbm>>
    %dma_start3A_78 = tpu.memref_slice %arg2[%add3A_76] : memref<1572864xf32, #tpu.memory_space<hbm>> -> memref<4096xf32, #tpu.memory_space<hbm>>
    tpu.enqueue_dma source(%dma_start3A_78 : memref<4096xf32, #tpu.memory_space<hbm>>) target(%arg19 : memref<4096xf32, #tpu.memory_space<vmem>>) target_semaphore(%arg28 : memref<!tpu.dma_semaphore, #tpu.memory_space<semaphore_mem>>)
    %add3A_79 = arith.constant 1048576 : i32
    %add3A_80 = arith.addi %add3A_79, %add3A_50 : i32
    %dma_start3A_81 = tpu.memref_slice %arg3[%add3A_80] : memref<1572864xf32, #tpu.memory_space<hbm>> -> memref<4096xf32, #tpu.memory_space<hbm>>
    %dma_start3A_82 = tpu.memref_slice %arg3[%add3A_80] : memref<1572864xf32, #tpu.memory_space<hbm>> -> memref<4096xf32, #tpu.memory_space<hbm>>
    tpu.enqueue_dma source(%dma_start3A_82 : memref<4096xf32, #tpu.memory_space<hbm>>) target(%arg22 : memref<4096xf32, #tpu.memory_space<vmem>>) target_semaphore(%arg28 : memref<!tpu.dma_semaphore, #tpu.memory_space<semaphore_mem>>)
    %add3A_83 = arith.constant 1048576 : i32
    %add3A_84 = arith.addi %add3A_83, %add3A_50 : i32
    %dma_start3A_85 = tpu.memref_slice %arg4[%add3A_84] : memref<1572864xf32, #tpu.memory_space<hbm>> -> memref<4096xf32, #tpu.memory_space<hbm>>
    %dma_start3A_86 = tpu.memref_slice %arg4[%add3A_84] : memref<1572864xf32, #tpu.memory_space<hbm>> -> memref<4096xf32, #tpu.memory_space<hbm>>
    tpu.enqueue_dma source(%dma_start3A_86 : memref<4096xf32, #tpu.memory_space<hbm>>) target(%arg25 : memref<4096xf32, #tpu.memory_space<vmem>>) target_semaphore(%arg28 : memref<!tpu.dma_semaphore, #tpu.memory_space<semaphore_mem>>)
    %dma_start3A_87 = tpu.memref_slice %arg5[%add3A_50] : memref<524288xi32, #tpu.memory_space<hbm>> -> memref<4096xi32, #tpu.memory_space<hbm>>
    %dma_start3A_88 = tpu.memref_slice %arg5[%add3A_50] : memref<524288xi32, #tpu.memory_space<hbm>> -> memref<4096xi32, #tpu.memory_space<hbm>>
    tpu.enqueue_dma source(%dma_start3A_88 : memref<4096xi32, #tpu.memory_space<hbm>>) target(%arg26 : memref<4096xi32, #tpu.memory_space<vmem>>) target_semaphore(%arg28 : memref<!tpu.dma_semaphore, #tpu.memory_space<semaphore_mem>>)
    %dma_wait3A = tpu.memref_slice %arg2[%add3A_9] : memref<1572864xf32, #tpu.memory_space<hbm>> -> memref<4096xf32, #tpu.memory_space<hbm>>
    %dma_wait3A_89 = tpu.memref_slice %arg2[%add3A_9] : memref<1572864xf32, #tpu.memory_space<hbm>> -> memref<4096xf32, #tpu.memory_space<hbm>>
    tpu.wait_dma2 semaphore(%arg27 : memref<!tpu.dma_semaphore, #tpu.memory_space<semaphore_mem>>) src(%dma_wait3A_89 : memref<4096xf32, #tpu.memory_space<hbm>>) dst(%arg7 : memref<4096xf32, #tpu.memory_space<vmem>>)
    %dma_wait3A_90 = tpu.memref_slice %arg3[%add3A_12] : memref<1572864xf32, #tpu.memory_space<hbm>> -> memref<4096xf32, #tpu.memory_space<hbm>>
    %dma_wait3A_91 = tpu.memref_slice %arg3[%add3A_12] : memref<1572864xf32, #tpu.memory_space<hbm>> -> memref<4096xf32, #tpu.memory_space<hbm>>
    tpu.wait_dma2 semaphore(%arg27 : memref<!tpu.dma_semaphore, #tpu.memory_space<semaphore_mem>>) src(%dma_wait3A_91 : memref<4096xf32, #tpu.memory_space<hbm>>) dst(%arg10 : memref<4096xf32, #tpu.memory_space<vmem>>)
    %dma_wait3A_92 = tpu.memref_slice %arg4[%add3A_16] : memref<1572864xf32, #tpu.memory_space<hbm>> -> memref<4096xf32, #tpu.memory_space<hbm>>
    %dma_wait3A_93 = tpu.memref_slice %arg4[%add3A_16] : memref<1572864xf32, #tpu.memory_space<hbm>> -> memref<4096xf32, #tpu.memory_space<hbm>>
    tpu.wait_dma2 semaphore(%arg27 : memref<!tpu.dma_semaphore, #tpu.memory_space<semaphore_mem>>) src(%dma_wait3A_93 : memref<4096xf32, #tpu.memory_space<hbm>>) dst(%arg13 : memref<4096xf32, #tpu.memory_space<vmem>>)
    %dma_wait3A_94 = tpu.memref_slice %arg2[%add3A_20] : memref<1572864xf32, #tpu.memory_space<hbm>> -> memref<4096xf32, #tpu.memory_space<hbm>>
    %dma_wait3A_95 = tpu.memref_slice %arg2[%add3A_20] : memref<1572864xf32, #tpu.memory_space<hbm>> -> memref<4096xf32, #tpu.memory_space<hbm>>
    tpu.wait_dma2 semaphore(%arg27 : memref<!tpu.dma_semaphore, #tpu.memory_space<semaphore_mem>>) src(%dma_wait3A_95 : memref<4096xf32, #tpu.memory_space<hbm>>) dst(%arg8 : memref<4096xf32, #tpu.memory_space<vmem>>)
    %dma_wait3A_96 = tpu.memref_slice %arg3[%add3A_24] : memref<1572864xf32, #tpu.memory_space<hbm>> -> memref<4096xf32, #tpu.memory_space<hbm>>
    %dma_wait3A_97 = tpu.memref_slice %arg3[%add3A_24] : memref<1572864xf32, #tpu.memory_space<hbm>> -> memref<4096xf32, #tpu.memory_space<hbm>>
    tpu.wait_dma2 semaphore(%arg27 : memref<!tpu.dma_semaphore, #tpu.memory_space<semaphore_mem>>) src(%dma_wait3A_97 : memref<4096xf32, #tpu.memory_space<hbm>>) dst(%arg11 : memref<4096xf32, #tpu.memory_space<vmem>>)
    %dma_wait3A_98 = tpu.memref_slice %arg4[%add3A_28] : memref<1572864xf32, #tpu.memory_space<hbm>> -> memref<4096xf32, #tpu.memory_space<hbm>>
    %dma_wait3A_99 = tpu.memref_slice %arg4[%add3A_28] : memref<1572864xf32, #tpu.memory_space<hbm>> -> memref<4096xf32, #tpu.memory_space<hbm>>
    tpu.wait_dma2 semaphore(%arg27 : memref<!tpu.dma_semaphore, #tpu.memory_space<semaphore_mem>>) src(%dma_wait3A_99 : memref<4096xf32, #tpu.memory_space<hbm>>) dst(%arg14 : memref<4096xf32, #tpu.memory_space<vmem>>)
    %dma_wait3A_100 = tpu.memref_slice %arg2[%add3A_32] : memref<1572864xf32, #tpu.memory_space<hbm>> -> memref<4096xf32, #tpu.memory_space<hbm>>
    %dma_wait3A_101 = tpu.memref_slice %arg2[%add3A_32] : memref<1572864xf32, #tpu.memory_space<hbm>> -> memref<4096xf32, #tpu.memory_space<hbm>>
    tpu.wait_dma2 semaphore(%arg27 : memref<!tpu.dma_semaphore, #tpu.memory_space<semaphore_mem>>) src(%dma_wait3A_101 : memref<4096xf32, #tpu.memory_space<hbm>>) dst(%arg9 : memref<4096xf32, #tpu.memory_space<vmem>>)
    %dma_wait3A_102 = tpu.memref_slice %arg3[%add3A_36] : memref<1572864xf32, #tpu.memory_space<hbm>> -> memref<4096xf32, #tpu.memory_space<hbm>>
    %dma_wait3A_103 = tpu.memref_slice %arg3[%add3A_36] : memref<1572864xf32, #tpu.memory_space<hbm>> -> memref<4096xf32, #tpu.memory_space<hbm>>
    tpu.wait_dma2 semaphore(%arg27 : memref<!tpu.dma_semaphore, #tpu.memory_space<semaphore_mem>>) src(%dma_wait3A_103 : memref<4096xf32, #tpu.memory_space<hbm>>) dst(%arg12 : memref<4096xf32, #tpu.memory_space<vmem>>)
    %dma_wait3A_104 = tpu.memref_slice %arg4[%add3A_40] : memref<1572864xf32, #tpu.memory_space<hbm>> -> memref<4096xf32, #tpu.memory_space<hbm>>
    %dma_wait3A_105 = tpu.memref_slice %arg4[%add3A_40] : memref<1572864xf32, #tpu.memory_space<hbm>> -> memref<4096xf32, #tpu.memory_space<hbm>>
    tpu.wait_dma2 semaphore(%arg27 : memref<!tpu.dma_semaphore, #tpu.memory_space<semaphore_mem>>) src(%dma_wait3A_105 : memref<4096xf32, #tpu.memory_space<hbm>>) dst(%arg15 : memref<4096xf32, #tpu.memory_space<vmem>>)
    %dma_wait3A_106 = tpu.memref_slice %arg5[%add3A_7] : memref<524288xi32, #tpu.memory_space<hbm>> -> memref<4096xi32, #tpu.memory_space<hbm>>
    %dma_wait3A_107 = tpu.memref_slice %arg5[%add3A_7] : memref<524288xi32, #tpu.memory_space<hbm>> -> memref<4096xi32, #tpu.memory_space<hbm>>
    tpu.wait_dma2 semaphore(%arg27 : memref<!tpu.dma_semaphore, #tpu.memory_space<semaphore_mem>>) src(%dma_wait3A_107 : memref<4096xi32, #tpu.memory_space<hbm>>) dst(%arg16 : memref<4096xi32, #tpu.memory_space<vmem>>)
    %get3A = arith.constant 0 : index
    %get3A_108 = tpu.vector_load %arg16[%get3A] {strides = array<i32>} : memref<4096xi32, #tpu.memory_space<vmem>>, vector<16xi32>,
    %slice3A = vector.extract_strided_slice %get3A_108 {offsets = [0], sizes = [1], strides = [1]} : vector<16xi32> to vector<1xi32>
    %squeeze3A = vector.extract %slice3A[0] : i32 from vector<1xi32>
    %and3A = arith.constant 16383 : i32
    %and3A_109 = arith.andi %squeeze3A, %and3A : i32
    %parallel_loop3A_110 = arith.constant 0 : i32
    %parallel_loop3A_111 = arith.constant 4096 : i32
    %parallel_loop3A_112 = arith.constant 16 : i32
    %parallel_loop3A_113:7 = scf.for %parallel_loop3A_352 = %parallel_loop3A_110 to %parallel_loop3A_111 step %parallel_loop3A_112 iter_args(%parallel_loop3A_353 = %broadcast_in_dim3A_46, %parallel_loop3A_354 = %broadcast_in_dim3A_48, %parallel_loop3A_355 = %broadcast_in_dim3A_3, %parallel_loop3A_356 = %broadcast_in_dim3A_3, %parallel_loop3A_357 = %broadcast_in_dim3A_3, %parallel_loop3A_358 = %broadcast_in_dim3A_3, %parallel_loop3A_359 = %broadcast_in_dim3A_3) -> (vector<16xf32>, vector<16xi32>, vector<16xf32>, vector<16xf32>, vector<16xf32>, vector<16xf32>, vector<16xf32>)  : i32 {
      %parallel_loop3A_360 = arith.index_cast %parallel_loop3A_352 : i32 to index
      %parallel_loop3A_361 = tpu.vector_load %arg7[%parallel_loop3A_360] {strides = array<i32>} : memref<4096xf32, #tpu.memory_space<vmem>>, vector<16xf32>,
      %parallel_loop3A_362 = arith.index_cast %parallel_loop3A_352 : i32 to index
      %parallel_loop3A_363 = tpu.vector_load %arg13[%parallel_loop3A_362] {strides = array<i32>} : memref<4096xf32, #tpu.memory_space<vmem>>, vector<16xf32>,
      %parallel_loop3A_364 = arith.subf %parallel_loop3A_361, %parallel_loop3A_363 : vector<16xf32>
      %parallel_loop3A_365 = arith.index_cast %parallel_loop3A_352 : i32 to index
      %parallel_loop3A_366 = tpu.vector_load %arg10[%parallel_loop3A_365] {strides = array<i32>} : memref<4096xf32, #tpu.memory_space<vmem>>, vector<16xf32>,
      %parallel_loop3A_367 = arith.addf %parallel_loop3A_364, %parallel_loop3A_366 : vector<16xf32>
      %parallel_loop3A_368 = arith.index_cast %parallel_loop3A_352 : i32 to index
      %parallel_loop3A_369 = tpu.vector_load %arg8[%parallel_loop3A_368] {strides = array<i32>} : memref<4096xf32, #tpu.memory_space<vmem>>, vector<16xf32>,
      %parallel_loop3A_370 = arith.index_cast %parallel_loop3A_352 : i32 to index
      %parallel_loop3A_371 = tpu.vector_load %arg14[%parallel_loop3A_370] {strides = array<i32>} : memref<4096xf32, #tpu.memory_space<vmem>>, vector<16xf32>,
      %parallel_loop3A_372 = arith.subf %parallel_loop3A_369, %parallel_loop3A_371 : vector<16xf32>
      %parallel_loop3A_373 = arith.index_cast %parallel_loop3A_352 : i32 to index
      %parallel_loop3A_374 = tpu.vector_load %arg11[%parallel_loop3A_373] {strides = array<i32>} : memref<4096xf32, #tpu.memory_space<vmem>>, vector<16xf32>,
      %parallel_loop3A_375 = arith.addf %parallel_loop3A_372, %parallel_loop3A_374 : vector<16xf32>
      %parallel_loop3A_376 = arith.index_cast %parallel_loop3A_352 : i32 to index
      %parallel_loop3A_377 = tpu.vector_load %arg9[%parallel_loop3A_376] {strides = array<i32>} : memref<4096xf32, #tpu.memory_space<vmem>>, vector<16xf32>,
      %parallel_loop3A_378 = arith.index_cast %parallel_loop3A_352 : i32 to index
      %parallel_loop3A_379 = tpu.vector_load %arg15[%parallel_loop3A_378] {strides = array<i32>} : memref<4096xf32, #tpu.memory_space<vmem>>, vector<16xf32>,
      %parallel_loop3A_380 = arith.subf %parallel_loop3A_377, %parallel_loop3A_379 : vector<16xf32>
      %parallel_loop3A_381 = arith.index_cast %parallel_loop3A_352 : i32 to index
      %parallel_loop3A_382 = tpu.vector_load %arg12[%parallel_loop3A_381] {strides = array<i32>} : memref<4096xf32, #tpu.memory_space<vmem>>, vector<16xf32>,
      %parallel_loop3A_383 = arith.addf %parallel_loop3A_380, %parallel_loop3A_382 : vector<16xf32>
      %parallel_loop3A_384 = arith.index_cast %parallel_loop3A_352 : i32 to index
      %parallel_loop3A_385 = tpu.vector_load %arg16[%parallel_loop3A_384] {strides = array<i32>} : memref<4096xi32, #tpu.memory_space<vmem>>, vector<16xi32>,
      %parallel_loop3A_386 = arith.constant 16383 : i32
      %parallel_loop3A_387 = vector.broadcast %parallel_loop3A_386 : i32 to vector<16xi32>
      %parallel_loop3A_388 = arith.andi %parallel_loop3A_385, %parallel_loop3A_387 : vector<16xi32>
      %parallel_loop3A_389 = arith.constant 30 : i32
      %parallel_loop3A_390 = vector.broadcast %parallel_loop3A_389 : i32 to vector<16xi32>
      %parallel_loop3A_391 = arith.shrsi %parallel_loop3A_385, %parallel_loop3A_390 : vector<16xi32>
      %parallel_loop3A_392 = arith.sitofp %parallel_loop3A_391 : vector<16xi32> to vector<16xf32>
      %parallel_loop3A_393 = arith.constant 1.000000e+00 : f32
      %parallel_loop3A_394 = vector.broadcast %parallel_loop3A_393 : f32 to vector<16xf32>
      %parallel_loop3A_395 = arith.subf %parallel_loop3A_394, %parallel_loop3A_392 : vector<16xf32>
      %parallel_loop3A_396 = arith.mulf %parallel_loop3A_395, %parallel_loop3A_367 : vector<16xf32>
      %parallel_loop3A_397 = arith.mulf %parallel_loop3A_395, %parallel_loop3A_375 : vector<16xf32>
      %parallel_loop3A_398 = arith.mulf %parallel_loop3A_395, %parallel_loop3A_383 : vector<16xf32>
      %parallel_loop3A_399 = arith.mulf %parallel_loop3A_396, %parallel_loop3A_367 : vector<16xf32>
      %parallel_loop3A_400 = arith.addf %parallel_loop3A_353, %parallel_loop3A_399 : vector<16xf32>
      %parallel_loop3A_401 = arith.mulf %parallel_loop3A_397, %parallel_loop3A_375 : vector<16xf32>
      %parallel_loop3A_402 = arith.addf %parallel_loop3A_400, %parallel_loop3A_401 : vector<16xf32>
      %parallel_loop3A_403 = arith.mulf %parallel_loop3A_398, %parallel_loop3A_383 : vector<16xf32>
      %parallel_loop3A_404 = arith.addf %parallel_loop3A_402, %parallel_loop3A_403 : vector<16xf32>
      %parallel_loop3A_405 = arith.cmpi eq, %parallel_loop3A_388, %parallel_loop3A_354 : vector<16xi32>
      %parallel_loop3A_406 = arith.constant dense<true> : vector<16xi1>
      %parallel_loop3A_407 = arith.xori %parallel_loop3A_405, %parallel_loop3A_406 : vector<16xi1>
      %parallel_loop3A_408 = arith.constant 0 : i32
      %parallel_loop3A_409 = vector.broadcast %parallel_loop3A_408 : i32 to vector<16xi32>
      %parallel_loop3A_410 = arith.cmpi sge, %parallel_loop3A_354, %parallel_loop3A_409 : vector<16xi32>
      %parallel_loop3A_411 = arith.andi %parallel_loop3A_407, %parallel_loop3A_410 : vector<16xi1>
      %parallel_loop3A_412 = arith.constant 0 : i32
      %parallel_loop3A_413 = vector.broadcast %parallel_loop3A_412 : i32 to vector<16xi32>
      %parallel_loop3A_414 = arith.maxsi %parallel_loop3A_354, %parallel_loop3A_413 : vector<16xi32>
      tpu.vector_store_idx %arg29[%parallel_loop3A_414], %parallel_loop3A_355 masked %parallel_loop3A_411 {add = true} : memref<40960xf32, #tpu.memory_space<vmem>>[vector<16xi32>], vector<16xf32>, vector<16xi1>
      %parallel_loop3A_415 = arith.constant 8192 : i32
      %parallel_loop3A_416 = vector.broadcast %parallel_loop3A_415 : i32 to vector<16xi32>
      %parallel_loop3A_417 = arith.addi %parallel_loop3A_416, %parallel_loop3A_414 : vector<16xi32>
      tpu.vector_store_idx %arg29[%parallel_loop3A_417], %parallel_loop3A_356 masked %parallel_loop3A_411 {add = true} : memref<40960xf32, #tpu.memory_space<vmem>>[vector<16xi32>], vector<16xf32>, vector<16xi1>
      %parallel_loop3A_418 = arith.constant 16384 : i32
      %parallel_loop3A_419 = vector.broadcast %parallel_loop3A_418 : i32 to vector<16xi32>
      %parallel_loop3A_420 = arith.addi %parallel_loop3A_419, %parallel_loop3A_414 : vector<16xi32>
      tpu.vector_store_idx %arg29[%parallel_loop3A_420], %parallel_loop3A_357 masked %parallel_loop3A_411 {add = true} : memref<40960xf32, #tpu.memory_space<vmem>>[vector<16xi32>], vector<16xf32>, vector<16xi1>
      %parallel_loop3A_421 = arith.constant 24576 : i32
      %parallel_loop3A_422 = vector.broadcast %parallel_loop3A_421 : i32 to vector<16xi32>
      %parallel_loop3A_423 = arith.addi %parallel_loop3A_422, %parallel_loop3A_414 : vector<16xi32>
      tpu.vector_store_idx %arg29[%parallel_loop3A_423], %parallel_loop3A_358 masked %parallel_loop3A_411 {add = true} : memref<40960xf32, #tpu.memory_space<vmem>>[vector<16xi32>], vector<16xf32>, vector<16xi1>
      %parallel_loop3A_424 = arith.constant 32768 : i32
      %parallel_loop3A_425 = vector.broadcast %parallel_loop3A_424 : i32 to vector<16xi32>
      %parallel_loop3A_426 = arith.addi %parallel_loop3A_425, %parallel_loop3A_414 : vector<16xi32>
      tpu.vector_store_idx %arg29[%parallel_loop3A_426], %parallel_loop3A_359 masked %parallel_loop3A_411 {add = true} : memref<40960xf32, #tpu.memory_space<vmem>>[vector<16xi32>], vector<16xf32>, vector<16xi1>
      %parallel_loop3A_427 = arith.addf %parallel_loop3A_355, %parallel_loop3A_396 : vector<16xf32>
      %parallel_loop3A_428 = arith.select %parallel_loop3A_405, %parallel_loop3A_427, %parallel_loop3A_396 : vector<16xi1>, vector<16xf32>
      %parallel_loop3A_429 = arith.addf %parallel_loop3A_356, %parallel_loop3A_397 : vector<16xf32>
      %parallel_loop3A_430 = arith.select %parallel_loop3A_405, %parallel_loop3A_429, %parallel_loop3A_397 : vector<16xi1>, vector<16xf32>
      %parallel_loop3A_431 = arith.addf %parallel_loop3A_357, %parallel_loop3A_398 : vector<16xf32>
      %parallel_loop3A_432 = arith.select %parallel_loop3A_405, %parallel_loop3A_431, %parallel_loop3A_398 : vector<16xi1>, vector<16xf32>
      %parallel_loop3A_433 = arith.addf %parallel_loop3A_358, %parallel_loop3A_395 : vector<16xf32>
      %parallel_loop3A_434 = arith.select %parallel_loop3A_405, %parallel_loop3A_433, %parallel_loop3A_395 : vector<16xi1>, vector<16xf32>
      %parallel_loop3A_435 = arith.constant 1.000000e+00 : f32
      %parallel_loop3A_436 = vector.broadcast %parallel_loop3A_435 : f32 to vector<16xf32>
      %parallel_loop3A_437 = arith.subf %parallel_loop3A_436, %parallel_loop3A_395 : vector<16xf32>
      %parallel_loop3A_438 = arith.addf %parallel_loop3A_359, %parallel_loop3A_437 : vector<16xf32>
      %parallel_loop3A_439 = arith.constant 1.000000e+00 : f32
      %parallel_loop3A_440 = vector.broadcast %parallel_loop3A_439 : f32 to vector<16xf32>
      %parallel_loop3A_441 = arith.subf %parallel_loop3A_440, %parallel_loop3A_395 : vector<16xf32>
      %parallel_loop3A_442 = arith.select %parallel_loop3A_405, %parallel_loop3A_438, %parallel_loop3A_441 : vector<16xi1>, vector<16xf32>
      scf.yield %parallel_loop3A_404, %parallel_loop3A_388, %parallel_loop3A_428, %parallel_loop3A_430, %parallel_loop3A_432, %parallel_loop3A_434, %parallel_loop3A_442 : vector<16xf32>, vector<16xi32>, vector<16xf32>, vector<16xf32>, vector<16xf32>, vector<16xf32>, vector<16xf32>
    } {sc.loop_unroll_factor = 4 : i64, sc.parallel_access}
    %add3A_114 = arith.constant 8192 : i32
    %add3A_115 = arith.addi %mul3A_2, %add3A_114 : i32
    %add3A_116 = arith.constant 0 : i32
    %add3A_117 = arith.addi %add3A_116, %add3A_115 : i32
    %dma_start3A_118 = tpu.memref_slice %arg2[%add3A_117] : memref<1572864xf32, #tpu.memory_space<hbm>> -> memref<4096xf32, #tpu.memory_space<hbm>>
    %dma_start3A_119 = tpu.memref_slice %arg2[%add3A_117] : memref<1572864xf32, #tpu.memory_space<hbm>> -> memref<4096xf32, #tpu.memory_space<hbm>>
    tpu.enqueue_dma source(%dma_start3A_119 : memref<4096xf32, #tpu.memory_space<hbm>>) target(%arg7 : memref<4096xf32, #tpu.memory_space<vmem>>) target_semaphore(%arg27 : memref<!tpu.dma_semaphore, #tpu.memory_space<semaphore_mem>>)
    %add3A_120 = arith.constant 0 : i32
    %add3A_121 = arith.addi %add3A_120, %add3A_115 : i32
    %dma_start3A_122 = tpu.memref_slice %arg3[%add3A_121] : memref<1572864xf32, #tpu.memory_space<hbm>> -> memref<4096xf32, #tpu.memory_space<hbm>>
    %dma_start3A_123 = tpu.memref_slice %arg3[%add3A_121] : memref<1572864xf32, #tpu.memory_space<hbm>> -> memref<4096xf32, #tpu.memory_space<hbm>>
    tpu.enqueue_dma source(%dma_start3A_123 : memref<4096xf32, #tpu.memory_space<hbm>>) target(%arg10 : memref<4096xf32, #tpu.memory_space<vmem>>) target_semaphore(%arg27 : memref<!tpu.dma_semaphore, #tpu.memory_space<semaphore_mem>>)
    %add3A_124 = arith.constant 0 : i32
    %add3A_125 = arith.addi %add3A_124, %add3A_115 : i32
    %dma_start3A_126 = tpu.memref_slice %arg4[%add3A_125] : memref<1572864xf32, #tpu.memory_space<hbm>> -> memref<4096xf32, #tpu.memory_space<hbm>>
    %dma_start3A_127 = tpu.memref_slice %arg4[%add3A_125] : memref<1572864xf32, #tpu.memory_space<hbm>> -> memref<4096xf32, #tpu.memory_space<hbm>>
    tpu.enqueue_dma source(%dma_start3A_127 : memref<4096xf32, #tpu.memory_space<hbm>>) target(%arg13 : memref<4096xf32, #tpu.memory_space<vmem>>) target_semaphore(%arg27 : memref<!tpu.dma_semaphore, #tpu.memory_space<semaphore_mem>>)
    %add3A_128 = arith.constant 524288 : i32
    %add3A_129 = arith.addi %add3A_128, %add3A_115 : i32
    %dma_start3A_130 = tpu.memref_slice %arg2[%add3A_129] : memref<1572864xf32, #tpu.memory_space<hbm>> -> memref<4096xf32, #tpu.memory_space<hbm>>
    %dma_start3A_131 = tpu.memref_slice %arg2[%add3A_129] : memref<1572864xf32, #tpu.memory_space<hbm>> -> memref<4096xf32, #tpu.memory_space<hbm>>
    tpu.enqueue_dma source(%dma_start3A_131 : memref<4096xf32, #tpu.memory_space<hbm>>) target(%arg8 : memref<4096xf32, #tpu.memory_space<vmem>>) target_semaphore(%arg27 : memref<!tpu.dma_semaphore, #tpu.memory_space<semaphore_mem>>)
    %add3A_132 = arith.constant 524288 : i32
    %add3A_133 = arith.addi %add3A_132, %add3A_115 : i32
    %dma_start3A_134 = tpu.memref_slice %arg3[%add3A_133] : memref<1572864xf32, #tpu.memory_space<hbm>> -> memref<4096xf32, #tpu.memory_space<hbm>>
    %dma_start3A_135 = tpu.memref_slice %arg3[%add3A_133] : memref<1572864xf32, #tpu.memory_space<hbm>> -> memref<4096xf32, #tpu.memory_space<hbm>>
    tpu.enqueue_dma source(%dma_start3A_135 : memref<4096xf32, #tpu.memory_space<hbm>>) target(%arg11 : memref<4096xf32, #tpu.memory_space<vmem>>) target_semaphore(%arg27 : memref<!tpu.dma_semaphore, #tpu.memory_space<semaphore_mem>>)
    %add3A_136 = arith.constant 524288 : i32
    %add3A_137 = arith.addi %add3A_136, %add3A_115 : i32
    %dma_start3A_138 = tpu.memref_slice %arg4[%add3A_137] : memref<1572864xf32, #tpu.memory_space<hbm>> -> memref<4096xf32, #tpu.memory_space<hbm>>
    %dma_start3A_139 = tpu.memref_slice %arg4[%add3A_137] : memref<1572864xf32, #tpu.memory_space<hbm>> -> memref<4096xf32, #tpu.memory_space<hbm>>
    tpu.enqueue_dma source(%dma_start3A_139 : memref<4096xf32, #tpu.memory_space<hbm>>) target(%arg14 : memref<4096xf32, #tpu.memory_space<vmem>>) target_semaphore(%arg27 : memref<!tpu.dma_semaphore, #tpu.memory_space<semaphore_mem>>)
    %add3A_140 = arith.constant 1048576 : i32
    %add3A_141 = arith.addi %add3A_140, %add3A_115 : i32
    %dma_start3A_142 = tpu.memref_slice %arg2[%add3A_141] : memref<1572864xf32, #tpu.memory_space<hbm>> -> memref<4096xf32, #tpu.memory_space<hbm>>
    %dma_start3A_143 = tpu.memref_slice %arg2[%add3A_141] : memref<1572864xf32, #tpu.memory_space<hbm>> -> memref<4096xf32, #tpu.memory_space<hbm>>
    tpu.enqueue_dma source(%dma_start3A_143 : memref<4096xf32, #tpu.memory_space<hbm>>) target(%arg9 : memref<4096xf32, #tpu.memory_space<vmem>>) target_semaphore(%arg27 : memref<!tpu.dma_semaphore, #tpu.memory_space<semaphore_mem>>)
    %add3A_144 = arith.constant 1048576 : i32
    %add3A_145 = arith.addi %add3A_144, %add3A_115 : i32
    %dma_start3A_146 = tpu.memref_slice %arg3[%add3A_145] : memref<1572864xf32, #tpu.memory_space<hbm>> -> memref<4096xf32, #tpu.memory_space<hbm>>
    %dma_start3A_147 = tpu.memref_slice %arg3[%add3A_145] : memref<1572864xf32, #tpu.memory_space<hbm>> -> memref<4096xf32, #tpu.memory_space<hbm>>
    tpu.enqueue_dma source(%dma_start3A_147 : memref<4096xf32, #tpu.memory_space<hbm>>) target(%arg12 : memref<4096xf32, #tpu.memory_space<vmem>>) target_semaphore(%arg27 : memref<!tpu.dma_semaphore, #tpu.memory_space<semaphore_mem>>)
    %add3A_148 = arith.constant 1048576 : i32
    %add3A_149 = arith.addi %add3A_148, %add3A_115 : i32
    %dma_start3A_150 = tpu.memref_slice %arg4[%add3A_149] : memref<1572864xf32, #tpu.memory_space<hbm>> -> memref<4096xf32, #tpu.memory_space<hbm>>
    %dma_start3A_151 = tpu.memref_slice %arg4[%add3A_149] : memref<1572864xf32, #tpu.memory_space<hbm>> -> memref<4096xf32, #tpu.memory_space<hbm>>
    tpu.enqueue_dma source(%dma_start3A_151 : memref<4096xf32, #tpu.memory_space<hbm>>) target(%arg15 : memref<4096xf32, #tpu.memory_space<vmem>>) target_semaphore(%arg27 : memref<!tpu.dma_semaphore, #tpu.memory_space<semaphore_mem>>)
    %dma_start3A_152 = tpu.memref_slice %arg5[%add3A_115] : memref<524288xi32, #tpu.memory_space<hbm>> -> memref<4096xi32, #tpu.memory_space<hbm>>
    %dma_start3A_153 = tpu.memref_slice %arg5[%add3A_115] : memref<524288xi32, #tpu.memory_space<hbm>> -> memref<4096xi32, #tpu.memory_space<hbm>>
    tpu.enqueue_dma source(%dma_start3A_153 : memref<4096xi32, #tpu.memory_space<hbm>>) target(%arg16 : memref<4096xi32, #tpu.memory_space<vmem>>) target_semaphore(%arg27 : memref<!tpu.dma_semaphore, #tpu.memory_space<semaphore_mem>>)
    %dma_wait3A_154 = tpu.memref_slice %arg2[%add3A_52] : memref<1572864xf32, #tpu.memory_space<hbm>> -> memref<4096xf32, #tpu.memory_space<hbm>>
    %dma_wait3A_155 = tpu.memref_slice %arg2[%add3A_52] : memref<1572864xf32, #tpu.memory_space<hbm>> -> memref<4096xf32, #tpu.memory_space<hbm>>
    tpu.wait_dma2 semaphore(%arg28 : memref<!tpu.dma_semaphore, #tpu.memory_space<semaphore_mem>>) src(%dma_wait3A_155 : memref<4096xf32, #tpu.memory_space<hbm>>) dst(%arg17 : memref<4096xf32, #tpu.memory_space<vmem>>)
    %dma_wait3A_156 = tpu.memref_slice %arg3[%add3A_56] : memref<1572864xf32, #tpu.memory_space<hbm>> -> memref<4096xf32, #tpu.memory_space<hbm>>
    %dma_wait3A_157 = tpu.memref_slice %arg3[%add3A_56] : memref<1572864xf32, #tpu.memory_space<hbm>> -> memref<4096xf32, #tpu.memory_space<hbm>>
    tpu.wait_dma2 semaphore(%arg28 : memref<!tpu.dma_semaphore, #tpu.memory_space<semaphore_mem>>) src(%dma_wait3A_157 : memref<4096xf32, #tpu.memory_space<hbm>>) dst(%arg20 : memref<4096xf32, #tpu.memory_space<vmem>>)
    %dma_wait3A_158 = tpu.memref_slice %arg4[%add3A_60] : memref<1572864xf32, #tpu.memory_space<hbm>> -> memref<4096xf32, #tpu.memory_space<hbm>>
    %dma_wait3A_159 = tpu.memref_slice %arg4[%add3A_60] : memref<1572864xf32, #tpu.memory_space<hbm>> -> memref<4096xf32, #tpu.memory_space<hbm>>
    tpu.wait_dma2 semaphore(%arg28 : memref<!tpu.dma_semaphore, #tpu.memory_space<semaphore_mem>>) src(%dma_wait3A_159 : memref<4096xf32, #tpu.memory_space<hbm>>) dst(%arg23 : memref<4096xf32, #tpu.memory_space<vmem>>)
    %dma_wait3A_160 = tpu.memref_slice %arg2[%add3A_64] : memref<1572864xf32, #tpu.memory_space<hbm>> -> memref<4096xf32, #tpu.memory_space<hbm>>
    %dma_wait3A_161 = tpu.memref_slice %arg2[%add3A_64] : memref<1572864xf32, #tpu.memory_space<hbm>> -> memref<4096xf32, #tpu.memory_space<hbm>>
    tpu.wait_dma2 semaphore(%arg28 : memref<!tpu.dma_semaphore, #tpu.memory_space<semaphore_mem>>) src(%dma_wait3A_161 : memref<4096xf32, #tpu.memory_space<hbm>>) dst(%arg18 : memref<4096xf32, #tpu.memory_space<vmem>>)
    %dma_wait3A_162 = tpu.memref_slice %arg3[%add3A_68] : memref<1572864xf32, #tpu.memory_space<hbm>> -> memref<4096xf32, #tpu.memory_space<hbm>>
    %dma_wait3A_163 = tpu.memref_slice %arg3[%add3A_68] : memref<1572864xf32, #tpu.memory_space<hbm>> -> memref<4096xf32, #tpu.memory_space<hbm>>
    tpu.wait_dma2 semaphore(%arg28 : memref<!tpu.dma_semaphore, #tpu.memory_space<semaphore_mem>>) src(%dma_wait3A_163 : memref<4096xf32, #tpu.memory_space<hbm>>) dst(%arg21 : memref<4096xf32, #tpu.memory_space<vmem>>)
    %dma_wait3A_164 = tpu.memref_slice %arg4[%add3A_72] : memref<1572864xf32, #tpu.memory_space<hbm>> -> memref<4096xf32, #tpu.memory_space<hbm>>
    %dma_wait3A_165 = tpu.memref_slice %arg4[%add3A_72] : memref<1572864xf32, #tpu.memory_space<hbm>> -> memref<4096xf32, #tpu.memory_space<hbm>>
    tpu.wait_dma2 semaphore(%arg28 : memref<!tpu.dma_semaphore, #tpu.memory_space<semaphore_mem>>) src(%dma_wait3A_165 : memref<4096xf32, #tpu.memory_space<hbm>>) dst(%arg24 : memref<4096xf32, #tpu.memory_space<vmem>>)
    %dma_wait3A_166 = tpu.memref_slice %arg2[%add3A_76] : memref<1572864xf32, #tpu.memory_space<hbm>> -> memref<4096xf32, #tpu.memory_space<hbm>>
    %dma_wait3A_167 = tpu.memref_slice %arg2[%add3A_76] : memref<1572864xf32, #tpu.memory_space<hbm>> -> memref<4096xf32, #tpu.memory_space<hbm>>
    tpu.wait_dma2 semaphore(%arg28 : memref<!tpu.dma_semaphore, #tpu.memory_space<semaphore_mem>>) src(%dma_wait3A_167 : memref<4096xf32, #tpu.memory_space<hbm>>) dst(%arg19 : memref<4096xf32, #tpu.memory_space<vmem>>)
    %dma_wait3A_168 = tpu.memref_slice %arg3[%add3A_80] : memref<1572864xf32, #tpu.memory_space<hbm>> -> memref<4096xf32, #tpu.memory_space<hbm>>
    %dma_wait3A_169 = tpu.memref_slice %arg3[%add3A_80] : memref<1572864xf32, #tpu.memory_space<hbm>> -> memref<4096xf32, #tpu.memory_space<hbm>>
    tpu.wait_dma2 semaphore(%arg28 : memref<!tpu.dma_semaphore, #tpu.memory_space<semaphore_mem>>) src(%dma_wait3A_169 : memref<4096xf32, #tpu.memory_space<hbm>>) dst(%arg22 : memref<4096xf32, #tpu.memory_space<vmem>>)
    %dma_wait3A_170 = tpu.memref_slice %arg4[%add3A_84] : memref<1572864xf32, #tpu.memory_space<hbm>> -> memref<4096xf32, #tpu.memory_space<hbm>>
    %dma_wait3A_171 = tpu.memref_slice %arg4[%add3A_84] : memref<1572864xf32, #tpu.memory_space<hbm>> -> memref<4096xf32, #tpu.memory_space<hbm>>
    tpu.wait_dma2 semaphore(%arg28 : memref<!tpu.dma_semaphore, #tpu.memory_space<semaphore_mem>>) src(%dma_wait3A_171 : memref<4096xf32, #tpu.memory_space<hbm>>) dst(%arg25 : memref<4096xf32, #tpu.memory_space<vmem>>)
    %dma_wait3A_172 = tpu.memref_slice %arg5[%add3A_50] : memref<524288xi32, #tpu.memory_space<hbm>> -> memref<4096xi32, #tpu.memory_space<hbm>>
    %dma_wait3A_173 = tpu.memref_slice %arg5[%add3A_50] : memref<524288xi32, #tpu.memory_space<hbm>> -> memref<4096xi32, #tpu.memory_space<hbm>>
    tpu.wait_dma2 semaphore(%arg28 : memref<!tpu.dma_semaphore, #tpu.memory_space<semaphore_mem>>) src(%dma_wait3A_173 : memref<4096xi32, #tpu.memory_space<hbm>>) dst(%arg26 : memref<4096xi32, #tpu.memory_space<vmem>>)
    %parallel_loop3A_174 = arith.constant 0 : i32
    %parallel_loop3A_175 = arith.constant 4096 : i32
    %parallel_loop3A_176 = arith.constant 16 : i32
    %parallel_loop3A_177:7 = scf.for %parallel_loop3A_352 = %parallel_loop3A_174 to %parallel_loop3A_175 step %parallel_loop3A_176 iter_args(%parallel_loop3A_353 = %parallel_loop3A_113#0, %parallel_loop3A_354 = %parallel_loop3A_113#1, %parallel_loop3A_355 = %parallel_loop3A_113#2, %parallel_loop3A_356 = %parallel_loop3A_113#3, %parallel_loop3A_357 = %parallel_loop3A_113#4, %parallel_loop3A_358 = %parallel_loop3A_113#5, %parallel_loop3A_359 = %parallel_loop3A_113#6) -> (vector<16xf32>, vector<16xi32>, vector<16xf32>, vector<16xf32>, vector<16xf32>, vector<16xf32>, vector<16xf32>)  : i32 {
      %parallel_loop3A_360 = arith.index_cast %parallel_loop3A_352 : i32 to index
      %parallel_loop3A_361 = tpu.vector_load %arg17[%parallel_loop3A_360] {strides = array<i32>} : memref<4096xf32, #tpu.memory_space<vmem>>, vector<16xf32>,
      %parallel_loop3A_362 = arith.index_cast %parallel_loop3A_352 : i32 to index
      %parallel_loop3A_363 = tpu.vector_load %arg23[%parallel_loop3A_362] {strides = array<i32>} : memref<4096xf32, #tpu.memory_space<vmem>>, vector<16xf32>,
      %parallel_loop3A_364 = arith.subf %parallel_loop3A_361, %parallel_loop3A_363 : vector<16xf32>
      %parallel_loop3A_365 = arith.index_cast %parallel_loop3A_352 : i32 to index
      %parallel_loop3A_366 = tpu.vector_load %arg20[%parallel_loop3A_365] {strides = array<i32>} : memref<4096xf32, #tpu.memory_space<vmem>>, vector<16xf32>,
      %parallel_loop3A_367 = arith.addf %parallel_loop3A_364, %parallel_loop3A_366 : vector<16xf32>
      %parallel_loop3A_368 = arith.index_cast %parallel_loop3A_352 : i32 to index
      %parallel_loop3A_369 = tpu.vector_load %arg18[%parallel_loop3A_368] {strides = array<i32>} : memref<4096xf32, #tpu.memory_space<vmem>>, vector<16xf32>,
      %parallel_loop3A_370 = arith.index_cast %parallel_loop3A_352 : i32 to index
      %parallel_loop3A_371 = tpu.vector_load %arg24[%parallel_loop3A_370] {strides = array<i32>} : memref<4096xf32, #tpu.memory_space<vmem>>, vector<16xf32>,
      %parallel_loop3A_372 = arith.subf %parallel_loop3A_369, %parallel_loop3A_371 : vector<16xf32>
      %parallel_loop3A_373 = arith.index_cast %parallel_loop3A_352 : i32 to index
      %parallel_loop3A_374 = tpu.vector_load %arg21[%parallel_loop3A_373] {strides = array<i32>} : memref<4096xf32, #tpu.memory_space<vmem>>, vector<16xf32>,
      %parallel_loop3A_375 = arith.addf %parallel_loop3A_372, %parallel_loop3A_374 : vector<16xf32>
      %parallel_loop3A_376 = arith.index_cast %parallel_loop3A_352 : i32 to index
      %parallel_loop3A_377 = tpu.vector_load %arg19[%parallel_loop3A_376] {strides = array<i32>} : memref<4096xf32, #tpu.memory_space<vmem>>, vector<16xf32>,
      %parallel_loop3A_378 = arith.index_cast %parallel_loop3A_352 : i32 to index
      %parallel_loop3A_379 = tpu.vector_load %arg25[%parallel_loop3A_378] {strides = array<i32>} : memref<4096xf32, #tpu.memory_space<vmem>>, vector<16xf32>,
      %parallel_loop3A_380 = arith.subf %parallel_loop3A_377, %parallel_loop3A_379 : vector<16xf32>
      %parallel_loop3A_381 = arith.index_cast %parallel_loop3A_352 : i32 to index
      %parallel_loop3A_382 = tpu.vector_load %arg22[%parallel_loop3A_381] {strides = array<i32>} : memref<4096xf32, #tpu.memory_space<vmem>>, vector<16xf32>,
      %parallel_loop3A_383 = arith.addf %parallel_loop3A_380, %parallel_loop3A_382 : vector<16xf32>
      %parallel_loop3A_384 = arith.index_cast %parallel_loop3A_352 : i32 to index
      %parallel_loop3A_385 = tpu.vector_load %arg26[%parallel_loop3A_384] {strides = array<i32>} : memref<4096xi32, #tpu.memory_space<vmem>>, vector<16xi32>,
      %parallel_loop3A_386 = arith.constant 16383 : i32
      %parallel_loop3A_387 = vector.broadcast %parallel_loop3A_386 : i32 to vector<16xi32>
      %parallel_loop3A_388 = arith.andi %parallel_loop3A_385, %parallel_loop3A_387 : vector<16xi32>
      %parallel_loop3A_389 = arith.constant 30 : i32
      %parallel_loop3A_390 = vector.broadcast %parallel_loop3A_389 : i32 to vector<16xi32>
      %parallel_loop3A_391 = arith.shrsi %parallel_loop3A_385, %parallel_loop3A_390 : vector<16xi32>
      %parallel_loop3A_392 = arith.sitofp %parallel_loop3A_391 : vector<16xi32> to vector<16xf32>
      %parallel_loop3A_393 = arith.constant 1.000000e+00 : f32
      %parallel_loop3A_394 = vector.broadcast %parallel_loop3A_393 : f32 to vector<16xf32>
      %parallel_loop3A_395 = arith.subf %parallel_loop3A_394, %parallel_loop3A_392 : vector<16xf32>
      %parallel_loop3A_396 = arith.mulf %parallel_loop3A_395, %parallel_loop3A_367 : vector<16xf32>
      %parallel_loop3A_397 = arith.mulf %parallel_loop3A_395, %parallel_loop3A_375 : vector<16xf32>
      %parallel_loop3A_398 = arith.mulf %parallel_loop3A_395, %parallel_loop3A_383 : vector<16xf32>
      %parallel_loop3A_399 = arith.mulf %parallel_loop3A_396, %parallel_loop3A_367 : vector<16xf32>
      %parallel_loop3A_400 = arith.addf %parallel_loop3A_353, %parallel_loop3A_399 : vector<16xf32>
      %parallel_loop3A_401 = arith.mulf %parallel_loop3A_397, %parallel_loop3A_375 : vector<16xf32>
      %parallel_loop3A_402 = arith.addf %parallel_loop3A_400, %parallel_loop3A_401 : vector<16xf32>
      %parallel_loop3A_403 = arith.mulf %parallel_loop3A_398, %parallel_loop3A_383 : vector<16xf32>
      %parallel_loop3A_404 = arith.addf %parallel_loop3A_402, %parallel_loop3A_403 : vector<16xf32>
      %parallel_loop3A_405 = arith.cmpi eq, %parallel_loop3A_388, %parallel_loop3A_354 : vector<16xi32>
      %parallel_loop3A_406 = arith.constant dense<true> : vector<16xi1>
      %parallel_loop3A_407 = arith.xori %parallel_loop3A_405, %parallel_loop3A_406 : vector<16xi1>
      %parallel_loop3A_408 = arith.constant 0 : i32
      %parallel_loop3A_409 = vector.broadcast %parallel_loop3A_408 : i32 to vector<16xi32>
      %parallel_loop3A_410 = arith.cmpi sge, %parallel_loop3A_354, %parallel_loop3A_409 : vector<16xi32>
      %parallel_loop3A_411 = arith.andi %parallel_loop3A_407, %parallel_loop3A_410 : vector<16xi1>
      %parallel_loop3A_412 = arith.constant 0 : i32
      %parallel_loop3A_413 = vector.broadcast %parallel_loop3A_412 : i32 to vector<16xi32>
      %parallel_loop3A_414 = arith.maxsi %parallel_loop3A_354, %parallel_loop3A_413 : vector<16xi32>
      tpu.vector_store_idx %arg29[%parallel_loop3A_414], %parallel_loop3A_355 masked %parallel_loop3A_411 {add = true} : memref<40960xf32, #tpu.memory_space<vmem>>[vector<16xi32>], vector<16xf32>, vector<16xi1>
      %parallel_loop3A_415 = arith.constant 8192 : i32
      %parallel_loop3A_416 = vector.broadcast %parallel_loop3A_415 : i32 to vector<16xi32>
      %parallel_loop3A_417 = arith.addi %parallel_loop3A_416, %parallel_loop3A_414 : vector<16xi32>
      tpu.vector_store_idx %arg29[%parallel_loop3A_417], %parallel_loop3A_356 masked %parallel_loop3A_411 {add = true} : memref<40960xf32, #tpu.memory_space<vmem>>[vector<16xi32>], vector<16xf32>, vector<16xi1>
      %parallel_loop3A_418 = arith.constant 16384 : i32
      %parallel_loop3A_419 = vector.broadcast %parallel_loop3A_418 : i32 to vector<16xi32>
      %parallel_loop3A_420 = arith.addi %parallel_loop3A_419, %parallel_loop3A_414 : vector<16xi32>
      tpu.vector_store_idx %arg29[%parallel_loop3A_420], %parallel_loop3A_357 masked %parallel_loop3A_411 {add = true} : memref<40960xf32, #tpu.memory_space<vmem>>[vector<16xi32>], vector<16xf32>, vector<16xi1>
      %parallel_loop3A_421 = arith.constant 24576 : i32
      %parallel_loop3A_422 = vector.broadcast %parallel_loop3A_421 : i32 to vector<16xi32>
      %parallel_loop3A_423 = arith.addi %parallel_loop3A_422, %parallel_loop3A_414 : vector<16xi32>
      tpu.vector_store_idx %arg29[%parallel_loop3A_423], %parallel_loop3A_358 masked %parallel_loop3A_411 {add = true} : memref<40960xf32, #tpu.memory_space<vmem>>[vector<16xi32>], vector<16xf32>, vector<16xi1>
      %parallel_loop3A_424 = arith.constant 32768 : i32
      %parallel_loop3A_425 = vector.broadcast %parallel_loop3A_424 : i32 to vector<16xi32>
      %parallel_loop3A_426 = arith.addi %parallel_loop3A_425, %parallel_loop3A_414 : vector<16xi32>
      tpu.vector_store_idx %arg29[%parallel_loop3A_426], %parallel_loop3A_359 masked %parallel_loop3A_411 {add = true} : memref<40960xf32, #tpu.memory_space<vmem>>[vector<16xi32>], vector<16xf32>, vector<16xi1>
      %parallel_loop3A_427 = arith.addf %parallel_loop3A_355, %parallel_loop3A_396 : vector<16xf32>
      %parallel_loop3A_428 = arith.select %parallel_loop3A_405, %parallel_loop3A_427, %parallel_loop3A_396 : vector<16xi1>, vector<16xf32>
      %parallel_loop3A_429 = arith.addf %parallel_loop3A_356, %parallel_loop3A_397 : vector<16xf32>
      %parallel_loop3A_430 = arith.select %parallel_loop3A_405, %parallel_loop3A_429, %parallel_loop3A_397 : vector<16xi1>, vector<16xf32>
      %parallel_loop3A_431 = arith.addf %parallel_loop3A_357, %parallel_loop3A_398 : vector<16xf32>
      %parallel_loop3A_432 = arith.select %parallel_loop3A_405, %parallel_loop3A_431, %parallel_loop3A_398 : vector<16xi1>, vector<16xf32>
      %parallel_loop3A_433 = arith.addf %parallel_loop3A_358, %parallel_loop3A_395 : vector<16xf32>
      %parallel_loop3A_434 = arith.select %parallel_loop3A_405, %parallel_loop3A_433, %parallel_loop3A_395 : vector<16xi1>, vector<16xf32>
      %parallel_loop3A_435 = arith.constant 1.000000e+00 : f32
      %parallel_loop3A_436 = vector.broadcast %parallel_loop3A_435 : f32 to vector<16xf32>
      %parallel_loop3A_437 = arith.subf %parallel_loop3A_436, %parallel_loop3A_395 : vector<16xf32>
      %parallel_loop3A_438 = arith.addf %parallel_loop3A_359, %parallel_loop3A_437 : vector<16xf32>
      %parallel_loop3A_439 = arith.constant 1.000000e+00 : f32
      %parallel_loop3A_440 = vector.broadcast %parallel_loop3A_439 : f32 to vector<16xf32>
      %parallel_loop3A_441 = arith.subf %parallel_loop3A_440, %parallel_loop3A_395 : vector<16xf32>
      %parallel_loop3A_442 = arith.select %parallel_loop3A_405, %parallel_loop3A_438, %parallel_loop3A_441 : vector<16xi1>, vector<16xf32>
      scf.yield %parallel_loop3A_404, %parallel_loop3A_388, %parallel_loop3A_428, %parallel_loop3A_430, %parallel_loop3A_432, %parallel_loop3A_434, %parallel_loop3A_442 : vector<16xf32>, vector<16xi32>, vector<16xf32>, vector<16xf32>, vector<16xf32>, vector<16xf32>, vector<16xf32>
    } {sc.loop_unroll_factor = 4 : i64, sc.parallel_access}
    %add3A_178 = arith.constant 12288 : i32
    %add3A_179 = arith.addi %mul3A_2, %add3A_178 : i32
    %add3A_180 = arith.constant 0 : i32
    %add3A_181 = arith.addi %add3A_180, %add3A_179 : i32
    %dma_start3A_182 = tpu.memref_slice %arg2[%add3A_181] : memref<1572864xf32, #tpu.memory_space<hbm>> -> memref<4096xf32, #tpu.memory_space<hbm>>
    %dma_start3A_183 = tpu.memref_slice %arg2[%add3A_181] : memref<1572864xf32, #tpu.memory_space<hbm>> -> memref<4096xf32, #tpu.memory_space<hbm>>
    tpu.enqueue_dma source(%dma_start3A_183 : memref<4096xf32, #tpu.memory_space<hbm>>) target(%arg17 : memref<4096xf32, #tpu.memory_space<vmem>>) target_semaphore(%arg28 : memref<!tpu.dma_semaphore, #tpu.memory_space<semaphore_mem>>)
    %add3A_184 = arith.constant 0 : i32
    %add3A_185 = arith.addi %add3A_184, %add3A_179 : i32
    %dma_start3A_186 = tpu.memref_slice %arg3[%add3A_185] : memref<1572864xf32, #tpu.memory_space<hbm>> -> memref<4096xf32, #tpu.memory_space<hbm>>
    %dma_start3A_187 = tpu.memref_slice %arg3[%add3A_185] : memref<1572864xf32, #tpu.memory_space<hbm>> -> memref<4096xf32, #tpu.memory_space<hbm>>
    tpu.enqueue_dma source(%dma_start3A_187 : memref<4096xf32, #tpu.memory_space<hbm>>) target(%arg20 : memref<4096xf32, #tpu.memory_space<vmem>>) target_semaphore(%arg28 : memref<!tpu.dma_semaphore, #tpu.memory_space<semaphore_mem>>)
    %add3A_188 = arith.constant 0 : i32
    %add3A_189 = arith.addi %add3A_188, %add3A_179 : i32
    %dma_start3A_190 = tpu.memref_slice %arg4[%add3A_189] : memref<1572864xf32, #tpu.memory_space<hbm>> -> memref<4096xf32, #tpu.memory_space<hbm>>
    %dma_start3A_191 = tpu.memref_slice %arg4[%add3A_189] : memref<1572864xf32, #tpu.memory_space<hbm>> -> memref<4096xf32, #tpu.memory_space<hbm>>
    tpu.enqueue_dma source(%dma_start3A_191 : memref<4096xf32, #tpu.memory_space<hbm>>) target(%arg23 : memref<4096xf32, #tpu.memory_space<vmem>>) target_semaphore(%arg28 : memref<!tpu.dma_semaphore, #tpu.memory_space<semaphore_mem>>)
    %add3A_192 = arith.constant 524288 : i32
    %add3A_193 = arith.addi %add3A_192, %add3A_179 : i32
    %dma_start3A_194 = tpu.memref_slice %arg2[%add3A_193] : memref<1572864xf32, #tpu.memory_space<hbm>> -> memref<4096xf32, #tpu.memory_space<hbm>>
    %dma_start3A_195 = tpu.memref_slice %arg2[%add3A_193] : memref<1572864xf32, #tpu.memory_space<hbm>> -> memref<4096xf32, #tpu.memory_space<hbm>>
    tpu.enqueue_dma source(%dma_start3A_195 : memref<4096xf32, #tpu.memory_space<hbm>>) target(%arg18 : memref<4096xf32, #tpu.memory_space<vmem>>) target_semaphore(%arg28 : memref<!tpu.dma_semaphore, #tpu.memory_space<semaphore_mem>>)
    %add3A_196 = arith.constant 524288 : i32
    %add3A_197 = arith.addi %add3A_196, %add3A_179 : i32
    %dma_start3A_198 = tpu.memref_slice %arg3[%add3A_197] : memref<1572864xf32, #tpu.memory_space<hbm>> -> memref<4096xf32, #tpu.memory_space<hbm>>
    %dma_start3A_199 = tpu.memref_slice %arg3[%add3A_197] : memref<1572864xf32, #tpu.memory_space<hbm>> -> memref<4096xf32, #tpu.memory_space<hbm>>
    tpu.enqueue_dma source(%dma_start3A_199 : memref<4096xf32, #tpu.memory_space<hbm>>) target(%arg21 : memref<4096xf32, #tpu.memory_space<vmem>>) target_semaphore(%arg28 : memref<!tpu.dma_semaphore, #tpu.memory_space<semaphore_mem>>)
    %add3A_200 = arith.constant 524288 : i32
    %add3A_201 = arith.addi %add3A_200, %add3A_179 : i32
    %dma_start3A_202 = tpu.memref_slice %arg4[%add3A_201] : memref<1572864xf32, #tpu.memory_space<hbm>> -> memref<4096xf32, #tpu.memory_space<hbm>>
    %dma_start3A_203 = tpu.memref_slice %arg4[%add3A_201] : memref<1572864xf32, #tpu.memory_space<hbm>> -> memref<4096xf32, #tpu.memory_space<hbm>>
    tpu.enqueue_dma source(%dma_start3A_203 : memref<4096xf32, #tpu.memory_space<hbm>>) target(%arg24 : memref<4096xf32, #tpu.memory_space<vmem>>) target_semaphore(%arg28 : memref<!tpu.dma_semaphore, #tpu.memory_space<semaphore_mem>>)
    %add3A_204 = arith.constant 1048576 : i32
    %add3A_205 = arith.addi %add3A_204, %add3A_179 : i32
    %dma_start3A_206 = tpu.memref_slice %arg2[%add3A_205] : memref<1572864xf32, #tpu.memory_space<hbm>> -> memref<4096xf32, #tpu.memory_space<hbm>>
    %dma_start3A_207 = tpu.memref_slice %arg2[%add3A_205] : memref<1572864xf32, #tpu.memory_space<hbm>> -> memref<4096xf32, #tpu.memory_space<hbm>>
    tpu.enqueue_dma source(%dma_start3A_207 : memref<4096xf32, #tpu.memory_space<hbm>>) target(%arg19 : memref<4096xf32, #tpu.memory_space<vmem>>) target_semaphore(%arg28 : memref<!tpu.dma_semaphore, #tpu.memory_space<semaphore_mem>>)
    %add3A_208 = arith.constant 1048576 : i32
    %add3A_209 = arith.addi %add3A_208, %add3A_179 : i32
    %dma_start3A_210 = tpu.memref_slice %arg3[%add3A_209] : memref<1572864xf32, #tpu.memory_space<hbm>> -> memref<4096xf32, #tpu.memory_space<hbm>>
    %dma_start3A_211 = tpu.memref_slice %arg3[%add3A_209] : memref<1572864xf32, #tpu.memory_space<hbm>> -> memref<4096xf32, #tpu.memory_space<hbm>>
    tpu.enqueue_dma source(%dma_start3A_211 : memref<4096xf32, #tpu.memory_space<hbm>>) target(%arg22 : memref<4096xf32, #tpu.memory_space<vmem>>) target_semaphore(%arg28 : memref<!tpu.dma_semaphore, #tpu.memory_space<semaphore_mem>>)
    %add3A_212 = arith.constant 1048576 : i32
    %add3A_213 = arith.addi %add3A_212, %add3A_179 : i32
    %dma_start3A_214 = tpu.memref_slice %arg4[%add3A_213] : memref<1572864xf32, #tpu.memory_space<hbm>> -> memref<4096xf32, #tpu.memory_space<hbm>>
    %dma_start3A_215 = tpu.memref_slice %arg4[%add3A_213] : memref<1572864xf32, #tpu.memory_space<hbm>> -> memref<4096xf32, #tpu.memory_space<hbm>>
    tpu.enqueue_dma source(%dma_start3A_215 : memref<4096xf32, #tpu.memory_space<hbm>>) target(%arg25 : memref<4096xf32, #tpu.memory_space<vmem>>) target_semaphore(%arg28 : memref<!tpu.dma_semaphore, #tpu.memory_space<semaphore_mem>>)
    %dma_start3A_216 = tpu.memref_slice %arg5[%add3A_179] : memref<524288xi32, #tpu.memory_space<hbm>> -> memref<4096xi32, #tpu.memory_space<hbm>>
    %dma_start3A_217 = tpu.memref_slice %arg5[%add3A_179] : memref<524288xi32, #tpu.memory_space<hbm>> -> memref<4096xi32, #tpu.memory_space<hbm>>
    tpu.enqueue_dma source(%dma_start3A_217 : memref<4096xi32, #tpu.memory_space<hbm>>) target(%arg26 : memref<4096xi32, #tpu.memory_space<vmem>>) target_semaphore(%arg28 : memref<!tpu.dma_semaphore, #tpu.memory_space<semaphore_mem>>)
    %dma_wait3A_218 = tpu.memref_slice %arg2[%add3A_117] : memref<1572864xf32, #tpu.memory_space<hbm>> -> memref<4096xf32, #tpu.memory_space<hbm>>
    %dma_wait3A_219 = tpu.memref_slice %arg2[%add3A_117] : memref<1572864xf32, #tpu.memory_space<hbm>> -> memref<4096xf32, #tpu.memory_space<hbm>>
    tpu.wait_dma2 semaphore(%arg27 : memref<!tpu.dma_semaphore, #tpu.memory_space<semaphore_mem>>) src(%dma_wait3A_219 : memref<4096xf32, #tpu.memory_space<hbm>>) dst(%arg7 : memref<4096xf32, #tpu.memory_space<vmem>>)
    %dma_wait3A_220 = tpu.memref_slice %arg3[%add3A_121] : memref<1572864xf32, #tpu.memory_space<hbm>> -> memref<4096xf32, #tpu.memory_space<hbm>>
    %dma_wait3A_221 = tpu.memref_slice %arg3[%add3A_121] : memref<1572864xf32, #tpu.memory_space<hbm>> -> memref<4096xf32, #tpu.memory_space<hbm>>
    tpu.wait_dma2 semaphore(%arg27 : memref<!tpu.dma_semaphore, #tpu.memory_space<semaphore_mem>>) src(%dma_wait3A_221 : memref<4096xf32, #tpu.memory_space<hbm>>) dst(%arg10 : memref<4096xf32, #tpu.memory_space<vmem>>)
    %dma_wait3A_222 = tpu.memref_slice %arg4[%add3A_125] : memref<1572864xf32, #tpu.memory_space<hbm>> -> memref<4096xf32, #tpu.memory_space<hbm>>
    %dma_wait3A_223 = tpu.memref_slice %arg4[%add3A_125] : memref<1572864xf32, #tpu.memory_space<hbm>> -> memref<4096xf32, #tpu.memory_space<hbm>>
    tpu.wait_dma2 semaphore(%arg27 : memref<!tpu.dma_semaphore, #tpu.memory_space<semaphore_mem>>) src(%dma_wait3A_223 : memref<4096xf32, #tpu.memory_space<hbm>>) dst(%arg13 : memref<4096xf32, #tpu.memory_space<vmem>>)
    %dma_wait3A_224 = tpu.memref_slice %arg2[%add3A_129] : memref<1572864xf32, #tpu.memory_space<hbm>> -> memref<4096xf32, #tpu.memory_space<hbm>>
    %dma_wait3A_225 = tpu.memref_slice %arg2[%add3A_129] : memref<1572864xf32, #tpu.memory_space<hbm>> -> memref<4096xf32, #tpu.memory_space<hbm>>
    tpu.wait_dma2 semaphore(%arg27 : memref<!tpu.dma_semaphore, #tpu.memory_space<semaphore_mem>>) src(%dma_wait3A_225 : memref<4096xf32, #tpu.memory_space<hbm>>) dst(%arg8 : memref<4096xf32, #tpu.memory_space<vmem>>)
    %dma_wait3A_226 = tpu.memref_slice %arg3[%add3A_133] : memref<1572864xf32, #tpu.memory_space<hbm>> -> memref<4096xf32, #tpu.memory_space<hbm>>
    %dma_wait3A_227 = tpu.memref_slice %arg3[%add3A_133] : memref<1572864xf32, #tpu.memory_space<hbm>> -> memref<4096xf32, #tpu.memory_space<hbm>>
    tpu.wait_dma2 semaphore(%arg27 : memref<!tpu.dma_semaphore, #tpu.memory_space<semaphore_mem>>) src(%dma_wait3A_227 : memref<4096xf32, #tpu.memory_space<hbm>>) dst(%arg11 : memref<4096xf32, #tpu.memory_space<vmem>>)
    %dma_wait3A_228 = tpu.memref_slice %arg4[%add3A_137] : memref<1572864xf32, #tpu.memory_space<hbm>> -> memref<4096xf32, #tpu.memory_space<hbm>>
    %dma_wait3A_229 = tpu.memref_slice %arg4[%add3A_137] : memref<1572864xf32, #tpu.memory_space<hbm>> -> memref<4096xf32, #tpu.memory_space<hbm>>
    tpu.wait_dma2 semaphore(%arg27 : memref<!tpu.dma_semaphore, #tpu.memory_space<semaphore_mem>>) src(%dma_wait3A_229 : memref<4096xf32, #tpu.memory_space<hbm>>) dst(%arg14 : memref<4096xf32, #tpu.memory_space<vmem>>)
    %dma_wait3A_230 = tpu.memref_slice %arg2[%add3A_141] : memref<1572864xf32, #tpu.memory_space<hbm>> -> memref<4096xf32, #tpu.memory_space<hbm>>
    %dma_wait3A_231 = tpu.memref_slice %arg2[%add3A_141] : memref<1572864xf32, #tpu.memory_space<hbm>> -> memref<4096xf32, #tpu.memory_space<hbm>>
    tpu.wait_dma2 semaphore(%arg27 : memref<!tpu.dma_semaphore, #tpu.memory_space<semaphore_mem>>) src(%dma_wait3A_231 : memref<4096xf32, #tpu.memory_space<hbm>>) dst(%arg9 : memref<4096xf32, #tpu.memory_space<vmem>>)
    %dma_wait3A_232 = tpu.memref_slice %arg3[%add3A_145] : memref<1572864xf32, #tpu.memory_space<hbm>> -> memref<4096xf32, #tpu.memory_space<hbm>>
    %dma_wait3A_233 = tpu.memref_slice %arg3[%add3A_145] : memref<1572864xf32, #tpu.memory_space<hbm>> -> memref<4096xf32, #tpu.memory_space<hbm>>
    tpu.wait_dma2 semaphore(%arg27 : memref<!tpu.dma_semaphore, #tpu.memory_space<semaphore_mem>>) src(%dma_wait3A_233 : memref<4096xf32, #tpu.memory_space<hbm>>) dst(%arg12 : memref<4096xf32, #tpu.memory_space<vmem>>)
    %dma_wait3A_234 = tpu.memref_slice %arg4[%add3A_149] : memref<1572864xf32, #tpu.memory_space<hbm>> -> memref<4096xf32, #tpu.memory_space<hbm>>
    %dma_wait3A_235 = tpu.memref_slice %arg4[%add3A_149] : memref<1572864xf32, #tpu.memory_space<hbm>> -> memref<4096xf32, #tpu.memory_space<hbm>>
    tpu.wait_dma2 semaphore(%arg27 : memref<!tpu.dma_semaphore, #tpu.memory_space<semaphore_mem>>) src(%dma_wait3A_235 : memref<4096xf32, #tpu.memory_space<hbm>>) dst(%arg15 : memref<4096xf32, #tpu.memory_space<vmem>>)
    %dma_wait3A_236 = tpu.memref_slice %arg5[%add3A_115] : memref<524288xi32, #tpu.memory_space<hbm>> -> memref<4096xi32, #tpu.memory_space<hbm>>
    %dma_wait3A_237 = tpu.memref_slice %arg5[%add3A_115] : memref<524288xi32, #tpu.memory_space<hbm>> -> memref<4096xi32, #tpu.memory_space<hbm>>
    tpu.wait_dma2 semaphore(%arg27 : memref<!tpu.dma_semaphore, #tpu.memory_space<semaphore_mem>>) src(%dma_wait3A_237 : memref<4096xi32, #tpu.memory_space<hbm>>) dst(%arg16 : memref<4096xi32, #tpu.memory_space<vmem>>)
    %parallel_loop3A_238 = arith.constant 0 : i32
    %parallel_loop3A_239 = arith.constant 4096 : i32
    %parallel_loop3A_240 = arith.constant 16 : i32
    %parallel_loop3A_241:7 = scf.for %parallel_loop3A_352 = %parallel_loop3A_238 to %parallel_loop3A_239 step %parallel_loop3A_240 iter_args(%parallel_loop3A_353 = %parallel_loop3A_177#0, %parallel_loop3A_354 = %parallel_loop3A_177#1, %parallel_loop3A_355 = %parallel_loop3A_177#2, %parallel_loop3A_356 = %parallel_loop3A_177#3, %parallel_loop3A_357 = %parallel_loop3A_177#4, %parallel_loop3A_358 = %parallel_loop3A_177#5, %parallel_loop3A_359 = %parallel_loop3A_177#6) -> (vector<16xf32>, vector<16xi32>, vector<16xf32>, vector<16xf32>, vector<16xf32>, vector<16xf32>, vector<16xf32>)  : i32 {
      %parallel_loop3A_360 = arith.index_cast %parallel_loop3A_352 : i32 to index
      %parallel_loop3A_361 = tpu.vector_load %arg7[%parallel_loop3A_360] {strides = array<i32>} : memref<4096xf32, #tpu.memory_space<vmem>>, vector<16xf32>,
      %parallel_loop3A_362 = arith.index_cast %parallel_loop3A_352 : i32 to index
      %parallel_loop3A_363 = tpu.vector_load %arg13[%parallel_loop3A_362] {strides = array<i32>} : memref<4096xf32, #tpu.memory_space<vmem>>, vector<16xf32>,
      %parallel_loop3A_364 = arith.subf %parallel_loop3A_361, %parallel_loop3A_363 : vector<16xf32>
      %parallel_loop3A_365 = arith.index_cast %parallel_loop3A_352 : i32 to index
      %parallel_loop3A_366 = tpu.vector_load %arg10[%parallel_loop3A_365] {strides = array<i32>} : memref<4096xf32, #tpu.memory_space<vmem>>, vector<16xf32>,
      %parallel_loop3A_367 = arith.addf %parallel_loop3A_364, %parallel_loop3A_366 : vector<16xf32>
      %parallel_loop3A_368 = arith.index_cast %parallel_loop3A_352 : i32 to index
      %parallel_loop3A_369 = tpu.vector_load %arg8[%parallel_loop3A_368] {strides = array<i32>} : memref<4096xf32, #tpu.memory_space<vmem>>, vector<16xf32>,
      %parallel_loop3A_370 = arith.index_cast %parallel_loop3A_352 : i32 to index
      %parallel_loop3A_371 = tpu.vector_load %arg14[%parallel_loop3A_370] {strides = array<i32>} : memref<4096xf32, #tpu.memory_space<vmem>>, vector<16xf32>,
      %parallel_loop3A_372 = arith.subf %parallel_loop3A_369, %parallel_loop3A_371 : vector<16xf32>
      %parallel_loop3A_373 = arith.index_cast %parallel_loop3A_352 : i32 to index
      %parallel_loop3A_374 = tpu.vector_load %arg11[%parallel_loop3A_373] {strides = array<i32>} : memref<4096xf32, #tpu.memory_space<vmem>>, vector<16xf32>,
      %parallel_loop3A_375 = arith.addf %parallel_loop3A_372, %parallel_loop3A_374 : vector<16xf32>
      %parallel_loop3A_376 = arith.index_cast %parallel_loop3A_352 : i32 to index
      %parallel_loop3A_377 = tpu.vector_load %arg9[%parallel_loop3A_376] {strides = array<i32>} : memref<4096xf32, #tpu.memory_space<vmem>>, vector<16xf32>,
      %parallel_loop3A_378 = arith.index_cast %parallel_loop3A_352 : i32 to index
      %parallel_loop3A_379 = tpu.vector_load %arg15[%parallel_loop3A_378] {strides = array<i32>} : memref<4096xf32, #tpu.memory_space<vmem>>, vector<16xf32>,
      %parallel_loop3A_380 = arith.subf %parallel_loop3A_377, %parallel_loop3A_379 : vector<16xf32>
      %parallel_loop3A_381 = arith.index_cast %parallel_loop3A_352 : i32 to index
      %parallel_loop3A_382 = tpu.vector_load %arg12[%parallel_loop3A_381] {strides = array<i32>} : memref<4096xf32, #tpu.memory_space<vmem>>, vector<16xf32>,
      %parallel_loop3A_383 = arith.addf %parallel_loop3A_380, %parallel_loop3A_382 : vector<16xf32>
      %parallel_loop3A_384 = arith.index_cast %parallel_loop3A_352 : i32 to index
      %parallel_loop3A_385 = tpu.vector_load %arg16[%parallel_loop3A_384] {strides = array<i32>} : memref<4096xi32, #tpu.memory_space<vmem>>, vector<16xi32>,
      %parallel_loop3A_386 = arith.constant 16383 : i32
      %parallel_loop3A_387 = vector.broadcast %parallel_loop3A_386 : i32 to vector<16xi32>
      %parallel_loop3A_388 = arith.andi %parallel_loop3A_385, %parallel_loop3A_387 : vector<16xi32>
      %parallel_loop3A_389 = arith.constant 30 : i32
      %parallel_loop3A_390 = vector.broadcast %parallel_loop3A_389 : i32 to vector<16xi32>
      %parallel_loop3A_391 = arith.shrsi %parallel_loop3A_385, %parallel_loop3A_390 : vector<16xi32>
      %parallel_loop3A_392 = arith.sitofp %parallel_loop3A_391 : vector<16xi32> to vector<16xf32>
      %parallel_loop3A_393 = arith.constant 1.000000e+00 : f32
      %parallel_loop3A_394 = vector.broadcast %parallel_loop3A_393 : f32 to vector<16xf32>
      %parallel_loop3A_395 = arith.subf %parallel_loop3A_394, %parallel_loop3A_392 : vector<16xf32>
      %parallel_loop3A_396 = arith.mulf %parallel_loop3A_395, %parallel_loop3A_367 : vector<16xf32>
      %parallel_loop3A_397 = arith.mulf %parallel_loop3A_395, %parallel_loop3A_375 : vector<16xf32>
      %parallel_loop3A_398 = arith.mulf %parallel_loop3A_395, %parallel_loop3A_383 : vector<16xf32>
      %parallel_loop3A_399 = arith.mulf %parallel_loop3A_396, %parallel_loop3A_367 : vector<16xf32>
      %parallel_loop3A_400 = arith.addf %parallel_loop3A_353, %parallel_loop3A_399 : vector<16xf32>
      %parallel_loop3A_401 = arith.mulf %parallel_loop3A_397, %parallel_loop3A_375 : vector<16xf32>
      %parallel_loop3A_402 = arith.addf %parallel_loop3A_400, %parallel_loop3A_401 : vector<16xf32>
      %parallel_loop3A_403 = arith.mulf %parallel_loop3A_398, %parallel_loop3A_383 : vector<16xf32>
      %parallel_loop3A_404 = arith.addf %parallel_loop3A_402, %parallel_loop3A_403 : vector<16xf32>
      %parallel_loop3A_405 = arith.cmpi eq, %parallel_loop3A_388, %parallel_loop3A_354 : vector<16xi32>
      %parallel_loop3A_406 = arith.constant dense<true> : vector<16xi1>
      %parallel_loop3A_407 = arith.xori %parallel_loop3A_405, %parallel_loop3A_406 : vector<16xi1>
      %parallel_loop3A_408 = arith.constant 0 : i32
      %parallel_loop3A_409 = vector.broadcast %parallel_loop3A_408 : i32 to vector<16xi32>
      %parallel_loop3A_410 = arith.cmpi sge, %parallel_loop3A_354, %parallel_loop3A_409 : vector<16xi32>
      %parallel_loop3A_411 = arith.andi %parallel_loop3A_407, %parallel_loop3A_410 : vector<16xi1>
      %parallel_loop3A_412 = arith.constant 0 : i32
      %parallel_loop3A_413 = vector.broadcast %parallel_loop3A_412 : i32 to vector<16xi32>
      %parallel_loop3A_414 = arith.maxsi %parallel_loop3A_354, %parallel_loop3A_413 : vector<16xi32>
      tpu.vector_store_idx %arg29[%parallel_loop3A_414], %parallel_loop3A_355 masked %parallel_loop3A_411 {add = true} : memref<40960xf32, #tpu.memory_space<vmem>>[vector<16xi32>], vector<16xf32>, vector<16xi1>
      %parallel_loop3A_415 = arith.constant 8192 : i32
      %parallel_loop3A_416 = vector.broadcast %parallel_loop3A_415 : i32 to vector<16xi32>
      %parallel_loop3A_417 = arith.addi %parallel_loop3A_416, %parallel_loop3A_414 : vector<16xi32>
      tpu.vector_store_idx %arg29[%parallel_loop3A_417], %parallel_loop3A_356 masked %parallel_loop3A_411 {add = true} : memref<40960xf32, #tpu.memory_space<vmem>>[vector<16xi32>], vector<16xf32>, vector<16xi1>
      %parallel_loop3A_418 = arith.constant 16384 : i32
      %parallel_loop3A_419 = vector.broadcast %parallel_loop3A_418 : i32 to vector<16xi32>
      %parallel_loop3A_420 = arith.addi %parallel_loop3A_419, %parallel_loop3A_414 : vector<16xi32>
      tpu.vector_store_idx %arg29[%parallel_loop3A_420], %parallel_loop3A_357 masked %parallel_loop3A_411 {add = true} : memref<40960xf32, #tpu.memory_space<vmem>>[vector<16xi32>], vector<16xf32>, vector<16xi1>
      %parallel_loop3A_421 = arith.constant 24576 : i32
      %parallel_loop3A_422 = vector.broadcast %parallel_loop3A_421 : i32 to vector<16xi32>
      %parallel_loop3A_423 = arith.addi %parallel_loop3A_422, %parallel_loop3A_414 : vector<16xi32>
      tpu.vector_store_idx %arg29[%parallel_loop3A_423], %parallel_loop3A_358 masked %parallel_loop3A_411 {add = true} : memref<40960xf32, #tpu.memory_space<vmem>>[vector<16xi32>], vector<16xf32>, vector<16xi1>
      %parallel_loop3A_424 = arith.constant 32768 : i32
      %parallel_loop3A_425 = vector.broadcast %parallel_loop3A_424 : i32 to vector<16xi32>
      %parallel_loop3A_426 = arith.addi %parallel_loop3A_425, %parallel_loop3A_414 : vector<16xi32>
      tpu.vector_store_idx %arg29[%parallel_loop3A_426], %parallel_loop3A_359 masked %parallel_loop3A_411 {add = true} : memref<40960xf32, #tpu.memory_space<vmem>>[vector<16xi32>], vector<16xf32>, vector<16xi1>
      %parallel_loop3A_427 = arith.addf %parallel_loop3A_355, %parallel_loop3A_396 : vector<16xf32>
      %parallel_loop3A_428 = arith.select %parallel_loop3A_405, %parallel_loop3A_427, %parallel_loop3A_396 : vector<16xi1>, vector<16xf32>
      %parallel_loop3A_429 = arith.addf %parallel_loop3A_356, %parallel_loop3A_397 : vector<16xf32>
      %parallel_loop3A_430 = arith.select %parallel_loop3A_405, %parallel_loop3A_429, %parallel_loop3A_397 : vector<16xi1>, vector<16xf32>
      %parallel_loop3A_431 = arith.addf %parallel_loop3A_357, %parallel_loop3A_398 : vector<16xf32>
      %parallel_loop3A_432 = arith.select %parallel_loop3A_405, %parallel_loop3A_431, %parallel_loop3A_398 : vector<16xi1>, vector<16xf32>
      %parallel_loop3A_433 = arith.addf %parallel_loop3A_358, %parallel_loop3A_395 : vector<16xf32>
      %parallel_loop3A_434 = arith.select %parallel_loop3A_405, %parallel_loop3A_433, %parallel_loop3A_395 : vector<16xi1>, vector<16xf32>
      %parallel_loop3A_435 = arith.constant 1.000000e+00 : f32
      %parallel_loop3A_436 = vector.broadcast %parallel_loop3A_435 : f32 to vector<16xf32>
      %parallel_loop3A_437 = arith.subf %parallel_loop3A_436, %parallel_loop3A_395 : vector<16xf32>
      %parallel_loop3A_438 = arith.addf %parallel_loop3A_359, %parallel_loop3A_437 : vector<16xf32>
      %parallel_loop3A_439 = arith.constant 1.000000e+00 : f32
      %parallel_loop3A_440 = vector.broadcast %parallel_loop3A_439 : f32 to vector<16xf32>
      %parallel_loop3A_441 = arith.subf %parallel_loop3A_440, %parallel_loop3A_395 : vector<16xf32>
      %parallel_loop3A_442 = arith.select %parallel_loop3A_405, %parallel_loop3A_438, %parallel_loop3A_441 : vector<16xi1>, vector<16xf32>
      scf.yield %parallel_loop3A_404, %parallel_loop3A_388, %parallel_loop3A_428, %parallel_loop3A_430, %parallel_loop3A_432, %parallel_loop3A_434, %parallel_loop3A_442 : vector<16xf32>, vector<16xi32>, vector<16xf32>, vector<16xf32>, vector<16xf32>, vector<16xf32>, vector<16xf32>
    } {sc.loop_unroll_factor = 4 : i64, sc.parallel_access}
    %dma_wait3A_242 = tpu.memref_slice %arg2[%add3A_181] : memref<1572864xf32, #tpu.memory_space<hbm>> -> memref<4096xf32, #tpu.memory_space<hbm>>
    %dma_wait3A_243 = tpu.memref_slice %arg2[%add3A_181] : memref<1572864xf32, #tpu.memory_space<hbm>> -> memref<4096xf32, #tpu.memory_space<hbm>>
    tpu.wait_dma2 semaphore(%arg28 : memref<!tpu.dma_semaphore, #tpu.memory_space<semaphore_mem>>) src(%dma_wait3A_243 : memref<4096xf32, #tpu.memory_space<hbm>>) dst(%arg17 : memref<4096xf32, #tpu.memory_space<vmem>>)
    %dma_wait3A_244 = tpu.memref_slice %arg3[%add3A_185] : memref<1572864xf32, #tpu.memory_space<hbm>> -> memref<4096xf32, #tpu.memory_space<hbm>>
    %dma_wait3A_245 = tpu.memref_slice %arg3[%add3A_185] : memref<1572864xf32, #tpu.memory_space<hbm>> -> memref<4096xf32, #tpu.memory_space<hbm>>
    tpu.wait_dma2 semaphore(%arg28 : memref<!tpu.dma_semaphore, #tpu.memory_space<semaphore_mem>>) src(%dma_wait3A_245 : memref<4096xf32, #tpu.memory_space<hbm>>) dst(%arg20 : memref<4096xf32, #tpu.memory_space<vmem>>)
    %dma_wait3A_246 = tpu.memref_slice %arg4[%add3A_189] : memref<1572864xf32, #tpu.memory_space<hbm>> -> memref<4096xf32, #tpu.memory_space<hbm>>
    %dma_wait3A_247 = tpu.memref_slice %arg4[%add3A_189] : memref<1572864xf32, #tpu.memory_space<hbm>> -> memref<4096xf32, #tpu.memory_space<hbm>>
    tpu.wait_dma2 semaphore(%arg28 : memref<!tpu.dma_semaphore, #tpu.memory_space<semaphore_mem>>) src(%dma_wait3A_247 : memref<4096xf32, #tpu.memory_space<hbm>>) dst(%arg23 : memref<4096xf32, #tpu.memory_space<vmem>>)
    %dma_wait3A_248 = tpu.memref_slice %arg2[%add3A_193] : memref<1572864xf32, #tpu.memory_space<hbm>> -> memref<4096xf32, #tpu.memory_space<hbm>>
    %dma_wait3A_249 = tpu.memref_slice %arg2[%add3A_193] : memref<1572864xf32, #tpu.memory_space<hbm>> -> memref<4096xf32, #tpu.memory_space<hbm>>
    tpu.wait_dma2 semaphore(%arg28 : memref<!tpu.dma_semaphore, #tpu.memory_space<semaphore_mem>>) src(%dma_wait3A_249 : memref<4096xf32, #tpu.memory_space<hbm>>) dst(%arg18 : memref<4096xf32, #tpu.memory_space<vmem>>)
    %dma_wait3A_250 = tpu.memref_slice %arg3[%add3A_197] : memref<1572864xf32, #tpu.memory_space<hbm>> -> memref<4096xf32, #tpu.memory_space<hbm>>
    %dma_wait3A_251 = tpu.memref_slice %arg3[%add3A_197] : memref<1572864xf32, #tpu.memory_space<hbm>> -> memref<4096xf32, #tpu.memory_space<hbm>>
    tpu.wait_dma2 semaphore(%arg28 : memref<!tpu.dma_semaphore, #tpu.memory_space<semaphore_mem>>) src(%dma_wait3A_251 : memref<4096xf32, #tpu.memory_space<hbm>>) dst(%arg21 : memref<4096xf32, #tpu.memory_space<vmem>>)
    %dma_wait3A_252 = tpu.memref_slice %arg4[%add3A_201] : memref<1572864xf32, #tpu.memory_space<hbm>> -> memref<4096xf32, #tpu.memory_space<hbm>>
    %dma_wait3A_253 = tpu.memref_slice %arg4[%add3A_201] : memref<1572864xf32, #tpu.memory_space<hbm>> -> memref<4096xf32, #tpu.memory_space<hbm>>
    tpu.wait_dma2 semaphore(%arg28 : memref<!tpu.dma_semaphore, #tpu.memory_space<semaphore_mem>>) src(%dma_wait3A_253 : memref<4096xf32, #tpu.memory_space<hbm>>) dst(%arg24 : memref<4096xf32, #tpu.memory_space<vmem>>)
    %dma_wait3A_254 = tpu.memref_slice %arg2[%add3A_205] : memref<1572864xf32, #tpu.memory_space<hbm>> -> memref<4096xf32, #tpu.memory_space<hbm>>
    %dma_wait3A_255 = tpu.memref_slice %arg2[%add3A_205] : memref<1572864xf32, #tpu.memory_space<hbm>> -> memref<4096xf32, #tpu.memory_space<hbm>>
    tpu.wait_dma2 semaphore(%arg28 : memref<!tpu.dma_semaphore, #tpu.memory_space<semaphore_mem>>) src(%dma_wait3A_255 : memref<4096xf32, #tpu.memory_space<hbm>>) dst(%arg19 : memref<4096xf32, #tpu.memory_space<vmem>>)
    %dma_wait3A_256 = tpu.memref_slice %arg3[%add3A_209] : memref<1572864xf32, #tpu.memory_space<hbm>> -> memref<4096xf32, #tpu.memory_space<hbm>>
    %dma_wait3A_257 = tpu.memref_slice %arg3[%add3A_209] : memref<1572864xf32, #tpu.memory_space<hbm>> -> memref<4096xf32, #tpu.memory_space<hbm>>
    tpu.wait_dma2 semaphore(%arg28 : memref<!tpu.dma_semaphore, #tpu.memory_space<semaphore_mem>>) src(%dma_wait3A_257 : memref<4096xf32, #tpu.memory_space<hbm>>) dst(%arg22 : memref<4096xf32, #tpu.memory_space<vmem>>)
    %dma_wait3A_258 = tpu.memref_slice %arg4[%add3A_213] : memref<1572864xf32, #tpu.memory_space<hbm>> -> memref<4096xf32, #tpu.memory_space<hbm>>
    %dma_wait3A_259 = tpu.memref_slice %arg4[%add3A_213] : memref<1572864xf32, #tpu.memory_space<hbm>> -> memref<4096xf32, #tpu.memory_space<hbm>>
    tpu.wait_dma2 semaphore(%arg28 : memref<!tpu.dma_semaphore, #tpu.memory_space<semaphore_mem>>) src(%dma_wait3A_259 : memref<4096xf32, #tpu.memory_space<hbm>>) dst(%arg25 : memref<4096xf32, #tpu.memory_space<vmem>>)
    %dma_wait3A_260 = tpu.memref_slice %arg5[%add3A_179] : memref<524288xi32, #tpu.memory_space<hbm>> -> memref<4096xi32, #tpu.memory_space<hbm>>
    %dma_wait3A_261 = tpu.memref_slice %arg5[%add3A_179] : memref<524288xi32, #tpu.memory_space<hbm>> -> memref<4096xi32, #tpu.memory_space<hbm>>
    tpu.wait_dma2 semaphore(%arg28 : memref<!tpu.dma_semaphore, #tpu.memory_space<semaphore_mem>>) src(%dma_wait3A_261 : memref<4096xi32, #tpu.memory_space<hbm>>) dst(%arg26 : memref<4096xi32, #tpu.memory_space<vmem>>)
    %get3A_262 = arith.constant 4080 : index
    %get3A_263 = tpu.vector_load %arg26[%get3A_262] {strides = array<i32>} : memref<4096xi32, #tpu.memory_space<vmem>>, vector<16xi32>,
    %slice3A_264 = vector.extract_strided_slice %get3A_263 {offsets = [15], sizes = [1], strides = [1]} : vector<16xi32> to vector<1xi32>
    %squeeze3A_265 = vector.extract %slice3A_264[0] : i32 from vector<1xi32>
    %and3A_266 = arith.constant 16383 : i32
    %and3A_267 = arith.andi %squeeze3A_265, %and3A_266 : i32
    %parallel_loop3A_268 = arith.constant 0 : i32
    %parallel_loop3A_269 = arith.constant 4096 : i32
    %parallel_loop3A_270 = arith.constant 16 : i32
    %parallel_loop3A_271:7 = scf.for %parallel_loop3A_352 = %parallel_loop3A_268 to %parallel_loop3A_269 step %parallel_loop3A_270 iter_args(%parallel_loop3A_353 = %parallel_loop3A_241#0, %parallel_loop3A_354 = %parallel_loop3A_241#1, %parallel_loop3A_355 = %parallel_loop3A_241#2, %parallel_loop3A_356 = %parallel_loop3A_241#3, %parallel_loop3A_357 = %parallel_loop3A_241#4, %parallel_loop3A_358 = %parallel_loop3A_241#5, %parallel_loop3A_359 = %parallel_loop3A_241#6) -> (vector<16xf32>, vector<16xi32>, vector<16xf32>, vector<16xf32>, vector<16xf32>, vector<16xf32>, vector<16xf32>)  : i32 {
      %parallel_loop3A_360 = arith.index_cast %parallel_loop3A_352 : i32 to index
      %parallel_loop3A_361 = tpu.vector_load %arg17[%parallel_loop3A_360] {strides = array<i32>} : memref<4096xf32, #tpu.memory_space<vmem>>, vector<16xf32>,
      %parallel_loop3A_362 = arith.index_cast %parallel_loop3A_352 : i32 to index
      %parallel_loop3A_363 = tpu.vector_load %arg23[%parallel_loop3A_362] {strides = array<i32>} : memref<4096xf32, #tpu.memory_space<vmem>>, vector<16xf32>,
      %parallel_loop3A_364 = arith.subf %parallel_loop3A_361, %parallel_loop3A_363 : vector<16xf32>
      %parallel_loop3A_365 = arith.index_cast %parallel_loop3A_352 : i32 to index
      %parallel_loop3A_366 = tpu.vector_load %arg20[%parallel_loop3A_365] {strides = array<i32>} : memref<4096xf32, #tpu.memory_space<vmem>>, vector<16xf32>,
      %parallel_loop3A_367 = arith.addf %parallel_loop3A_364, %parallel_loop3A_366 : vector<16xf32>
      %parallel_loop3A_368 = arith.index_cast %parallel_loop3A_352 : i32 to index
      %parallel_loop3A_369 = tpu.vector_load %arg18[%parallel_loop3A_368] {strides = array<i32>} : memref<4096xf32, #tpu.memory_space<vmem>>, vector<16xf32>,
      %parallel_loop3A_370 = arith.index_cast %parallel_loop3A_352 : i32 to index
      %parallel_loop3A_371 = tpu.vector_load %arg24[%parallel_loop3A_370] {strides = array<i32>} : memref<4096xf32, #tpu.memory_space<vmem>>, vector<16xf32>,
      %parallel_loop3A_372 = arith.subf %parallel_loop3A_369, %parallel_loop3A_371 : vector<16xf32>
      %parallel_loop3A_373 = arith.index_cast %parallel_loop3A_352 : i32 to index
      %parallel_loop3A_374 = tpu.vector_load %arg21[%parallel_loop3A_373] {strides = array<i32>} : memref<4096xf32, #tpu.memory_space<vmem>>, vector<16xf32>,
      %parallel_loop3A_375 = arith.addf %parallel_loop3A_372, %parallel_loop3A_374 : vector<16xf32>
      %parallel_loop3A_376 = arith.index_cast %parallel_loop3A_352 : i32 to index
      %parallel_loop3A_377 = tpu.vector_load %arg19[%parallel_loop3A_376] {strides = array<i32>} : memref<4096xf32, #tpu.memory_space<vmem>>, vector<16xf32>,
      %parallel_loop3A_378 = arith.index_cast %parallel_loop3A_352 : i32 to index
      %parallel_loop3A_379 = tpu.vector_load %arg25[%parallel_loop3A_378] {strides = array<i32>} : memref<4096xf32, #tpu.memory_space<vmem>>, vector<16xf32>,
      %parallel_loop3A_380 = arith.subf %parallel_loop3A_377, %parallel_loop3A_379 : vector<16xf32>
      %parallel_loop3A_381 = arith.index_cast %parallel_loop3A_352 : i32 to index
      %parallel_loop3A_382 = tpu.vector_load %arg22[%parallel_loop3A_381] {strides = array<i32>} : memref<4096xf32, #tpu.memory_space<vmem>>, vector<16xf32>,
      %parallel_loop3A_383 = arith.addf %parallel_loop3A_380, %parallel_loop3A_382 : vector<16xf32>
      %parallel_loop3A_384 = arith.index_cast %parallel_loop3A_352 : i32 to index
      %parallel_loop3A_385 = tpu.vector_load %arg26[%parallel_loop3A_384] {strides = array<i32>} : memref<4096xi32, #tpu.memory_space<vmem>>, vector<16xi32>,
      %parallel_loop3A_386 = arith.constant 16383 : i32
      %parallel_loop3A_387 = vector.broadcast %parallel_loop3A_386 : i32 to vector<16xi32>
      %parallel_loop3A_388 = arith.andi %parallel_loop3A_385, %parallel_loop3A_387 : vector<16xi32>
      %parallel_loop3A_389 = arith.constant 30 : i32
      %parallel_loop3A_390 = vector.broadcast %parallel_loop3A_389 : i32 to vector<16xi32>
      %parallel_loop3A_391 = arith.shrsi %parallel_loop3A_385, %parallel_loop3A_390 : vector<16xi32>
      %parallel_loop3A_392 = arith.sitofp %parallel_loop3A_391 : vector<16xi32> to vector<16xf32>
      %parallel_loop3A_393 = arith.constant 1.000000e+00 : f32
      %parallel_loop3A_394 = vector.broadcast %parallel_loop3A_393 : f32 to vector<16xf32>
      %parallel_loop3A_395 = arith.subf %parallel_loop3A_394, %parallel_loop3A_392 : vector<16xf32>
      %parallel_loop3A_396 = arith.mulf %parallel_loop3A_395, %parallel_loop3A_367 : vector<16xf32>
      %parallel_loop3A_397 = arith.mulf %parallel_loop3A_395, %parallel_loop3A_375 : vector<16xf32>
      %parallel_loop3A_398 = arith.mulf %parallel_loop3A_395, %parallel_loop3A_383 : vector<16xf32>
      %parallel_loop3A_399 = arith.mulf %parallel_loop3A_396, %parallel_loop3A_367 : vector<16xf32>
      %parallel_loop3A_400 = arith.addf %parallel_loop3A_353, %parallel_loop3A_399 : vector<16xf32>
      %parallel_loop3A_401 = arith.mulf %parallel_loop3A_397, %parallel_loop3A_375 : vector<16xf32>
      %parallel_loop3A_402 = arith.addf %parallel_loop3A_400, %parallel_loop3A_401 : vector<16xf32>
      %parallel_loop3A_403 = arith.mulf %parallel_loop3A_398, %parallel_loop3A_383 : vector<16xf32>
      %parallel_loop3A_404 = arith.addf %parallel_loop3A_402, %parallel_loop3A_403 : vector<16xf32>
      %parallel_loop3A_405 = arith.cmpi eq, %parallel_loop3A_388, %parallel_loop3A_354 : vector<16xi32>
      %parallel_loop3A_406 = arith.constant dense<true> : vector<16xi1>
      %parallel_loop3A_407 = arith.xori %parallel_loop3A_405, %parallel_loop3A_406 : vector<16xi1>
      %parallel_loop3A_408 = arith.constant 0 : i32
      %parallel_loop3A_409 = vector.broadcast %parallel_loop3A_408 : i32 to vector<16xi32>
      %parallel_loop3A_410 = arith.cmpi sge, %parallel_loop3A_354, %parallel_loop3A_409 : vector<16xi32>
      %parallel_loop3A_411 = arith.andi %parallel_loop3A_407, %parallel_loop3A_410 : vector<16xi1>
      %parallel_loop3A_412 = arith.constant 0 : i32
      %parallel_loop3A_413 = vector.broadcast %parallel_loop3A_412 : i32 to vector<16xi32>
      %parallel_loop3A_414 = arith.maxsi %parallel_loop3A_354, %parallel_loop3A_413 : vector<16xi32>
      tpu.vector_store_idx %arg29[%parallel_loop3A_414], %parallel_loop3A_355 masked %parallel_loop3A_411 {add = true} : memref<40960xf32, #tpu.memory_space<vmem>>[vector<16xi32>], vector<16xf32>, vector<16xi1>
      %parallel_loop3A_415 = arith.constant 8192 : i32
      %parallel_loop3A_416 = vector.broadcast %parallel_loop3A_415 : i32 to vector<16xi32>
      %parallel_loop3A_417 = arith.addi %parallel_loop3A_416, %parallel_loop3A_414 : vector<16xi32>
      tpu.vector_store_idx %arg29[%parallel_loop3A_417], %parallel_loop3A_356 masked %parallel_loop3A_411 {add = true} : memref<40960xf32, #tpu.memory_space<vmem>>[vector<16xi32>], vector<16xf32>, vector<16xi1>
      %parallel_loop3A_418 = arith.constant 16384 : i32
      %parallel_loop3A_419 = vector.broadcast %parallel_loop3A_418 : i32 to vector<16xi32>
      %parallel_loop3A_420 = arith.addi %parallel_loop3A_419, %parallel_loop3A_414 : vector<16xi32>
      tpu.vector_store_idx %arg29[%parallel_loop3A_420], %parallel_loop3A_357 masked %parallel_loop3A_411 {add = true} : memref<40960xf32, #tpu.memory_space<vmem>>[vector<16xi32>], vector<16xf32>, vector<16xi1>
      %parallel_loop3A_421 = arith.constant 24576 : i32
      %parallel_loop3A_422 = vector.broadcast %parallel_loop3A_421 : i32 to vector<16xi32>
      %parallel_loop3A_423 = arith.addi %parallel_loop3A_422, %parallel_loop3A_414 : vector<16xi32>
      tpu.vector_store_idx %arg29[%parallel_loop3A_423], %parallel_loop3A_358 masked %parallel_loop3A_411 {add = true} : memref<40960xf32, #tpu.memory_space<vmem>>[vector<16xi32>], vector<16xf32>, vector<16xi1>
      %parallel_loop3A_424 = arith.constant 32768 : i32
      %parallel_loop3A_425 = vector.broadcast %parallel_loop3A_424 : i32 to vector<16xi32>
      %parallel_loop3A_426 = arith.addi %parallel_loop3A_425, %parallel_loop3A_414 : vector<16xi32>
      tpu.vector_store_idx %arg29[%parallel_loop3A_426], %parallel_loop3A_359 masked %parallel_loop3A_411 {add = true} : memref<40960xf32, #tpu.memory_space<vmem>>[vector<16xi32>], vector<16xf32>, vector<16xi1>
      %parallel_loop3A_427 = arith.addf %parallel_loop3A_355, %parallel_loop3A_396 : vector<16xf32>
      %parallel_loop3A_428 = arith.select %parallel_loop3A_405, %parallel_loop3A_427, %parallel_loop3A_396 : vector<16xi1>, vector<16xf32>
      %parallel_loop3A_429 = arith.addf %parallel_loop3A_356, %parallel_loop3A_397 : vector<16xf32>
      %parallel_loop3A_430 = arith.select %parallel_loop3A_405, %parallel_loop3A_429, %parallel_loop3A_397 : vector<16xi1>, vector<16xf32>
      %parallel_loop3A_431 = arith.addf %parallel_loop3A_357, %parallel_loop3A_398 : vector<16xf32>
      %parallel_loop3A_432 = arith.select %parallel_loop3A_405, %parallel_loop3A_431, %parallel_loop3A_398 : vector<16xi1>, vector<16xf32>
      %parallel_loop3A_433 = arith.addf %parallel_loop3A_358, %parallel_loop3A_395 : vector<16xf32>
      %parallel_loop3A_434 = arith.select %parallel_loop3A_405, %parallel_loop3A_433, %parallel_loop3A_395 : vector<16xi1>, vector<16xf32>
      %parallel_loop3A_435 = arith.constant 1.000000e+00 : f32
      %parallel_loop3A_436 = vector.broadcast %parallel_loop3A_435 : f32 to vector<16xf32>
      %parallel_loop3A_437 = arith.subf %parallel_loop3A_436, %parallel_loop3A_395 : vector<16xf32>
      %parallel_loop3A_438 = arith.addf %parallel_loop3A_359, %parallel_loop3A_437 : vector<16xf32>
      %parallel_loop3A_439 = arith.constant 1.000000e+00 : f32
      %parallel_loop3A_440 = vector.broadcast %parallel_loop3A_439 : f32 to vector<16xf32>
      %parallel_loop3A_441 = arith.subf %parallel_loop3A_440, %parallel_loop3A_395 : vector<16xf32>
      %parallel_loop3A_442 = arith.select %parallel_loop3A_405, %parallel_loop3A_438, %parallel_loop3A_441 : vector<16xi1>, vector<16xf32>
      scf.yield %parallel_loop3A_404, %parallel_loop3A_388, %parallel_loop3A_428, %parallel_loop3A_430, %parallel_loop3A_432, %parallel_loop3A_434, %parallel_loop3A_442 : vector<16xf32>, vector<16xi32>, vector<16xf32>, vector<16xf32>, vector<16xf32>, vector<16xf32>, vector<16xf32>
    } {sc.loop_unroll_factor = 4 : i64, sc.parallel_access}
    %ge3A = arith.constant 0 : i32
    %ge3A_272 = vector.broadcast %ge3A : i32 to vector<16xi32>
    %ge3A_273 = arith.cmpi sge, %parallel_loop3A_271#1, %ge3A_272 : vector<16xi32>
    %max3A = arith.constant 0 : i32
    %max3A_274 = vector.broadcast %max3A : i32 to vector<16xi32>
    %max3A_275 = arith.maxsi %parallel_loop3A_271#1, %max3A_274 : vector<16xi32>
    tpu.vector_store_idx %arg29[%max3A_275], %parallel_loop3A_271#2 masked %ge3A_273 {add = true} : memref<40960xf32, #tpu.memory_space<vmem>>[vector<16xi32>], vector<16xf32>, vector<16xi1>
    %add3A_276 = arith.constant 8192 : i32
    %add3A_277 = vector.broadcast %add3A_276 : i32 to vector<16xi32>
    %add3A_278 = arith.addi %add3A_277, %max3A_275 : vector<16xi32>
    tpu.vector_store_idx %arg29[%add3A_278], %parallel_loop3A_271#3 masked %ge3A_273 {add = true} : memref<40960xf32, #tpu.memory_space<vmem>>[vector<16xi32>], vector<16xf32>, vector<16xi1>
    %add3A_279 = arith.constant 16384 : i32
    %add3A_280 = vector.broadcast %add3A_279 : i32 to vector<16xi32>
    %add3A_281 = arith.addi %add3A_280, %max3A_275 : vector<16xi32>
    tpu.vector_store_idx %arg29[%add3A_281], %parallel_loop3A_271#4 masked %ge3A_273 {add = true} : memref<40960xf32, #tpu.memory_space<vmem>>[vector<16xi32>], vector<16xf32>, vector<16xi1>
    %add3A_282 = arith.constant 24576 : i32
    %add3A_283 = vector.broadcast %add3A_282 : i32 to vector<16xi32>
    %add3A_284 = arith.addi %add3A_283, %max3A_275 : vector<16xi32>
    tpu.vector_store_idx %arg29[%add3A_284], %parallel_loop3A_271#5 masked %ge3A_273 {add = true} : memref<40960xf32, #tpu.memory_space<vmem>>[vector<16xi32>], vector<16xf32>, vector<16xi1>
    %add3A_285 = arith.constant 32768 : i32
    %add3A_286 = vector.broadcast %add3A_285 : i32 to vector<16xi32>
    %add3A_287 = arith.addi %add3A_286, %max3A_275 : vector<16xi32>
    tpu.vector_store_idx %arg29[%add3A_287], %parallel_loop3A_271#6 masked %ge3A_273 {add = true} : memref<40960xf32, #tpu.memory_space<vmem>>[vector<16xi32>], vector<16xf32>, vector<16xi1>
    %parallel_loop3A_288 = arith.constant 0 : i32
    %parallel_loop3A_289 = arith.constant 8192 : i32
    %parallel_loop3A_290 = arith.constant 16 : i32
    %parallel_loop3A_291:2 = scf.for %parallel_loop3A_352 = %parallel_loop3A_288 to %parallel_loop3A_289 step %parallel_loop3A_290 iter_args(%parallel_loop3A_353 = %broadcast_in_dim3A_3, %parallel_loop3A_354 = %broadcast_in_dim3A_3) -> (vector<16xf32>, vector<16xf32>)  : i32 {
      %parallel_loop3A_355 = vector.broadcast %parallel_loop3A_352 : i32 to vector<16xi32>
      %parallel_loop3A_356 = arith.addi %iota3A, %parallel_loop3A_355 : vector<16xi32>
      %parallel_loop3A_357 = arith.index_cast %parallel_loop3A_352 : i32 to index
      %parallel_loop3A_358 = tpu.vector_load %arg29[%parallel_loop3A_357] {strides = array<i32>} : memref<40960xf32, #tpu.memory_space<vmem>>, vector<16xf32>,
      %parallel_loop3A_359 = arith.constant 8192 : i32
      %parallel_loop3A_360 = arith.addi %parallel_loop3A_359, %parallel_loop3A_352 : i32
      %parallel_loop3A_361 = arith.index_cast %parallel_loop3A_360 : i32 to index
      %parallel_loop3A_362 = tpu.vector_load %arg29[%parallel_loop3A_361] {strides = array<i32>} : memref<40960xf32, #tpu.memory_space<vmem>>, vector<16xf32>,
      %parallel_loop3A_363 = arith.constant 16384 : i32
      %parallel_loop3A_364 = arith.addi %parallel_loop3A_363, %parallel_loop3A_352 : i32
      %parallel_loop3A_365 = arith.index_cast %parallel_loop3A_364 : i32 to index
      %parallel_loop3A_366 = tpu.vector_load %arg29[%parallel_loop3A_365] {strides = array<i32>} : memref<40960xf32, #tpu.memory_space<vmem>>, vector<16xf32>,
      %parallel_loop3A_367 = arith.constant 24576 : i32
      %parallel_loop3A_368 = arith.addi %parallel_loop3A_367, %parallel_loop3A_352 : i32
      %parallel_loop3A_369 = arith.index_cast %parallel_loop3A_368 : i32 to index
      %parallel_loop3A_370 = tpu.vector_load %arg29[%parallel_loop3A_369] {strides = array<i32>} : memref<40960xf32, #tpu.memory_space<vmem>>, vector<16xf32>,
      %parallel_loop3A_371 = arith.constant 32768 : i32
      %parallel_loop3A_372 = arith.addi %parallel_loop3A_371, %parallel_loop3A_352 : i32
      %parallel_loop3A_373 = arith.index_cast %parallel_loop3A_372 : i32 to index
      %parallel_loop3A_374 = tpu.vector_load %arg29[%parallel_loop3A_373] {strides = array<i32>} : memref<40960xf32, #tpu.memory_space<vmem>>, vector<16xf32>,
      %parallel_loop3A_375 = vector.broadcast %and3A_109 : i32 to vector<16xi32>
      %parallel_loop3A_376 = arith.cmpi sgt, %parallel_loop3A_356, %parallel_loop3A_375 : vector<16xi32>
      %parallel_loop3A_377 = vector.broadcast %and3A_267 : i32 to vector<16xi32>
      %parallel_loop3A_378 = arith.cmpi slt, %parallel_loop3A_356, %parallel_loop3A_377 : vector<16xi32>
      %parallel_loop3A_379 = arith.andi %parallel_loop3A_376, %parallel_loop3A_378 : vector<16xi1>
      %parallel_loop3A_380 = arith.constant 0.000000e+00 : f32
      %parallel_loop3A_381 = vector.broadcast %parallel_loop3A_380 : f32 to vector<16xf32>
      %parallel_loop3A_382 = arith.cmpf oeq, %parallel_loop3A_374, %parallel_loop3A_381 : vector<16xf32>
      %parallel_loop3A_383 = arith.andi %parallel_loop3A_379, %parallel_loop3A_382 : vector<16xi1>
      %parallel_loop3A_384 = arith.mulf %parallel_loop3A_358, %parallel_loop3A_358 : vector<16xf32>
      %parallel_loop3A_385 = arith.mulf %parallel_loop3A_362, %parallel_loop3A_362 : vector<16xf32>
      %parallel_loop3A_386 = arith.addf %parallel_loop3A_384, %parallel_loop3A_385 : vector<16xf32>
      %parallel_loop3A_387 = arith.mulf %parallel_loop3A_366, %parallel_loop3A_366 : vector<16xf32>
      %parallel_loop3A_388 = arith.addf %parallel_loop3A_386, %parallel_loop3A_387 : vector<16xf32>
      %parallel_loop3A_389 = arith.constant 1.000000e+00 : f32
      %parallel_loop3A_390 = vector.broadcast %parallel_loop3A_389 : f32 to vector<16xf32>
      %parallel_loop3A_391 = arith.maximumf %parallel_loop3A_370, %parallel_loop3A_390 : vector<16xf32>
      %parallel_loop3A_392 = arith.divf %parallel_loop3A_388, %parallel_loop3A_391 : vector<16xf32>
      %parallel_loop3A_393 = arith.constant 0.000000e+00 : f32
      %parallel_loop3A_394 = vector.broadcast %parallel_loop3A_393 : f32 to vector<16xf32>
      %parallel_loop3A_395 = arith.select %parallel_loop3A_383, %parallel_loop3A_392, %parallel_loop3A_394 : vector<16xi1>, vector<16xf32>
      %parallel_loop3A_396 = arith.addf %parallel_loop3A_353, %parallel_loop3A_395 : vector<16xf32>
      %parallel_loop3A_397 = arith.addf %parallel_loop3A_354, %parallel_loop3A_370 : vector<16xf32>
      scf.yield %parallel_loop3A_396, %parallel_loop3A_397 : vector<16xf32>, vector<16xf32>
    } {sc.loop_unroll_factor = 2 : i64, sc.parallel_access}
    %sub3A = arith.constant 5 : i32
    %sub3A_292 = vector.broadcast %sub3A : i32 to vector<16xi32>
    %sub3A_293 = arith.subi %iota3A, %sub3A_292 : vector<16xi32>
    %lt3A = arith.constant 5 : i32
    %lt3A_294 = vector.broadcast %lt3A : i32 to vector<16xi32>
    %lt3A_295 = arith.cmpi slt, %iota3A, %lt3A_294 : vector<16xi32>
    %lt3A_296 = arith.constant 10 : i32
    %lt3A_297 = vector.broadcast %lt3A_296 : i32 to vector<16xi32>
    %lt3A_298 = arith.cmpi slt, %iota3A, %lt3A_297 : vector<16xi32>
    %jit3A = arith.constant 0 : i32
    %broadcast_in_dim3A_299 = vector.broadcast %jit3A : i32 to vector<16xi32>
    %select_n3A = arith.select %lt3A_298, %sub3A_293, %broadcast_in_dim3A_299 : vector<16xi1>, vector<16xi32>
    %select_n3A_300 = arith.select %lt3A_295, %iota3A, %select_n3A : vector<16xi1>, vector<16xi32>
    %lt3A_301 = arith.constant 5 : i32
    %lt3A_302 = vector.broadcast %lt3A_301 : i32 to vector<16xi32>
    %lt3A_303 = arith.cmpi slt, %iota3A, %lt3A_302 : vector<16xi32>
    %lt3A_304 = arith.constant 10 : i32
    %lt3A_305 = vector.broadcast %lt3A_304 : i32 to vector<16xi32>
    %lt3A_306 = arith.cmpi slt, %iota3A, %lt3A_305 : vector<16xi32>
    %jit3A_307 = arith.constant 0 : i32
    %broadcast_in_dim3A_308 = vector.broadcast %and3A_267 : i32 to vector<16xi32>
    %broadcast_in_dim3A_309 = vector.broadcast %jit3A_307 : i32 to vector<16xi32>
    %select_n3A_310 = arith.select %lt3A_306, %broadcast_in_dim3A_308, %broadcast_in_dim3A_309 : vector<16xi1>, vector<16xi32>
    %broadcast_in_dim3A_311 = vector.broadcast %and3A_109 : i32 to vector<16xi32>
    %select_n3A_312 = arith.select %lt3A_303, %broadcast_in_dim3A_311, %select_n3A_310 : vector<16xi1>, vector<16xi32>
    %mul3A_313 = arith.constant 8192 : i32
    %mul3A_314 = vector.broadcast %mul3A_313 : i32 to vector<16xi32>
    %mul3A_315 = arith.muli %select_n3A_300, %mul3A_314 : vector<16xi32>
    %add3A_316 = arith.addi %mul3A_315, %select_n3A_312 : vector<16xi32>
    %gather3A = tpu.vector_load_idx %arg29[%add3A_316] : memref<40960xf32, #tpu.memory_space<vmem>>[vector<16xi32>], vector<16xf32>,
    %ge3A_317 = arith.constant 5 : i32
    %ge3A_318 = vector.broadcast %ge3A_317 : i32 to vector<16xi32>
    %ge3A_319 = arith.cmpi sge, %iota3A, %ge3A_318 : vector<16xi32>
    %lt3A_320 = arith.constant 10 : i32
    %lt3A_321 = vector.broadcast %lt3A_320 : i32 to vector<16xi32>
    %lt3A_322 = arith.cmpi slt, %iota3A, %lt3A_321 : vector<16xi32>
    %and3A_323 = arith.andi %ge3A_319, %lt3A_322 : vector<16xi1>
    %eq3A = arith.cmpi eq, %and3A_109, %and3A_267 : i32
    %and3A_324 = vector.broadcast %eq3A : i1 to vector<16xi1>
    %and3A_325 = arith.andi %and3A_323, %and3A_324 : vector<16xi1>
    %jit3A_326 = arith.constant 0.000000e+00 : f32
    %broadcast_in_dim3A_327 = vector.broadcast %jit3A_326 : f32 to vector<16xf32>
    %select_n3A_328 = arith.select %and3A_325, %broadcast_in_dim3A_327, %gather3A : vector<16xi1>, vector<16xf32>
    %eq3A_329 = arith.constant 10 : i32
    %eq3A_330 = vector.broadcast %eq3A_329 : i32 to vector<16xi32>
    %eq3A_331 = arith.cmpi eq, %iota3A, %eq3A_330 : vector<16xi32>
    %eq3A_332 = arith.constant 11 : i32
    %eq3A_333 = vector.broadcast %eq3A_332 : i32 to vector<16xi32>
    %eq3A_334 = arith.cmpi eq, %iota3A, %eq3A_333 : vector<16xi32>
    %jit3A_335 = arith.constant 0 : i32
    %broadcast_in_dim3A_336 = vector.broadcast %and3A_267 : i32 to vector<16xi32>
    %broadcast_in_dim3A_337 = vector.broadcast %jit3A_335 : i32 to vector<16xi32>
    %select_n3A_338 = arith.select %eq3A_334, %broadcast_in_dim3A_336, %broadcast_in_dim3A_337 : vector<16xi1>, vector<16xi32>
    %broadcast_in_dim3A_339 = vector.broadcast %and3A_109 : i32 to vector<16xi32>
    %select_n3A_340 = arith.select %eq3A_331, %broadcast_in_dim3A_339, %select_n3A_338 : vector<16xi1>, vector<16xi32>
    %ge3A_341 = arith.constant 10 : i32
    %ge3A_342 = vector.broadcast %ge3A_341 : i32 to vector<16xi32>
    %ge3A_343 = arith.cmpi sge, %iota3A, %ge3A_342 : vector<16xi32>
    %convert_element_type3A = arith.sitofp %select_n3A_340 : vector<16xi32> to vector<16xf32>
    %select_n3A_344 = arith.select %ge3A_343, %convert_element_type3A, %select_n3A_328 : vector<16xi1>, vector<16xf32>
    %swap3A = arith.constant 0 : index
    %swap3A_345 = tpu.vector_load %arg30[%swap3A] {strides = array<i32>} : memref<64xf32, #tpu.memory_space<vmem>>, vector<16xf32>,
    tpu.vector_store %arg30[%swap3A], %parallel_loop3A_271#0 {strides = array<i32>} : memref<64xf32, #tpu.memory_space<vmem>>, vector<16xf32>,
    %swap3A_346 = arith.constant 16 : index
    %swap3A_347 = tpu.vector_load %arg30[%swap3A_346] {strides = array<i32>} : memref<64xf32, #tpu.memory_space<vmem>>, vector<16xf32>,
    tpu.vector_store %arg30[%swap3A_346], %parallel_loop3A_291#0 {strides = array<i32>} : memref<64xf32, #tpu.memory_space<vmem>>, vector<16xf32>,
    %swap3A_348 = arith.constant 32 : index
    %swap3A_349 = tpu.vector_load %arg30[%swap3A_348] {strides = array<i32>} : memref<64xf32, #tpu.memory_space<vmem>>, vector<16xf32>,
    tpu.vector_store %arg30[%swap3A_348], %parallel_loop3A_291#1 {strides = array<i32>} : memref<64xf32, #tpu.memory_space<vmem>>, vector<16xf32>,
    %swap3A_350 = arith.constant 48 : index
    %swap3A_351 = tpu.vector_load %arg30[%swap3A_350] {strides = array<i32>} : memref<64xf32, #tpu.memory_space<vmem>>, vector<16xf32>,
    tpu.vector_store %arg30[%swap3A_350], %select_n3A_344 {strides = array<i32>} : memref<64xf32, #tpu.memory_space<vmem>>, vector<16xf32>,
    "tpu.region"() ({
      %run_scoped3A = tpu.sem_alloc : memref<!tpu.dma_semaphore, #tpu.memory_space<semaphore_mem>>
      %dma_start3A_352 = arith.constant 0 : i32
      %dma_start3A_353 = tpu.memref_slice %arg6[%add3A, %dma_start3A_352] : memref<32x64xf32, #tpu.memory_space<hbm>> -> memref<1x64xf32, #tpu.memory_space<hbm>>
      %dma_start3A_354 = tpu.memref_squeeze %dma_start3A_353 : memref<1x64xf32, #tpu.memory_space<hbm>> -> memref<64xf32, #tpu.memory_space<hbm>>
      %dma_start3A_355 = arith.constant 0 : i32
      %dma_start3A_356 = tpu.memref_slice %arg6[%add3A, %dma_start3A_355] : memref<32x64xf32, #tpu.memory_space<hbm>> -> memref<1x64xf32, #tpu.memory_space<hbm>>
      %dma_start3A_357 = tpu.memref_squeeze %dma_start3A_356 : memref<1x64xf32, #tpu.memory_space<hbm>> -> memref<64xf32, #tpu.memory_space<hbm>>
      tpu.enqueue_dma source(%arg30 : memref<64xf32, #tpu.memory_space<vmem>>) target(%dma_start3A_357 : memref<64xf32, #tpu.memory_space<hbm>>) target_semaphore(%run_scoped3A : memref<!tpu.dma_semaphore, #tpu.memory_space<semaphore_mem>>)
      %dma_wait3A_358 = arith.constant 0 : i32
      %dma_wait3A_359 = tpu.memref_slice %arg6[%add3A, %dma_wait3A_358] : memref<32x64xf32, #tpu.memory_space<hbm>> -> memref<1x64xf32, #tpu.memory_space<hbm>>
      %dma_wait3A_360 = tpu.memref_squeeze %dma_wait3A_359 : memref<1x64xf32, #tpu.memory_space<hbm>> -> memref<64xf32, #tpu.memory_space<hbm>>
      %dma_wait3A_361 = arith.constant 0 : i32
      %dma_wait3A_362 = tpu.memref_slice %arg6[%add3A, %dma_wait3A_361] : memref<32x64xf32, #tpu.memory_space<hbm>> -> memref<1x64xf32, #tpu.memory_space<hbm>>
      %dma_wait3A_363 = tpu.memref_squeeze %dma_wait3A_362 : memref<1x64xf32, #tpu.memory_space<hbm>> -> memref<64xf32, #tpu.memory_space<hbm>>
      tpu.wait_dma2 semaphore(%run_scoped3A : memref<!tpu.dma_semaphore, #tpu.memory_space<semaphore_mem>>) src(%arg30 : memref<64xf32, #tpu.memory_space<vmem>>) dst(%dma_wait3A_363 : memref<64xf32, #tpu.memory_space<hbm>>)
      tpu.yield
    }) : () -> ()
    return
  }
}

module attributes {stable_mosaic.version = 14 : i64} {
  func.func @_tc_merge(%arg0: memref<32x64xf32, #tpu.memory_space<vmem>>, %arg1: memref<1x1xf32, #tpu.memory_space<smem>>) attributes {dimension_semantics = [], scalar_prefetch = 0 : i64, scratch_operands = 0 : i64, tpu.core_type = #tpu.core_type<tc>} {
    %get3A = arith.constant 0 : index
    %get3A_0 = arith.constant 0 : index
    %get3A_1 = vector.load %arg0[%get3A, %get3A_0] : memref<32x64xf32, #tpu.memory_space<vmem>>, vector<32x64xf32>
    %slice3A = vector.extract_strided_slice %get3A_1 {offsets = [0, 0], sizes = [32, 16], strides = [1, 1]} : vector<32x64xf32> to vector<32x16xf32>
    %reduce_sum3A = vector.shape_cast %slice3A : vector<32x16xf32> to vector<1x32x16xf32>
    %reduce_sum3A_2 = arith.constant dense<0.000000e+00> : vector<1xf32>
    %reduce_sum3A_3 = vector.multi_reduction <add>, %reduce_sum3A, %reduce_sum3A_2 [1, 2] : vector<1x32x16xf32> to vector<1xf32>
    %reduce_sum3A_4 = vector.shape_cast %reduce_sum3A_3 : vector<1xf32> to vector<1x1x1xf32>
    %reduce_sum3A_5 = vector.extract %reduce_sum3A_4[0, 0, 0] : f32 from vector<1x1x1xf32>
    %slice3A_6 = vector.extract_strided_slice %get3A_1 {offsets = [0, 16], sizes = [32, 16], strides = [1, 1]} : vector<32x64xf32> to vector<32x16xf32>
    %reduce_sum3A_7 = vector.shape_cast %slice3A_6 : vector<32x16xf32> to vector<1x32x16xf32>
    %reduce_sum3A_8 = arith.constant dense<0.000000e+00> : vector<1xf32>
    %reduce_sum3A_9 = vector.multi_reduction <add>, %reduce_sum3A_7, %reduce_sum3A_8 [1, 2] : vector<1x32x16xf32> to vector<1xf32>
    %reduce_sum3A_10 = vector.shape_cast %reduce_sum3A_9 : vector<1xf32> to vector<1x1x1xf32>
    %reduce_sum3A_11 = vector.extract %reduce_sum3A_10[0, 0, 0] : f32 from vector<1x1x1xf32>
    %slice3A_12 = vector.extract_strided_slice %get3A_1 {offsets = [0, 32], sizes = [32, 16], strides = [1, 1]} : vector<32x64xf32> to vector<32x16xf32>
    %reduce_sum3A_13 = vector.shape_cast %slice3A_12 : vector<32x16xf32> to vector<1x32x16xf32>
    %reduce_sum3A_14 = arith.constant dense<0.000000e+00> : vector<1xf32>
    %reduce_sum3A_15 = vector.multi_reduction <add>, %reduce_sum3A_13, %reduce_sum3A_14 [1, 2] : vector<1x32x16xf32> to vector<1xf32>
    %reduce_sum3A_16 = vector.shape_cast %reduce_sum3A_15 : vector<1xf32> to vector<1x1x1xf32>
    %reduce_sum3A_17 = vector.extract %reduce_sum3A_16[0, 0, 0] : f32 from vector<1x1x1xf32>
    %slice3A_18 = vector.extract_strided_slice %get3A_1 {offsets = [0, 48], sizes = [32, 16], strides = [1, 1]} : vector<32x64xf32> to vector<32x16xf32>
    %slice3A_19 = vector.extract_strided_slice %slice3A_18 {offsets = [0, 10], sizes = [32, 1], strides = [1, 1]} : vector<32x16xf32> to vector<32x1xf32>
    %slice3A_20 = vector.extract_strided_slice %slice3A_18 {offsets = [0, 11], sizes = [32, 1], strides = [1, 1]} : vector<32x16xf32> to vector<32x1xf32>
    %concatenate3A = tpu.concatenate %slice3A_19, %slice3A_20 in 0 : vector<32x1xf32>, vector<32x1xf32> -> vector<64x1xf32>
    %slice3A_21 = vector.extract_strided_slice %slice3A_18 {offsets = [0, 0], sizes = [32, 5], strides = [1, 1]} : vector<32x16xf32> to vector<32x5xf32>
    %slice3A_22 = vector.extract_strided_slice %slice3A_18 {offsets = [0, 5], sizes = [32, 5], strides = [1, 1]} : vector<32x16xf32> to vector<32x5xf32>
    %concatenate3A_23 = tpu.concatenate %slice3A_21, %slice3A_22 in 0 : vector<32x5xf32>, vector<32x5xf32> -> vector<64x5xf32>
    %iota3A = tpu.iota {dimensions = array<i32: 1>} : vector<64x8192xi32>
    %convert_element_type3A = arith.fptosi %concatenate3A : vector<64x1xf32> to vector<64x1xi32>
    %eq3A = vector.broadcast %convert_element_type3A : vector<64x1xi32> to vector<64x8192xi32>
    %eq3A_24 = arith.cmpi eq, %eq3A, %iota3A : vector<64x8192xi32>
    %convert_element_type3A_25 = arith.extui %eq3A_24 : vector<64x8192xi1> to vector<64x8192xi32>
    %convert_element_type3A_26 = arith.sitofp %convert_element_type3A_25 : vector<64x8192xi32> to vector<64x8192xf32>
    %dot_general3A = arith.constant dense<0.000000e+00> : vector<5x8192xf32>
    %dot_general3A_27 = tpu.matmul %concatenate3A_23, %convert_element_type3A_26, %dot_general3A {dimension_numbers = #tpu.dot_dimension_numbers<[0], [0], [1], [1], [0, 1, 1, 1], [], []>, transpose_lhs_hint = false} : vector<64x5xf32>, vector<64x8192xf32>, vector<5x8192xf32> -> vector<5x8192xf32>
    %reduce_sum3A_28 = arith.constant dense<0.000000e+00> : vector<8192xf32>
    %reduce_sum3A_29 = vector.multi_reduction <add>, %convert_element_type3A_26, %reduce_sum3A_28 [0] : vector<64x8192xf32> to vector<8192xf32>
    %broadcast_in_dim3A = vector.shape_cast %reduce_sum3A_29 : vector<8192xf32> to vector<1x8192xf32>
    %slice3A_30 = vector.extract_strided_slice %dot_general3A_27 {offsets = [0, 0], sizes = [1, 8192], strides = [1, 1]} : vector<5x8192xf32> to vector<1x8192xf32>
    %slice3A_31 = vector.extract_strided_slice %dot_general3A_27 {offsets = [1, 0], sizes = [1, 8192], strides = [1, 1]} : vector<5x8192xf32> to vector<1x8192xf32>
    %slice3A_32 = vector.extract_strided_slice %dot_general3A_27 {offsets = [2, 0], sizes = [1, 8192], strides = [1, 1]} : vector<5x8192xf32> to vector<1x8192xf32>
    %slice3A_33 = vector.extract_strided_slice %dot_general3A_27 {offsets = [3, 0], sizes = [1, 8192], strides = [1, 1]} : vector<5x8192xf32> to vector<1x8192xf32>
    %slice3A_34 = vector.extract_strided_slice %dot_general3A_27 {offsets = [4, 0], sizes = [1, 8192], strides = [1, 1]} : vector<5x8192xf32> to vector<1x8192xf32>
    %mul3A = arith.mulf %slice3A_30, %slice3A_30 : vector<1x8192xf32>
    %mul3A_35 = arith.mulf %slice3A_31, %slice3A_31 : vector<1x8192xf32>
    %add3A = arith.addf %mul3A, %mul3A_35 : vector<1x8192xf32>
    %mul3A_36 = arith.mulf %slice3A_32, %slice3A_32 : vector<1x8192xf32>
    %add3A_37 = arith.addf %add3A, %mul3A_36 : vector<1x8192xf32>
    %gt3A = arith.constant 0.000000e+00 : f32
    %gt3A_38 = vector.broadcast %gt3A : f32 to vector<1x8192xf32>
    %gt3A_39 = arith.cmpf ogt, %broadcast_in_dim3A, %gt3A_38 : vector<1x8192xf32>
    %eq3A_40 = arith.constant 0.000000e+00 : f32
    %eq3A_41 = vector.broadcast %eq3A_40 : f32 to vector<1x8192xf32>
    %eq3A_42 = arith.cmpf oeq, %slice3A_34, %eq3A_41 : vector<1x8192xf32>
    %and3A = arith.andi %gt3A_39, %eq3A_42 : vector<1x8192xi1>
    %max3A = arith.constant 1.000000e+00 : f32
    %max3A_43 = vector.broadcast %max3A : f32 to vector<1x8192xf32>
    %max3A_44 = arith.maximumf %slice3A_33, %max3A_43 : vector<1x8192xf32>
    %div3A = arith.divf %add3A_37, %max3A_44 : vector<1x8192xf32>
    %jit3A = arith.constant 0.000000e+00 : f32
    %broadcast_in_dim3A_45 = vector.broadcast %jit3A : f32 to vector<1x8192xf32>
    %select_n3A = arith.select %and3A, %div3A, %broadcast_in_dim3A_45 : vector<1x8192xi1>, vector<1x8192xf32>
    %reduce_sum3A_46 = vector.shape_cast %select_n3A : vector<1x8192xf32> to vector<1x1x8192xf32>
    %reduce_sum3A_47 = arith.constant dense<0.000000e+00> : vector<1xf32>
    %reduce_sum3A_48 = vector.multi_reduction <add>, %reduce_sum3A_46, %reduce_sum3A_47 [1, 2] : vector<1x1x8192xf32> to vector<1xf32>
    %reduce_sum3A_49 = vector.shape_cast %reduce_sum3A_48 : vector<1xf32> to vector<1x1x1xf32>
    %reduce_sum3A_50 = vector.extract %reduce_sum3A_49[0, 0, 0] : f32 from vector<1x1x1xf32>
    %sub3A = arith.subf %reduce_sum3A_5, %reduce_sum3A_11 : f32
    %sub3A_51 = arith.subf %sub3A, %reduce_sum3A_50 : f32
    %max3A_52 = arith.constant 1.000000e+00 : f32
    %max3A_53 = arith.maximumf %reduce_sum3A_17, %max3A_52 : f32
    %div3A_54 = arith.divf %sub3A_51, %max3A_53 : f32
    %swap3A = arith.constant 0 : index
    %swap3A_55 = arith.constant 0 : index
    %swap3A_56 = memref.load %arg1[%swap3A, %swap3A_55] : memref<1x1xf32, #tpu.memory_space<smem>>
    memref.store %div3A_54, %arg1[%swap3A, %swap3A_55] : memref<1x1xf32, #tpu.memory_space<smem>>
    return
  }
}

</mosaic_0001>

<sc_bundles>
// kernel: kernel.4.cloned.1.call-start
scs
__scs_entry_jumppad:
0x0: {  	(pc) =	sbr.rel $0x88, $3  }
0x1: {  	(tag) =	ssettag $0x0;
	lr =	simm.s32 $0x1  }
0x2: {  	[smem:$0x3F9B] =	sst lr;
	_ =	strace $0xD0000000  }
0x3: {  	_ = 	snop  }
0x4: {  	_ = 	snop  }
0x5: {  	_ = 	snop  }
0x6: {  	_ = 	snop  }
0x7: {  	_ = 	snop  }
__scs_overlays_trampoline_lowered:
0x8: {  	[smem:$0x3FAA] =	sst s0  }
0x9: {  	[smem:$0x3FAB] =	sst s1  }
0xa: {  	[smem:$0x3FAC] =	sst s2  }
0xb: {  	[smem:$0x3FAD] =	sst s3  }
0xc: {  	[smem:$0x3FAE] =	sst s4  }
0xd: {  	[smem:$0x3FAF] =	sst s5  }
0xe: {  	[smem:$0x3FB0] =	sst s6  }
0xf: {  	[smem:$0x3FB1] =	sst s7  }
0x10: {  	[smem:$0x3FB2] =	sst s8  }
0x11: {  	[smem:$0x3FB3] =	sst s9;
	s0 =	simm.s32 @!p0 $0x0  }
0x12: {  	s1 =	sld [smem:$0x3F99];
	s0 =	simm.s32 @p0 $0x1  }
0x13: {  	[smem:$0x3FB4] =	sst s0;
	s0 =	simm.s32 @!p1 $0x0  }
0x14: {  	s2 =	sld [smem:$0x3F98];
	s0 =	simm.s32 @p1 $0x1  }
0x15: {  	[smem:$0x3FB5] =	sst s0;
	s0 =	simm.s32 @!p2 $0x0  }
0x16: {  	s3 =	sld [smem:$0x3FDB];
	s0 =	simm.s32 @p2 $0x1  }
0x17: {  	s4 =	simm.s32 $0x1BF5;
	[smem:$0x3FB7] =	sst s0  }
0x18: {  	s0 =	sld [smem:$0x3F9A];
	_ =	swait.ge [sflag:s4], $0x0  }
0x19: {  	s7 =	sld [smem:$0x3F9B]  }
0x1a: {  	s8 =	sadd.s32 $0xFFFFE003, lr  }
0x1b: {  	s9 =	sadd.s32 $0xFFFFFEF7, lr;
	s5 =	simm.s32 $0xFFFFFFFF;
	p2 =	slt.u32 s8, $0xFFFFF086  }
0x1c: {  	p1 =	slt.u32 s9, $0xF7A;
	s5 =	simm.s32 @!p2 $0x0  }
0x1d: {  	s5 =	simm.s32 @p1 $0x1;
	p0 =	seq.s32 s7, s2  }
0x1e: {  	s7 =	smul.u32 @!p0 $0xF7A, s2;
	p2 =	seq.s32 @!p0 s5, $0x0  }
0x1f: {  	s9 =	smul.u32 $0xF7A, s1;
	s8 =	simm.s32 @!p0 $0x1BF5;
	p2 =	por !p2, p0  }
0x20: {  	[sflag:s8] =	ssyncset.s32 @!p0 $0xFFFFF086;
	s6 =	sadd.s32 @!p0 s3, s7;
	s7 =	simm.s32 @!p0 $0x108  }
0x21: {  	s3 =	sadd.s32 s3, s9;
	s6 =	sadd.s32 @!p0 $0x88, s6;
	s7 =	simm.s32 @p2 $0x1082  }
0x22: {  	[simem:s7], [sflag:s8] =	dma.local @!p0 [hbm:s6], $0xF7A  }
0x23: {  	s9 =	sor.u32 $0xD0000000, s2;
	s6 =	simm.s32 $0x108;
	_ =	swait.ge @!p0 [sflag:s8], $0x0  }
0x24: {  	s3 =	sadd.s32 $0x88, s3;
	s6 =	simm.s32 @!p1 $0x1082;
	[sflag:s4] =	ssyncset.s32 $0xFFFFF086  }
0x25: {  	[simem:s6], [sflag:s4] =	dma.local [hbm:s3], $0xF7A  }
0x26: {  	[smem:$0x3F9B] =	sst s1;
	(tag) =	ssettag s2;
	_ =	strace s9  }
0x27: {  	s1 =	sld [smem:$0x3FAB]  }
0x28: {  	s2 =	sld [smem:$0x3FAC]  }
0x29: {  	s4 =	sld [smem:$0x3FAE]  }
0x2a: {  	p0 =	seq.s32 s5, $0x0;
	s5 =	sld [smem:$0x3FAF]  }
0x2b: {  	s6 =	sld [smem:$0x3FB0]  }
0x2c: {  	s7 =	sld [smem:$0x3FB1]  }
0x2d: {  	s3 =	simm.s32 $0x108;
	s8 =	sld [smem:$0x3FB2]  }
0x2e: {  	s3 =	simm.s32 @!p0 $0x1082;
	s9 =	sld [smem:$0x3FB3]  }
0x2f: {  	lr =	sadd.s32 s0, s3;
	s0 =	sld [smem:$0x3FAA]  }
0x30: {  	s3 =	sld [smem:$0x3FAD]  }
0x31: {  	[smem:$0x3FB6] =	sst s10  }
0x32: {  	s10 =	sld [smem:$0x3FB4];
	_ =	sdelay $0x3  }
0x33: {  	p0 =	seq.s32 s10, $0x1;
	s10 =	sld [smem:$0x3FB6];
	_ =	sdelay $0x3  }
0x34: {  	[smem:$0x3FB6] =	sst s10  }
0x35: {  	s10 =	sld [smem:$0x3FB5];
	_ =	sdelay $0x3  }
0x36: {  	p1 =	seq.s32 s10, $0x1;
	s10 =	sld [smem:$0x3FB6];
	_ =	sdelay $0x3  }
0x37: {  	[smem:$0x3FB6] =	sst s10  }
0x38: {  	s10 =	sld [smem:$0x3FB7]  }
0x39: {  	_ = 	snop;
	(pc) =	sbr.ind lr, $3  }
0x3a: {  	_ = 	snop  }
0x3b: {  	_ = 	snop  }
0x3c: {  	p2 =	seq.s32 s10, $0x1;
	s10 =	sld [smem:$0x3FB6]  }
0x3d: {  	_ =	shalt  }
0x3e: {  	_ =	shalt  }
0x3f: {  	_ =	shalt  }
0x40: {  	_ =	shalt  }
0x41: {  	_ =	shalt  }
0x42: {  	_ =	shalt  }
0x43: {  	_ =	shalt  }
0x44: {  	_ =	shalt  }
0x45: {  	_ =	shalt  }
0x46: {  	_ =	shalt  }
0x47: {  	_ =	shalt  }
0x48: {  	_ =	shalt  }
0x49: {  	_ =	shalt  }
0x4a: {  	_ =	shalt  }
0x4b: {  	_ =	shalt  }
0x4c: {  	_ =	shalt  }
0x4d: {  	_ =	shalt  }
0x4e: {  	_ =	shalt  }
0x4f: {  	_ =	shalt  }
0x50: {  	_ =	shalt  }
0x51: {  	_ =	shalt  }
0x52: {  	_ =	shalt  }
0x53: {  	_ =	shalt  }
0x54: {  	_ =	shalt  }
0x55: {  	_ =	shalt  }
0x56: {  	_ =	shalt  }
0x57: {  	_ =	shalt  }
0x58: {  	_ =	shalt  }
0x59: {  	_ =	shalt  }
0x5a: {  	_ =	shalt  }
0x5b: {  	_ =	shalt  }
0x5c: {  	_ =	shalt  }
0x5d: {  	_ =	shalt  }
0x5e: {  	_ =	shalt  }
0x5f: {  	_ =	shalt  }
0x60: {  	_ =	shalt  }
0x61: {  	_ =	shalt  }
0x62: {  	_ =	shalt  }
0x63: {  	_ =	shalt  }
0x64: {  	_ =	shalt  }
0x65: {  	_ =	shalt  }
0x66: {  	_ =	shalt  }
0x67: {  	_ =	shalt  }
0x68: {  	_ =	shalt  }
0x69: {  	_ =	shalt  }
0x6a: {  	_ =	shalt  }
0x6b: {  	_ =	shalt  }
0x6c: {  	_ =	shalt  }
0x6d: {  	_ =	shalt  }
0x6e: {  	_ =	shalt  }
0x6f: {  	_ =	shalt  }
0x70: {  	_ =	shalt  }
0x71: {  	_ =	shalt  }
0x72: {  	_ =	shalt  }
0x73: {  	_ =	shalt  }
0x74: {  	_ =	shalt  }
0x75: {  	_ =	shalt  }
0x76: {  	_ =	shalt  }
0x77: {  	_ =	shalt  }
0x78: {  	_ =	shalt  }
0x79: {  	_ =	shalt  }
0x7a: {  	_ =	shalt  }
0x7b: {  	_ =	shalt  }
0x7c: {  	_ =	shalt  }
0x7d: {  	_ =	shalt  }
0x7e: {  	_ =	shalt  }
0x7f: {  	_ =	shalt  }
0x80: {  	_ =	shalt  }
0x81: {  	_ =	shalt  }
0x82: {  	_ =	shalt  }
0x83: {  	_ =	shalt  }
0x84: {  	_ =	shalt  }
0x85: {  	_ =	shalt  }
0x86: {  	_ =	shalt  }
0x87: {  	_ =	shalt  }
.Lfunc_end0:
.L_simem_size_0:
called_computation_lowered:
.L_overlay_start_0:
0x88: {  	s2 =	sld [smem:$0x3FD9]  }
0x89: {  	s3 =	sld [smem:$0x3FFE];
	_ =	sdelay $0x1  }
0x8a: {  	s1 =	srdreg.scid  }
0x8b: {  	s0 =	sand.u32 $0x1, s1  }
0x8c: {  	s16 =	sshll.u32 s0, $0xA;
	s2 =	sadd.s32 s3, s2  }
0x8d: {  	s2 =	sadd.s32 s2, s16  }
0x8e: {  	[smem:$0x3FC2] =	sst s2  }
0x8f: {  	_ = 	snop  }
0x90: {  	(tm) =	ssettm $0x1  }
0x91: {  	s17 =	sld [smem:$0x3FFB];
	_ =	sdelay $0x3  }
0x92: {  	_ =	strace s17  }
0x93: {  	s2 =	sld [smem:$0x3FFC];
	_ =	sdelay $0x3  }
0x94: {  	_ =	strace s2  }
0x95: {  	s2 =	sld [smem:$0x3FFD];
	_ =	sdelay $0x3  }
0x96: {  	_ =	strace s2  }
0x97: {  	_ =	strace $0x8FFFFFFF  }
0x98: {  	s18 =	sld [smem:$0x3FDB];
	_ =	sdelay $0x1  }
0x99: {  	s19 =	simm.s32 $_scs_section_size  }
0x9a: {  	s4 =	simm.s32 $_size__tile_overlayer_lowered;
	s5 =	simm.s32 $_tile_overlayer_lowered  }
0x9b: {  	s22 =	simm.s32 $0x1BFF;
	s21 =	sshll.u32 s5, $0x1;
	s2 =	sadd.s32 s19, s18  }
0x9c: {  	s6 =	simm.s32 $0x0;
	s20 =	sshll.u32 s4, $0x1;
	s4 =	sadd.s32 s21, s2  }
0x9d: {  	[timem:s6], [sflag:s22] =	dma.local [hbm:s4], s20  }
0x9e: {  	_ =	swait.ge [sflag:s22], s20  }
0x9f: {  	s3 =	ssub.s32 $0x0, s20;
	[sflag:s22] =	ssyncset.done $0x0  }
0xa0: {  	[sflag:s22] =	ssyncadd.s32 s3;
	_ =	sdelay $0x1  }
0xa1: {  	s23 =	simm.s32 $0x1B8B  }
0xa2: {  	_ =	swait.ge [sflag:s23], $0x1  }
0xa3: {  	[sflag:s23] =	ssyncset.done $0x0  }
0xa4: {  	s25 =	simm.s32 $0x1B8E;
	s24 =	sld [smem:$0x3FFE];
	[sflag:s23] =	ssyncadd.s32 $0xFFFFFFFF  }
0xa5: {  	s26 =	simm.s32 $execute0_lowered;
	[smem:$0x3FD2] =	sst s25  }
0xa6: {  	s4 =	sshll.u32 s26, $0x1;
	_ =	strace $0x80000046;
	[dreg:$0x1] =	wrdreg $0xFFFFFFFF  }
0xa7: {  	s28 =	simm.s32 $_size_execute0_lowered;
	s2 =	sadd.s32 s2, s4;
	[dreg:$0x0] =	wrdreg $0x0  }
0xa8: {  	s4 =	sshll.u32 s28, $0x1;
	[dreg:$0x2] =	wrdreg s2  }
0xa9: {  	[dreg:$0x3] =	wrdreg s4  }
0xaa: {  	[dreg:$0x4] =	wrdreg $0xC0  }
0xab: {  	_ =	task [dreg:s6], $0x5FFFF  }
0xac: {  	[dreg:$0x1] =	wrdreg $0xFFFFFFFF  }
0xad: {  	[dreg:$0x0] =	wrdreg $0x60  }
0xae: {  	[dreg:$0x2] =	wrdreg s24  }
0xaf: {  	[dreg:$0x3] =	wrdreg $0x9  }
0xb0: {  	_ =	task.clear_ibuf [dreg:s6], $0x4FFFF;
	_ =	strace $0x90000046  }
0xb1: {  	s29 =	simm.s32 $0x9;
	_ =	strace $0x80000048  }
0xb2: {  	_ =	swait.ge [sflag:s29], $0x1  }
0xb3: {  	[sflag:s29] =	ssyncadd.s32 $0xFFFFFFFF  }
0xb4: {  	_ =	strace $0x90000048  }
0xb5: {  	_ =	sfence  }
0xb6: {  	s30 =	sld [smem:$0x0];
	_ =	sdelay $0x2  }
0xb7: {  	s31 =	sshll.u32 s1, $0xD;
	s1 =	sshrl.u32 s1, $0x2  }
0xb8: {  	s3 =	sand.u32 $0x4000, s31;
	s1 =	sadd.s32 s1, s30  }
0xb9: {  	s0 =	sor.u32 s3, s0;
	s1 =	sshll.u32 s1, $0x11  }
0xba: {  	s0 =	sor.u32 s1, s0  }
0xbb: {  	s0 =	sadd.s32 $0x8F2B, s0  }
0xbc: {  	[sflag:s0] =	ssyncadd.remote.s32 $0x1  }
0xbd: {  	_ =	sfence.sel $0xFFFF  }
0xbe: {  	[dreg:$0x0] =	wrdreg $0xFFFFFFFF;
	(pc) =	sbr.abs _section_cstart, $3  }
0xbf: {  	[dreg:$0x1] =	wrdreg $0xFFFFFFFF  }
0xc0: {  	_ =	task.clear_ibuf [dreg:s6], $0x2FFFF;
	_ =	strace $0x9FFFFFFF  }
0xc1: {  	(tm) =	ssettm $0x7FFFFFFF  }
tec
execute0_lowered:
.L_overlay_start_1:
0x0: {  	(tag) =	ssettag $0x1  }
0x1: {  	s2 =	srdreg.scid;
	s4 =	stileid.u32  }
0x2: {  	s2 =	sand.u32 $0x1, s2;
	s4 =	sshll.u32 s4, $0x1  }
0x3: {  	s4 =	sor.u32 s2, s4  }
0x4: {  	s0 =	rddreg [dreg:$0x0];
	s1 =	simm.s32 $0x0;
	s5 =	sshll.u32 s4, $0xB  }
0x5: {  	[smem:$0x7FF] =	sst s1;
	s3 =	sadd.s32 $0x1400, s0;
	s7 =	sor.u32 $0x10000, s5  }
0x6: {  	s8 =	sadd.s32 $0x31400, s0;
	s10 =	sadd.s32 $0x61400, s0;
	s13 =	sadd.s32 s3, s7  }
0x7: {  	s11 =	sadd.s32 $0x91400, s0;
	s14 =	sadd.s32 s8, s7;
	[dreg:$0x2] =	wrdreg s13  }
0x8: {  	s16 =	sor.u32 $0x20000, s5;
	s15 =	sadd.s32 s10, s7;
	[dreg:$0x3] =	wrdreg s14  }
0x9: {  	s4 =	sshll.u32 s4, $0x4;
	s17 =	sadd.s32 s3, s16;
	[dreg:$0x4] =	wrdreg s15  }
0xa: {  	s0 =	sadd.s32 s4, s0;
	s18 =	sadd.s32 s8, s16;
	[dreg:$0x5] =	wrdreg s17  }
0xb: {  	s19 =	sor.u32 $0x200, s5;
	s4 =	sadd.s32 s10, s16;
	[dreg:$0x6] =	wrdreg s18  }
0xc: {  	s20 =	sadd.s32 s3, s19;
	[dreg:$0x7] =	wrdreg s4  }
0xd: {  	s22 =	sadd.s32 s8, s19;
	[dreg:$0x8] =	wrdreg s20  }
0xe: {  	s21 =	sor.u32 $0x10200, s5;
	s23 =	sadd.s32 s10, s19;
	[dreg:$0x9] =	wrdreg s22  }
0xf: {  	s2 =	ssub.s32 $0x2, s2;
	s24 =	sadd.s32 s3, s21;
	[dreg:$0xa] =	wrdreg s23  }
0x10: {  	s26 =	sor.u32 $0x20200, s5;
	s25 =	sadd.s32 s8, s21;
	[dreg:$0xb] =	wrdreg s24  }
0x11: {  	s6 =	sshrl.u32 s2, $0x1;
	s29 =	sadd.s32 s3, s26;
	[dreg:$0xc] =	wrdreg s25  }
0x12: {  	s2 =	ssub.s32 s2, s6;
	s30 =	sadd.s32 s8, s26;
	[dreg:$0xe] =	wrdreg s29  }
0x13: {  	s31 =	sor.u32 $0x10400, s5;
	s6 =	sadd.s32 s11, s19;
	[dreg:$0xf] =	wrdreg s30  }
0x14: {  	s9 =	sadd.s32 s3, s31;
	[dreg:$0x11] =	wrdreg s6  }
0x15: {  	s12 =	sadd.s32 s8, s31;
	[dreg:$0x12] =	wrdreg s9  }
0x16: {  	s28 =	simm.s32 $0x2;
	s4 =	sadd.s32 s10, s21;
	[dreg:$0x13] =	wrdreg s12  }
0x17: {  	s13 =	sadd.s32 s10, s31;
	s14 =	sor.u32 $0x20400, s5;
	[dreg:$0xd] =	wrdreg s4  }
0x18: {  	s15 =	sor.u32 $0x400, s5;
	s25 =	sadd.s32 s3, s5;
	[dreg:$0x14] =	wrdreg s13  }
0x19: {  	s22 =	sor.u32 $0x10600, s5;
	s29 =	sadd.s32 s10, s5;
	[dreg:$0x1f] =	wrdreg s25  }
0x1a: {  	s30 =	sadd.s32 s11, s5;
	s31 =	sor.u32 $0x600, s5;
	[smem:$0x7FC] =	sst s29  }
0x1b: {  	s9 =	sor.u32 $0x20600, s5;
	s4 =	sadd.s32 s10, s26;
	[smem:$0x7FD] =	sst s30  }
0x1c: {  	s12 =	sadd.s32 $0xA1400, s0;
	s16 =	sadd.s32 s3, s14;
	[dreg:$0x10] =	wrdreg s4  }
0x1d: {  	s17 =	sadd.s32 s8, s14;
	s18 =	sadd.s32 s3, s15;
	[dreg:$0x15] =	wrdreg s16  }
0x1e: {  	s19 =	sadd.s32 s8, s15;
	s20 =	sadd.s32 s10, s15;
	[dreg:$0x16] =	wrdreg s17  }
0x1f: {  	s21 =	sadd.s32 s11, s15;
	s23 =	sadd.s32 s3, s22;
	[dreg:$0x18] =	wrdreg s18  }
0x20: {  	s24 =	sadd.s32 s8, s22;
	s26 =	sadd.s32 s8, s5;
	[dreg:$0x19] =	wrdreg s19  }
0x21: {  	vm0 =	vcmask $0x704;
	v0 =	vimm.s32 $0x0;
	s5 =	sadd.s32 s3, s31;
	s6 =	sadd.s32 s3, s9;
	[dreg:$0x1a] =	wrdreg s20  }
0x22: {  	v0 =	vsel vm0, $0x2000, v0;
	vm0 =	vcmask $0xB08;
	s7 =	sadd.s32 s8, s31;
	s8 =	sadd.s32 s8, s9;
	[dreg:$0x1b] =	wrdreg s21  }
0x23: {  	v0 =	vsel vm0, $0x4000, v0;
	vm0 =	vcmask $0xF0C;
	s9 =	sadd.s32 s10, s9;
	s11 =	sadd.s32 s11, s31;
	[dreg:$0x1c] =	wrdreg s23  }
0x24: {  	vm1 =	vcmask $0x2724;
	v0 =	vsel vm0, $0x6000, v0;
	vm0 =	vcmask $0x1310;
	s13 =	smax.u32 s2, $0x1;
	s15 =	simm.s32 $0x11000;
	[dreg:$0x1d] =	wrdreg s24  }
0x25: {  	vm2 =	vcmask $0x3F14;
	v0 =	vsel vm0, $0x8000, v0;
	vm0 =	vcmask $0x1B18;
	s25 =	simm.s32 $0x13000;
	s4 =	sadd.s32 s10, s14;
	[smem:$0x7FB] =	sst s26  }
0x26: {  	vm3 =	vcmask $0x3F30;
	v1 =	vsel vm0, $0x2000, v0;
	vm0 =	vcmask $0x1F1C;
	s23 =	simm.s32 $0xC000;
	s18 =	simm.s32 $0xF000;
	s24 =	simm.s32 $0x12000  }
0x27: {  	vm4 =	vcmask $0x3F2C;
	v2 =	vsel vm0, $0x4000, v1;
	vm0 =	vcmask $0x2320;
	s26 =	simm.s32 $0x1;
	[dreg:$0x17] =	wrdreg s4;
	s4 =	sadd.s32 s10, s22  }
0x28: {  	v0 =	vimm.f32 $0.0e+00;
	v1 =	vlaneseq.u32;
	v2 =	vsel vm0, $0x6000, v2;
	s14 =	simm.s32 $0x14000;
	s19 =	simm.s32 $0x3;
	[dreg:$0x1e] =	wrdreg s4  }
0x29: {  	vm0 =	vcmask $0x2714;
	v2 =	vsel vm1, $0x8000, v2;
	vm1 =	vmxor vm1, vm1;
	s20 =	simm.s32 $0x0;
	s10 =	sadd.s32 s10, s31;
	_ =	strace $0x80000047  }
.LBB2_1:
0x2a: {  	s0 =	simm.s32 $0x14040  }
0x2b: {  	[tilespmem:s0+$0xFFFFFFC0] =	vst v0  }
0x2c: {  	[tilespmem:s0+$0x30] =	vst v0  }
0x2d: {  	[tilespmem:s0+$0x20] =	vst v0  }
0x2e: {  	[tilespmem:s0+$0x10] =	vst v0  }
0x2f: {  	[tilespmem:s0+$0x0] =	vst v0  }
0x30: {  	[tilespmem:s0+$0xFFFFFFF0] =	vst v0  }
0x31: {  	s2 =	simm.s32 $0x0;
	[tilespmem:s0+$0xFFFFFFE0] =	vst v0  }
.LBB2_2:
0x32: {  	s2 =	sadd.s32 $0x80, s2;
	[tilespmem:s0+$0xFFFFFFD0] =	vst v0;
	s0 =	sadd.s32 $0x80, s0  }
0x33: {  	[tilespmem:s0+$0xFFFFFFC0] =	vst v0;
	p0 =	slt.u32 s2, $0x9F80  }
0x34: {  	[tilespmem:s0+$0x30] =	vst v0  }
.Ltmp0:
0x35: {  	[tilespmem:s0+$0x20] =	vst v0;
	(pc) =	sbr.rel @p0 .LBB2_2-.Ltmp0, $4  }
0x36: {  	[tilespmem:s0+$0x10] =	vst v0  }
0x37: {  	[tilespmem:s0+$0x0] =	vst v0  }
0x38: {  	[tilespmem:s0+$0xFFFFFFF0] =	vst v0  }
0x39: {  	[tilespmem:s0+$0xFFFFFFE0] =	vst v0  }
0x3a: {  	[tilespmem:s0+$0xFFFFFFD0] =	vst v0  }
0x3b: {  	s0 =	rddreg [dreg:$0x1f]  }
0x3c: {  	s17 =	sld [smem:$0x7FB]  }
0x3d: {  	[tilespmem:s1], [sflag:$0x1] =	stream.linear.gather [hbm4b:s0+s1], $0x1000, $0x38;
	[tilespmem:$0x1E080] =	vst v63  }
0x3e: {  	s2 =	simm.s32 $0x3000;
	s21 =	sld [smem:$0x7FC]  }
0x3f: {  	[tilespmem:s2], [sflag:$0x1] =	stream.linear.gather [hbm4b:s17+s1], $0x1000, $0x38;
	[tilespmem:$0x1E080] =	vst v63  }
0x40: {  	s22 =	simm.s32 $0x6000;
	s3 =	rddreg [dreg:$0x2]  }
0x41: {  	[tilespmem:s22], [sflag:$0x1] =	stream.linear.gather [hbm4b:s21+s1], $0x1000, $0x38;
	[tilespmem:$0x1E080] =	vst v63  }
0x42: {  	s4 =	simm.s32 $0x1000;
	s16 =	rddreg [dreg:$0x3]  }
0x43: {  	[tilespmem:s4], [sflag:$0x1] =	stream.linear.gather [hbm4b:s3+s1], $0x1000, $0x38;
	[tilespmem:$0x1E080] =	vst v63  }
0x44: {  	s17 =	simm.s32 $0x4000;
	s21 =	rddreg [dreg:$0x4]  }
0x45: {  	[tilespmem:s17], [sflag:$0x1] =	stream.linear.gather [hbm4b:s16+s1], $0x1000, $0x38;
	[tilespmem:$0x1E080] =	vst v63  }
0x46: {  	s22 =	simm.s32 $0x7000;
	s3 =	rddreg [dreg:$0x5]  }
0x47: {  	[tilespmem:s22], [sflag:$0x1] =	stream.linear.gather [hbm4b:s21+s1], $0x1000, $0x38;
	[tilespmem:$0x1E080] =	vst v63  }
0x48: {  	s4 =	simm.s32 $0x2000;
	s16 =	rddreg [dreg:$0x6]  }
0x49: {  	[tilespmem:s4], [sflag:$0x1] =	stream.linear.gather [hbm4b:s3+s1], $0x1000, $0x38;
	[tilespmem:$0x1E080] =	vst v63  }
0x4a: {  	s17 =	simm.s32 $0x5000;
	s21 =	rddreg [dreg:$0x7]  }
0x4b: {  	[tilespmem:s17], [sflag:$0x1] =	stream.linear.gather [hbm4b:s16+s1], $0x1000, $0x38;
	[tilespmem:$0x1E080] =	vst v63  }
0x4c: {  	s22 =	simm.s32 $0x8000;
	s3 =	sld [smem:$0x7FD]  }
0x4d: {  	[tilespmem:s22], [sflag:$0x1] =	stream.linear.gather [hbm4b:s21+s1], $0x1000, $0x38;
	[tilespmem:$0x1E080] =	vst v63  }
0x4e: {  	s4 =	simm.s32 $0x9000  }
0x4f: {  	[tilespmem:s4], [sflag:$0x1] =	stream.linear.gather [hbm4b:s3+s1], $0x1000, $0x38;
	[tilespmem:$0x1E080] =	vst v63  }
0x50: {  	s16 =	rddreg [dreg:$0x8];
	s17 =	simm.s32 $0xA000  }
0x51: {  	[tilespmem:s17], [sflag:$0x2] =	stream.linear.gather [hbm4b:s16+s1], $0x1000, $0x38;
	[tilespmem:$0x1E080] =	vst v63  }
0x52: {  	s21 =	rddreg [dreg:$0x9];
	s22 =	simm.s32 $0xD000  }
0x53: {  	[tilespmem:s22], [sflag:$0x2] =	stream.linear.gather [hbm4b:s21+s1], $0x1000, $0x38;
	[tilespmem:$0x1E080] =	vst v63  }
0x54: {  	s3 =	rddreg [dreg:$0xa];
	s4 =	simm.s32 $0x10000  }
0x55: {  	[tilespmem:s4], [sflag:$0x2] =	stream.linear.gather [hbm4b:s3+s1], $0x1000, $0x38;
	[tilespmem:$0x1E080] =	vst v63  }
0x56: {  	s16 =	rddreg [dreg:$0xb];
	s17 =	simm.s32 $0xB000  }
0x57: {  	[tilespmem:s17], [sflag:$0x2] =	stream.linear.gather [hbm4b:s16+s1], $0x1000, $0x38;
	[tilespmem:$0x1E080] =	vst v63  }
0x58: {  	s21 =	rddreg [dreg:$0xc];
	s22 =	simm.s32 $0xE000  }
0x59: {  	[tilespmem:s22], [sflag:$0x2] =	stream.linear.gather [hbm4b:s21+s1], $0x1000, $0x38;
	[tilespmem:$0x1E080] =	vst v63  }
0x5a: {  	s3 =	rddreg [dreg:$0xd]  }
0x5b: {  	[tilespmem:s15], [sflag:$0x2] =	stream.linear.gather [hbm4b:s3+s1], $0x1000, $0x38;
	[tilespmem:$0x1E080] =	vst v63  }
0x5c: {  	s4 =	rddreg [dreg:$0xe]  }
0x5d: {  	[tilespmem:s23], [sflag:$0x2] =	stream.linear.gather [hbm4b:s4+s1], $0x1000, $0x38;
	[tilespmem:$0x1E080] =	vst v63  }
0x5e: {  	s16 =	rddreg [dreg:$0xf]  }
0x5f: {  	[tilespmem:s18], [sflag:$0x2] =	stream.linear.gather [hbm4b:s16+s1], $0x1000, $0x38;
	[tilespmem:$0x1E080] =	vst v63  }
0x60: {  	s17 =	rddreg [dreg:$0x10]  }
0x61: {  	[tilespmem:s24], [sflag:$0x2] =	stream.linear.gather [hbm4b:s17+s1], $0x1000, $0x38;
	[tilespmem:$0x1E080] =	vst v63  }
0x62: {  	s21 =	rddreg [dreg:$0x11]  }
0x63: {  	[tilespmem:s25], [sflag:$0x2] =	stream.linear.gather [hbm4b:s21+s1], $0x1000, $0x38;
	[tilespmem:$0x1E080] =	vst v63  }
0x64: {  	_ =	swait.ge [sflag:s26], $0x1000  }
0x65: {  	[sflag:s26] =	ssyncset.done $0x0  }
0x66: {  	[sflag:s26] =	ssyncadd.s32 $0xFFFFF000  }
0x67: {  	_ =	swait.ge [sflag:s26], $0x1000  }
0x68: {  	[sflag:s26] =	ssyncset.done $0x0  }
0x69: {  	[sflag:s26] =	ssyncadd.s32 $0xFFFFF000  }
0x6a: {  	_ =	swait.ge [sflag:s26], $0x1000  }
0x6b: {  	[sflag:s26] =	ssyncset.done $0x0  }
0x6c: {  	[sflag:s26] =	ssyncadd.s32 $0xFFFFF000  }
0x6d: {  	_ =	swait.ge [sflag:s26], $0x1000  }
0x6e: {  	[sflag:s26] =	ssyncset.done $0x0  }
0x6f: {  	[sflag:s26] =	ssyncadd.s32 $0xFFFFF000  }
0x70: {  	_ =	swait.ge [sflag:s26], $0x1000  }
0x71: {  	[sflag:s26] =	ssyncset.done $0x0  }
0x72: {  	[sflag:s26] =	ssyncadd.s32 $0xFFFFF000  }
0x73: {  	_ =	swait.ge [sflag:s26], $0x1000  }
0x74: {  	[sflag:s26] =	ssyncset.done $0x0  }
0x75: {  	[sflag:s26] =	ssyncadd.s32 $0xFFFFF000  }
0x76: {  	_ =	swait.ge [sflag:s26], $0x1000  }
0x77: {  	[sflag:s26] =	ssyncset.done $0x0  }
0x78: {  	[sflag:s26] =	ssyncadd.s32 $0xFFFFF000  }
0x79: {  	_ =	swait.ge [sflag:s26], $0x1000  }
0x7a: {  	[sflag:s26] =	ssyncset.done $0x0  }
0x7b: {  	[sflag:s26] =	ssyncadd.s32 $0xFFFFF000  }
0x7c: {  	_ =	swait.ge [sflag:s26], $0x1000  }
0x7d: {  	[sflag:s26] =	ssyncset.done $0x0  }
0x7e: {  	[sflag:s26] =	ssyncadd.s32 $0xFFFFF000  }
0x7f: {  	_ =	swait.ge [sflag:s26], $0x1000  }
0x80: {  	[sflag:s26] =	ssyncset.done $0x0  }
0x81: {  	s22 =	simm.s32 $0x8020;
	[sflag:s26] =	ssyncadd.s32 $0xFFFFF000  }
0x82: {  	s17 =	simm.s32 $0x7020;
	v4 =	vld [tilespmem:s22+$0xFFFFFFF0]  }
0x83: {  	s29 =	simm.s32 $0x9020;
	v11 =	vld [tilespmem:s17+$0xFFFFFFF0]  }
0x84: {  	v14 =	vld [tilespmem:s29+$0x10]  }
0x85: {  	v10 =	vld [tilespmem:s29+$0xFFFFFFF0]  }
0x86: {  	s3 =	simm.s32 $0x2020;
	v15 =	vld [tilespmem:s22+$0x0]  }
0x87: {  	v8 =	vld [tilespmem:s3+$0xFFFFFFE0]  }
0x88: {  	v12 =	vld [tilespmem:s22+$0xFFFFFFE0]  }
0x89: {  	s0 =	simm.s32 $0x20;
	v13 =	vld [tilespmem:s17+$0xFFFFFFE0]  }
0x8a: {  	v16 =	vld [tilespmem:s0+$0xFFFFFFE0]  }
0x8b: {  	s21 =	simm.s32 $0x6020;
	v17 =	vld [tilespmem:s29+$0xFFFFFFE0]  }
0x8c: {  	s16 =	simm.s32 $0x1020;
	v20 =	vld [tilespmem:s21+$0xFFFFFFE0]  }
0x8d: {  	v21 =	vld [tilespmem:s16+$0xFFFFFFE0]  }
0x8e: {  	v19 =	vimm.s32 $0xFFFFFFFF;
	v25 =	vld [tilespmem:s3+$0xFFFFFFF0]  }
0x8f: {  	vm6 =	vgt.s32 v19, $0x0;
	v28 =	vld [tilespmem:s16+$0xFFFFFFF0]  }
0x90: {  	v24 =	vnsel vm6, $0x0, v19;
	v35 =	vld [tilespmem:s3+$0x0]  }
0x91: {  	vm5 =	vgt.s32 v19, $0xFFFFFFFF;
	v29 =	vadd.s32 $0x2000, v24;
	v60 =	vadd.s32 $0x4000, v24  }
0x92: {  	s30 =	simm.s32 $0x5020;
	v5 =	vld [tilespmem:s22+$0x10];
	v6 =	vshra.s32 v14, $0x1E;
	v9 =	vshra.s32 v10, $0x1E;
	v12 =	vsub.f32 v8, v12  }
0x93: {  	v7 =	vld [tilespmem:s30+$0xFFFFFFE0];
	s22 =	simm.s32 $0x4020;
	v8 =	vand.u32 $0x7F, v10;
	v27 =	vand.u32 $0x3FFF, v17;
	v16 =	vsub.f32 v16, v20  }
0x94: {  	v26 =	vld [tilespmem:s22+$0xFFFFFFE0];
	v21 =	vsub.f32 v21, v13;
	v30 =	vand.u32 $0x7F, v17;
	v25 =	vsub.f32 v25, v4  }
0x95: {  	v4 =	vand.u32 $0x3FFF, v14;
	v11 =	vsub.f32 v28, v11;
	v15 =	vsub.f32 v35, v15  }
0x96: {  	s4 =	simm.s32 $0x3020;
	v31 =	vld [tilespmem:s0+$0xFFFFFFF0];
	v6 =	vcvt.s32.f32 v6;
	v18 =	vcvt.s32.f32 v9;
	v9 =	vimm.f32 $0.0e+00  }
0x97: {  	v41 =	vld [tilespmem:s4+$0xFFFFFFF0];
	vm6 =	vne.s32 v27, v19;
	v13 =	vor.u32 $0x8000, v27;
	v32 =	vadd.s32 $0x2000, v27  }
0x98: {  	v19 =	vld [tilespmem:s21+$0xFFFFFFF0];
	v33 =	vor.u32 $0x4000, v27;
	v62 =	vadd.s32 $0x6000, v27;
	v23 =	vadd.f32 v7, v12  }
0x99: {  	v7 =	vand.u32 $0x3FFF, v10;
	v12 =	vshra.s32 v17, $0x1E;
	v21 =	vadd.f32 v26, v21;
	v26 =	vld [tilespmem:s30+$0xFFFFFFF0]  }
0x9a: {  	vm7 =	vmand vm5, vm6;
	v22 =	vsub.f32 $1.000000000e+00, v18;
	v18 =	vld [tilespmem:s4+$0xFFFFFFE0];
	v20 =	vcvt.s32.f32 v12  }
0x9b: {  	v3 =	vld [tilespmem:$0x9000];
	v10 =	vadd.s32 $0x8000, v24;
	v37 =	vsel vm6, $0x80000000, v9;
	v6 =	vsub.f32 $1.000000000e+00, v6  }
0x9c: {  	v39 =	vld [tilespmem:s29+$0x0];
	v12 =	vadd.s32 $0x6000, v24;
	v43 =	vadd.s32 $0x2000, v7;
	v20 =	vsub.f32 $1.000000000e+00, v20  }
0x9d: {  	v46 =	vld [tilespmem:s4+$0x0];
	vm8 =	vne.s32 v7, v27;
	v34 =	vsub.f32 $1.000000000e+00, v22;
	v31 =	vsub.f32 v31, v19  }
0x9e: {  	v47 =	vld [tilespmem:s17+$0x0];
	v14 =	vsub.f32 $1.000000000e+00, v20;
	v36 =	vmul.f32 v20, v23;
	v25 =	vadd.f32 v26, v25  }
0x9f: {  	v63 =	vld [tilespmem:s0+$0x0];
	v40 =	vmul.f32 v20, v21;
	v16 =	vadd.f32 v18, v16;
	v31 =	vadd.f32 v41, v31  }
0xa0: {  	[tilespmem:v24+s14+$0x0] =	vst.idx.add.f32.msk vm7, v9;
	v17 =	vadd.f32 v14, v37;
	v14 =	vand.u32 $0x7F80, v32;
	v23 =	vmul.f32 v36, v23  }
0xa1: {  	v18 =	vld [tilespmem:s22+$0xFFFFFFF0];
	v28 =	vadd.f32 v40, v9;
	v49 =	vadd.f32 v36, v9;
	v56 =	vmul.f32 v22, v25  }
0xa2: {  	v32 =	vand.u32 $0xFF80, v62;
	[tilespmem:v29+s14+$0x0] =	vst.idx.add.f32.msk vm7, v9;
	v38 =	vmul.f32 v20, v16;
	v45 =	vor.u32 v30, v14  }
0xa3: {  	v48 =	vld [tilespmem:s16+$0x0];
	v20 =	vadd.f32 v37, v20;
	v30 =	vor.u32 v30, v32;
	v35 =	vmul.f32 v22, v31  }
0xa4: {  	v54 =	vld [tilespmem:s30+$0x0];
	v28 =	vsel vm6, v40, v28;
	v53 =	vsel vm6, v36, v49;
	v58 =	vmul.f32 v56, v25  }
0xa5: {  	v59 =	vld [tilespmem:s21+$0x10];
	v44 =	vadd.f32 v38, v9;
	v14 =	vmul.f32 v38, v16;
	v16 =	vmul.f32 v40, v21  }
0xa6: {  	v21 =	vld [tilespmem:s21+$0x0];
	v62 =	vadd.f32 v56, v53;
	v52 =	vadd.f32 v18, v11;
	v18 =	vand.u32 $0x3FFF, v39  }
0xa7: {  	v42 =	vld [tilespmem:s22+$0x0];
	v14 =	vadd.f32 v14, v9;
	v38 =	vsel vm6, v38, v44;
	vm6 =	vne.s32 v18, v7  }
0xa8: {  	v19 =	vand.u32 $0x7F80, v43;
	vm5 =	vne.s32 v4, v18;
	v29 =	vsel vm8, v56, v62;
	[tilespmem:v27+s14+$0x0] =	vst.idx.add.f32.msk vm8, v38  }
0xa9: {  	v57 =	vmul.f32 v22, v52;
	v26 =	vadd.f32 v14, v16;
	v16 =	vshra.s32 v39, $0x1E;
	[tilespmem:v45+s14+$0x0] =	vst.idx.add.f32.msk vm8, v28  }
0xaa: {  	v38 =	vadd.f32 v35, v38;
	v55 =	vcvt.s32.f32 v16;
	v16 =	vsel vm8, $0x80000000, v20;
	[tilespmem:v33+s14+$0x0] =	vst.idx.add.f32.msk vm8, v53  }
0xab: {  	v36 =	vand.u32 $0x7F, v39;
	v21 =	vsub.f32 v63, v21;
	v16 =	vadd.f32 v16, v22;
	[tilespmem:v30+s14+$0x0] =	vst.idx.add.f32.msk vm8, v20  }
0xac: {  	v14 =	vor.u32 v8, v19;
	v22 =	vsub.f32 v48, v47;
	v61 =	vadd.f32 v26, v23;
	v20 =	vld [tilespmem:s0+$0x10]  }
0xad: {  	v19 =	vld [tilespmem:s17+$0x10];
	v23 =	vadd.f32 v54, v15;
	v30 =	vadd.f32 v46, v21;
	v21 =	vmul.f32 v35, v31  }
0xae: {  	v37 =	vmul.f32 v57, v52;
	v15 =	vld [tilespmem:s4+$0x10];
	v27 =	vsub.f32 $1.000000000e+00, v55;
	v31 =	vadd.f32 v57, v28  }
0xaf: {  	v26 =	vld [tilespmem:s16+$0x10];
	v25 =	vadd.f32 v42, v22;
	v22 =	vadd.f32 v21, v61;
	v21 =	vsel vm8, $0x80000000, v17  }
0xb0: {  	[tilespmem:v60+s14+$0x0] =	vst.idx.add.f32.msk vm7, v9;
	v32 =	vmul.f32 v27, v30;
	v24 =	vsub.f32 $1.000000000e+00, v27;
	v21 =	vadd.f32 v34, v21  }
0xb1: {  	s31 =	simm.s32 $0x0;
	s2 =	simm.s32 $0x1060;
	s21 =	simm.s32 $0x7060;
	v11 =	vld [tilespmem:s30+$0x10];
	v31 =	vsel vm8, v57, v31;
	v63 =	vadd.f32 v22, v37;
	v20 =	vsub.f32 v20, v59  }
0xb2: {  	s17 =	simm.s32 $0x3060;
	s16 =	simm.s32 $0x6060;
	s0 =	simm.s32 $0x60;
	v28 =	vmul.f32 v27, v25;
	v34 =	vld [tilespmem:s3+$0x10];
	v30 =	vmul.f32 v32, v30;
	v37 =	vsel vm6, $0x80000000, v16  }
0xb3: {  	s4 =	simm.s32 $0x2060;
	s3 =	simm.s32 $0x8060;
	v22 =	vld [tilespmem:s22+$0x10];
	s22 =	simm.s32 $0x4060;
	v33 =	vadd.f32 v63, v58;
	v20 =	vadd.f32 v15, v20;
	v15 =	vimm.f32 $0.0e+00  }
.LBB2_4:
0xb4: {  	s31 =	sadd.s32 $0x40, s31;
	[tilespmem:v12+s14+$0x0] =	vst.idx.add.f32.msk vm7, v9;
	v9 =	vmul.f32 v28, v25;
	v12 =	vsub.f32 v26, v19;
	v19 =	vadd.s32 $0x2000, v18;
	s29 =	sadd.s32 $0x40, s29;
	s30 =	sadd.s32 $0x40, s30  }
0xb5: {  	v25 =	vadd.f32 v28, v31;
	p0 =	slt.u32 s31, $0xFC0;
	[tilespmem:v13+s14+$0x0] =	vst.idx.add.f32.msk vm8, v17;
	v13 =	vmul.f32 v27, v23;
	v19 =	vand.u32 $0x7F80, v19  }
0xb6: {  	v26 =	vsel vm8, v35, v38;
	v38 =	vadd.s32 $0x6000, v18;
	v17 =	vld [tilespmem:s3+$0xFFFFFFF0];
	v35 =	vor.u32 v36, v19  }
0xb7: {  	v40 =	vadd.f32 v32, v26;
	v38 =	vand.u32 $0xFF80, v38;
	v19 =	vld [tilespmem:s21+$0xFFFFFFF0];
	v39 =	vmul.f32 v13, v23  }
0xb8: {  	v30 =	vadd.f32 v30, v33;
	v23 =	vld [tilespmem:s29+$0x10];
	v33 =	vsub.f32 v34, v5;
	v34 =	vor.u32 v36, v38  }
0xb9: {  	v27 =	vadd.f32 v37, v27;
	v25 =	vsel vm6, v28, v25;
	v28 =	vmul.f32 v6, v20;
	v5 =	vld [tilespmem:s3+$0x10]  }
0xba: {  	v12 =	vadd.f32 v22, v12;
	v9 =	vadd.f32 v30, v9;
	[tilespmem:v7+s14+$0x0] =	vst.idx.add.f32.msk vm6, v26;
	v26 =	vadd.s32 $0x6000, v7  }
0xbb: {  	v22 =	vsel vm6, v32, v40;
	v32 =	vadd.f32 v11, v33;
	v11 =	vmul.f32 v28, v20;
	v30 =	vld [tilespmem:s30+$0xFFFFFFE0]  }
0xbc: {  	v9 =	vadd.f32 v9, v39;
	v20 =	vadd.f32 v13, v29;
	v33 =	vor.u32 $0x4000, v18;
	[tilespmem:v18+s14+$0x0] =	vst.idx.add.f32.msk vm5, v22  }
0xbd: {  	[tilespmem:v10+s14+$0x0] =	vst.idx.add.f32.msk vm7, v15;
	v10 =	vmul.f32 v6, v12;
	v15 =	vor.u32 $0x8000, v18;
	v18 =	vsel vm5, $0x80000000, v27  }
0xbe: {  	v26 =	vand.u32 $0xFF80, v26;
	v37 =	vmul.f32 v6, v32;
	v9 =	vadd.f32 v11, v9;
	v36 =	vld [tilespmem:s29+$0xFFFFFFF0]  }
0xbf: {  	v8 =	vor.u32 v8, v26;
	v13 =	vsel vm6, v13, v20;
	v11 =	vld [tilespmem:s3+$0x0];
	v12 =	vmul.f32 v10, v12  }
0xc0: {  	v20 =	vshra.s32 v23, $0x1E;
	v26 =	vmul.f32 v37, v32;
	v32 =	vadd.f32 v37, v13;
	[tilespmem:v35+s14+$0x0] =	vst.idx.add.f32.msk vm5, v25  }
0xc1: {  	v35 =	vcvt.s32.f32 v20;
	v12 =	vadd.f32 v9, v12;
	[tilespmem:v33+s14+$0x0] =	vst.idx.add.f32.msk vm5, v13;
	v13 =	vadd.f32 v10, v25  }
0xc2: {  	v20 =	vsel vm5, v37, v32;
	v25 =	vor.u32 $0x4000, v7;
	v9 =	vadd.f32 v18, v6;
	[tilespmem:v34+s14+$0x0] =	vst.idx.add.f32.msk vm5, v27  }
0xc3: {  	v18 =	vld [tilespmem:s4+$0xFFFFFFE0];
	v26 =	vadd.f32 v12, v26;
	v12 =	vadd.f32 v28, v22;
	v22 =	vsel vm5, v10, v13  }
0xc4: {  	v7 =	vor.u32 $0x8000, v7;
	v10 =	vsel vm6, $0x80000000, v21;
	[tilespmem:v14+s14+$0x0] =	vst.idx.add.f32.msk vm6, v31  }
0xc5: {  	v10 =	vadd.f32 v24, v10;
	v13 =	vld [tilespmem:s21+$0xFFFFFFE0];
	v24 =	vsel vm5, v28, v12  }
0xc6: {  	v6 =	vsub.f32 $1.000000000e+00, v6;
	v12 =	vld [tilespmem:s3+$0xFFFFFFE0]  }
0xc7: {  	[tilespmem:v15+s14+$0x0] =	vst.idx.add.f32.msk vm5, v10;
	v10 =	vsel vm5, $0x80000000, v10  }
0xc8: {  	[tilespmem:v25+s14+$0x0] =	vst.idx.add.f32.msk vm6, v29;
	v15 =	vadd.f32 v6, v10  }
0xc9: {  	[tilespmem:v8+s14+$0x0] =	vst.idx.add.f32.msk vm6, v16  }
0xca: {  	[tilespmem:v7+s14+$0x0] =	vst.idx.add.f32.msk vm6, v21  }
0xcb: {  	v6 =	vshra.s32 v36, $0x1E;
	v14 =	vld [tilespmem:s0+$0xFFFFFFE0]  }
0xcc: {  	v7 =	vcvt.s32.f32 v6;
	v16 =	vld [tilespmem:s29+$0xFFFFFFE0]  }
0xcd: {  	v6 =	vsub.f32 $1.000000000e+00, v35;
	v25 =	vld [tilespmem:s16+$0xFFFFFFE0]  }
0xce: {  	v10 =	vsub.f32 v18, v12;
	v28 =	vsub.f32 $1.000000000e+00, v7;
	v27 =	vld [tilespmem:s2+$0xFFFFFFE0]  }
0xcf: {  	vm5 =	vgt.s32 v4, $0x0;
	v8 =	vand.u32 $0x7F, v36;
	vm6 =	vgt.s32 v4, $0xFFFFFFFF;
	v18 =	vld [tilespmem:s17+$0xFFFFFFE0]  }
0xd0: {  	v21 =	vnsel vm5, $0x0, v4;
	v7 =	vand.u32 $0x3FFF, v36;
	v29 =	vadd.f32 v30, v10;
	v30 =	vld [tilespmem:s4+$0xFFFFFFF0]  }
0xd1: {  	v10 =	vadd.s32 $0x8000, v21;
	v31 =	vld [tilespmem:s22+$0xFFFFFFE0];
	v32 =	vand.u32 $0x3FFF, v16;
	v12 =	vshra.s32 v16, $0x1E  }
0xd2: {  	v14 =	vsub.f32 v14, v25;
	v25 =	vcvt.s32.f32 v12;
	v12 =	vadd.s32 $0x6000, v21;
	v33 =	vld [tilespmem:s2+$0xFFFFFFF0]  }
0xd3: {  	v34 =	vadd.s32 $0x2000, v21;
	vm5 =	vne.s32 v32, v4;
	v27 =	vsub.f32 v27, v13;
	v35 =	vld [tilespmem:s16+$0xFFFFFFF0]  }
0xd4: {  	v16 =	vand.u32 $0x7F, v16;
	v13 =	vor.u32 $0x8000, v32;
	v14 =	vadd.f32 v18, v14;
	v18 =	vld [tilespmem:s22+$0xFFFFFFF0]  }
0xd5: {  	v37 =	vadd.s32 $0x2000, v32;
	v25 =	vsub.f32 $1.000000000e+00, v25;
	v36 =	vld [tilespmem:s0+$0xFFFFFFF0];
	v30 =	vsub.f32 v30, v17  }
0xd6: {  	v39 =	vsub.f32 $1.000000000e+00, v28;
	v38 =	vor.u32 $0x4000, v32;
	v4 =	vand.u32 $0x3FFF, v23;
	v40 =	vld [tilespmem:s4+$0x0]  }
0xd7: {  	v23 =	vadd.f32 v31, v27;
	v17 =	vsub.f32 $1.000000000e+00, v25;
	v27 =	vsel vm5, $0x80000000, v15;
	v31 =	vld [tilespmem:s30+$0xFFFFFFF0]  }
0xd8: {  	v43 =	vsel vm5, $0x80000000, v9;
	v41 =	vmul.f32 v25, v14;
	v42 =	vmul.f32 v25, v29;
	v44 =	vld [tilespmem:s29+$0x0]  }
0xd9: {  	v37 =	vand.u32 $0x7F80, v37;
	v45 =	vmul.f32 v25, v23;
	v17 =	vadd.f32 v17, v27;
	v27 =	vld [tilespmem:s17+$0xFFFFFFF0]  }
0xda: {  	v48 =	vadd.s32 $0x2000, v7;
	v46 =	vadd.s32 $0x6000, v32;
	v29 =	vmul.f32 v42, v29;
	v47 =	vld [tilespmem:s22+$0x0]  }
0xdb: {  	vm8 =	vne.s32 v7, v32;
	v37 =	vor.u32 v16, v37;
	v49 =	vadd.f32 v41, v24;
	v50 =	vld [tilespmem:s17+$0x0]  }
0xdc: {  	v19 =	vsub.f32 v33, v19;
	v14 =	vmul.f32 v41, v14;
	v23 =	vmul.f32 v45, v23;
	v33 =	vld [tilespmem:s16+$0x0]  }
0xdd: {  	v46 =	vand.u32 $0xFF80, v46;
	v51 =	vadd.f32 v45, v22;
	v40 =	vsub.f32 v40, v11;
	v52 =	vld [tilespmem:s21+$0x0]  }
0xde: {  	vm7 =	vmand vm6, vm5;
	v25 =	vadd.f32 v43, v25;
	v14 =	vadd.f32 v14, v26;
	v26 =	vld [tilespmem:s0+$0x0]  }
0xdf: {  	v35 =	vsub.f32 v36, v35;
	v36 =	vadd.f32 v18, v19;
	v18 =	vand.u32 $0x3FFF, v44;
	v43 =	vld [tilespmem:s2+$0x0]  }
0xe0: {  	v53 =	vadd.f32 v42, v20;
	v19 =	vand.u32 $0x7F80, v48;
	v30 =	vadd.f32 v31, v30;
	v11 =	vld [tilespmem:s30+$0x10]  }
0xe1: {  	v23 =	vadd.f32 v14, v23;
	v14 =	vor.u32 v8, v19;
	v31 =	vshra.s32 v44, $0x1E;
	v19 =	vld [tilespmem:s21+$0x10]  }
0xe2: {  	v42 =	vsel vm5, v42, v53;
	v45 =	vsel vm5, v45, v51;
	v31 =	vcvt.s32.f32 v31;
	v48 =	vld [tilespmem:s16+$0x10]  }
0xe3: {  	v46 =	vor.u32 v16, v46;
	v41 =	vsel vm5, v41, v49;
	vm6 =	vne.s32 v18, v7;
	v49 =	vld [tilespmem:s30+$0x0]  }
0xe4: {  	v16 =	vsel vm8, $0x80000000, v25;
	v51 =	vadd.f32 v27, v35;
	v53 =	vmul.f32 v28, v30;
	[tilespmem:v32+s14+$0x0] =	vst.idx.add.f32.msk vm8, v41  }
0xe5: {  	v16 =	vadd.f32 v16, v28;
	v54 =	vmul.f32 v28, v36;
	v27 =	vsub.f32 $1.000000000e+00, v31;
	[tilespmem:v37+s14+$0x0] =	vst.idx.add.f32.msk vm8, v45  }
0xe6: {  	v31 =	vadd.s32 $0x4000, v21;
	v55 =	vmul.f32 v53, v30;
	v26 =	vsub.f32 v26, v33;
	[tilespmem:v38+s14+$0x0] =	vst.idx.add.f32.msk vm8, v42  }
0xe7: {  	v35 =	vmul.f32 v28, v51;
	v30 =	vmul.f32 v54, v36;
	v28 =	vsub.f32 v43, v52;
	v33 =	vld [tilespmem:s0+$0x10]  }
0xe8: {  	v29 =	vadd.f32 v23, v29;
	v36 =	vand.u32 $0x7F, v44;
	v37 =	vadd.f32 v50, v26;
	[tilespmem:v46+s14+$0x0] =	vst.idx.add.f32.msk vm8, v25  }
0xe9: {  	vm5 =	vne.s32 v4, v18;
	v38 =	vmul.f32 v35, v51;
	v25 =	vadd.f32 v47, v28;
	v26 =	vld [tilespmem:s2+$0x10]  }
0xea: {  	v43 =	vadd.f32 v54, v45;
	v32 =	vmul.f32 v27, v37;
	v23 =	vadd.f32 v49, v40;
	v40 =	vld [tilespmem:s17+$0x10]  }
.Ltmp1:
0xeb: {  	v42 =	vadd.f32 v53, v42;
	v29 =	vadd.f32 v38, v29;
	[tilespmem:v21+s14+$0x0] =	vst.idx.add.f32.msk vm7, v24;
	v21 =	vsel vm8, $0x80000000, v17;
	(pc) =	sbr.rel @p0 .LBB2_4-.Ltmp1, $4  }
0xec: {  	v28 =	vmul.f32 v27, v25;
	v24 =	vsub.f32 $1.000000000e+00, v27;
	[tilespmem:v34+s14+$0x0] =	vst.idx.add.f32.msk vm7, v22;
	v21 =	vadd.f32 v39, v21  }
0xed: {  	s16 =	sadd.s32 $0x40, s16;
	s0 =	sadd.s32 $0x40, s0;
	v34 =	vadd.f32 v29, v30;
	v30 =	vmul.f32 v32, v37;
	v39 =	vsub.f32 v33, v48;
	v22 =	vld [tilespmem:s22+$0x10]  }
0xee: {  	s21 =	sadd.s32 $0x40, s21;
	v38 =	vadd.f32 v35, v41;
	s2 =	sadd.s32 $0x40, s2;
	s17 =	sadd.s32 $0x40, s17;
	v29 =	vsel vm8, v53, v42;
	v37 =	vsel vm6, $0x80000000, v16;
	[tilespmem:v31+s14+$0x0] =	vst.idx.add.f32.msk vm7, v20  }
0xef: {  	s3 =	sadd.s32 $0x40, s3;
	s22 =	sadd.s32 $0x40, s22;
	v33 =	vadd.f32 v34, v55;
	v31 =	vsel vm8, v54, v43;
	v20 =	vadd.f32 v40, v39;
	v34 =	vld [tilespmem:s4+$0x10];
	s4 =	sadd.s32 $0x40, s4  }
0xf0: {  	_ =	sdelay $0x3  }
0xf1: {  	v39 =	vadd.s32 $0x2000, v18  }
0xf2: {  	v40 =	vmul.f32 v27, v23;
	v35 =	vsel vm8, v35, v38;
	[tilespmem:v12+s14+$0x0] =	vst.idx.add.f32.msk vm7, v9;
	v39 =	vand.u32 $0x7F80, v39  }
0xf3: {  	v12 =	vadd.s32 $0x6000, v18;
	[tilespmem:v13+s14+$0x0] =	vst.idx.add.f32.msk vm8, v17;
	v13 =	vadd.f32 v28, v31;
	v9 =	vor.u32 v36, v39  }
0xf4: {  	v17 =	vor.u32 $0x4000, v18;
	v38 =	vadd.f32 v32, v35;
	v12 =	vand.u32 $0xFF80, v12  }
0xf5: {  	v27 =	vadd.f32 v37, v27;
	[tilespmem:v7+s14+$0x0] =	vst.idx.add.f32.msk vm6, v35;
	v12 =	vor.u32 v36, v12  }
0xf6: {  	[tilespmem:v10+s14+$0x0] =	vst.idx.add.f32.msk vm7, v15;
	v54 =	vadd.f32 v40, v29;
	v32 =	vsel vm6, v32, v38  }
0xf7: {  	v55 =	vadd.s32 $0x6000, v7;
	v10 =	vor.u32 $0x8000, v18;
	v13 =	vsel vm6, v28, v13;
	[tilespmem:v18+s14+$0x0] =	vst.idx.add.f32.msk vm5, v32  }
0xf8: {  	v15 =	vand.u32 $0xFF80, v55;
	v18 =	vsel vm6, v40, v54;
	[tilespmem:v9+s14+$0x0] =	vst.idx.add.f32.msk vm5, v13;
	v9 =	vor.u32 $0x4000, v7  }
0xf9: {  	v8 =	vor.u32 v8, v15;
	v15 =	vsel vm6, $0x80000000, v21;
	[tilespmem:v17+s14+$0x0] =	vst.idx.add.f32.msk vm5, v18  }
0xfa: {  	v7 =	vor.u32 $0x8000, v7;
	[tilespmem:v12+s14+$0x0] =	vst.idx.add.f32.msk vm5, v27;
	v12 =	vadd.f32 v24, v15  }
0xfb: {  	[tilespmem:v14+s14+$0x0] =	vst.idx.add.f32.msk vm6, v31  }
0xfc: {  	[tilespmem:v10+s14+$0x0] =	vst.idx.add.f32.msk vm5, v12  }
0xfd: {  	[tilespmem:v9+s14+$0x0] =	vst.idx.add.f32.msk vm6, v29  }
0xfe: {  	[tilespmem:v8+s14+$0x0] =	vst.idx.add.f32.msk vm6, v16  }
0xff: {  	[tilespmem:v7+s14+$0x0] =	vst.idx.add.f32.msk vm6, v21  }
0x100: {  	s0 =	rddreg [dreg:$0x18]  }
0x101: {  	[tilespmem:s1], [sflag:$0x1] =	stream.linear.gather [hbm4b:s0+s1], $0x1000, $0x38;
	[tilespmem:$0x1E080] =	vst v63  }
0x102: {  	s2 =	simm.s32 $0x3000;
	s4 =	rddreg [dreg:$0x19]  }
0x103: {  	[tilespmem:s2], [sflag:$0x1] =	stream.linear.gather [hbm4b:s4+s1], $0x1000, $0x38;
	[tilespmem:$0x1E080] =	vst v63  }
0x104: {  	s17 =	simm.s32 $0x6000;
	s16 =	rddreg [dreg:$0x1a]  }
0x105: {  	[tilespmem:s17], [sflag:$0x1] =	stream.linear.gather [hbm4b:s16+s1], $0x1000, $0x38;
	[tilespmem:$0x1E080] =	vst v63  }
0x106: {  	s22 =	simm.s32 $0x1000;
	s21 =	rddreg [dreg:$0x12]  }
0x107: {  	[tilespmem:s22], [sflag:$0x1] =	stream.linear.gather [hbm4b:s21+s1], $0x1000, $0x38;
	[tilespmem:$0x1E080] =	vst v63  }
0x108: {  	s3 =	rddreg [dreg:$0x13];
	s4 =	simm.s32 $0x4000  }
0x109: {  	[tilespmem:s4], [sflag:$0x1] =	stream.linear.gather [hbm4b:s3+s1], $0x1000, $0x38;
	[tilespmem:$0x1E080] =	vst v63  }
0x10a: {  	s16 =	rddreg [dreg:$0x14];
	s17 =	simm.s32 $0x7000  }
0x10b: {  	[tilespmem:s17], [sflag:$0x1] =	stream.linear.gather [hbm4b:s16+s1], $0x1000, $0x38;
	[tilespmem:$0x1E080] =	vst v63  }
0x10c: {  	s21 =	rddreg [dreg:$0x15];
	s22 =	simm.s32 $0x2000  }
0x10d: {  	[tilespmem:s22], [sflag:$0x1] =	stream.linear.gather [hbm4b:s21+s1], $0x1000, $0x38;
	[tilespmem:$0x1E080] =	vst v63  }
0x10e: {  	s3 =	rddreg [dreg:$0x16];
	s4 =	simm.s32 $0x5000  }
0x10f: {  	[tilespmem:s4], [sflag:$0x1] =	stream.linear.gather [hbm4b:s3+s1], $0x1000, $0x38;
	[tilespmem:$0x1E080] =	vst v63  }
0x110: {  	s16 =	rddreg [dreg:$0x17];
	s17 =	simm.s32 $0x8000  }
0x111: {  	[tilespmem:s17], [sflag:$0x1] =	stream.linear.gather [hbm4b:s16+s1], $0x1000, $0x38;
	[tilespmem:$0x1E080] =	vst v63  }
0x112: {  	s21 =	rddreg [dreg:$0x1b];
	s22 =	simm.s32 $0x9000  }
0x113: {  	[tilespmem:s22], [sflag:$0x1] =	stream.linear.gather [hbm4b:s21+s1], $0x1000, $0x38;
	[tilespmem:$0x1E080] =	vst v63  }
0x114: {  	_ =	swait.ge [sflag:s28], $0x1000  }
0x115: {  	[sflag:s28] =	ssyncset.done $0x0  }
0x116: {  	[sflag:s28] =	ssyncadd.s32 $0xFFFFF000  }
0x117: {  	_ =	swait.ge [sflag:s28], $0x1000  }
0x118: {  	[sflag:s28] =	ssyncset.done $0x0  }
0x119: {  	[sflag:s28] =	ssyncadd.s32 $0xFFFFF000  }
0x11a: {  	_ =	swait.ge [sflag:s28], $0x1000  }
0x11b: {  	[sflag:s28] =	ssyncset.done $0x0  }
0x11c: {  	[sflag:s28] =	ssyncadd.s32 $0xFFFFF000  }
0x11d: {  	_ =	swait.ge [sflag:s28], $0x1000  }
0x11e: {  	[sflag:s28] =	ssyncset.done $0x0  }
0x11f: {  	[sflag:s28] =	ssyncadd.s32 $0xFFFFF000  }
0x120: {  	_ =	swait.ge [sflag:s28], $0x1000  }
0x121: {  	[sflag:s28] =	ssyncset.done $0x0  }
0x122: {  	[sflag:s28] =	ssyncadd.s32 $0xFFFFF000  }
0x123: {  	_ =	swait.ge [sflag:s28], $0x1000  }
0x124: {  	[sflag:s28] =	ssyncset.done $0x0  }
0x125: {  	[sflag:s28] =	ssyncadd.s32 $0xFFFFF000  }
0x126: {  	_ =	swait.ge [sflag:s28], $0x1000  }
0x127: {  	[sflag:s28] =	ssyncset.done $0x0  }
0x128: {  	[sflag:s28] =	ssyncadd.s32 $0xFFFFF000  }
0x129: {  	_ =	swait.ge [sflag:s28], $0x1000  }
0x12a: {  	[sflag:s28] =	ssyncset.done $0x0  }
0x12b: {  	[sflag:s28] =	ssyncadd.s32 $0xFFFFF000  }
0x12c: {  	_ =	swait.ge [sflag:s28], $0x1000  }
0x12d: {  	[sflag:s28] =	ssyncset.done $0x0  }
0x12e: {  	[sflag:s28] =	ssyncadd.s32 $0xFFFFF000  }
0x12f: {  	_ =	swait.ge [sflag:s28], $0x1000  }
0x130: {  	[sflag:s28] =	ssyncset.done $0x0  }
0x131: {  	s29 =	simm.s32 $0x13020;
	[sflag:s28] =	ssyncadd.s32 $0xFFFFF000  }
0x132: {  	s3 =	simm.s32 $0xB020;
	v10 =	vld [tilespmem:s29+$0x0]  }
0x133: {  	v9 =	vadd.f32 v30, v33;
	v8 =	vsub.f32 v26, v19;
	v7 =	vmul.f32 v28, v25;
	s0 =	simm.s32 $0x10020;
	v14 =	vld [tilespmem:s3+$0xFFFFFFE0]  }
0x134: {  	v5 =	vsub.f32 v34, v5;
	v17 =	vmul.f32 v6, v20;
	s4 =	simm.s32 $0x11020;
	v16 =	vld [tilespmem:s0+$0xFFFFFFE0]  }
0x135: {  	v15 =	vmul.f32 v40, v23;
	v8 =	vadd.f32 v22, v8;
	v7 =	vadd.f32 v9, v7;
	v9 =	vld [tilespmem:s4+$0xFFFFFFE0]  }
0x136: {  	v5 =	vadd.f32 v11, v5;
	s2 =	simm.s32 $0xC020;
	v21 =	vld [tilespmem:s29+$0xFFFFFFF0]  }
0x137: {  	v11 =	vmul.f32 v17, v20;
	v7 =	vadd.f32 v7, v15;
	v15 =	vmul.f32 v6, v8;
	s17 =	simm.s32 $0x12020;
	v19 =	vld [tilespmem:s2+$0xFFFFFFE0]  }
0x138: {  	v20 =	vmul.f32 v6, v5;
	s16 =	simm.s32 $0xA020;
	v22 =	vld [tilespmem:s17+$0xFFFFFFE0]  }
0x139: {  	v7 =	vadd.f32 v11, v7;
	v8 =	vmul.f32 v15, v8;
	v11 =	vld [tilespmem:s16+$0xFFFFFFF0]  }
0x13a: {  	v23 =	vsel vm5, $0x80000000, v27;
	v18 =	vadd.f32 v20, v18;
	v24 =	vld [tilespmem:s0+$0xFFFFFFF0]  }
0x13b: {  	v5 =	vmul.f32 v20, v5;
	v7 =	vadd.f32 v7, v8;
	v8 =	vadd.f32 v15, v13;
	v13 =	vld [tilespmem:s3+$0xFFFFFFF0]  }
0x13c: {  	s30 =	simm.s32 $0xF020;
	v58 =	vand.u32 $0x3FFF, v4;
	v20 =	vsel vm5, v20, v18;
	v25 =	vadd.f32 v23, v6;
	v18 =	vld [tilespmem:s4+$0xFFFFFFF0]  }
0x13d: {  	v6 =	vsub.f32 $1.000000000e+00, v6;
	v26 =	vadd.f32 v7, v5;
	v7 =	vsel vm5, $0x80000000, v12;
	v12 =	vld [tilespmem:s30+$0xFFFFFFE0]  }
0x13e: {  	v63 =	vadd.s32 $0x2000, v58;
	v5 =	vadd.f32 v17, v32;
	v28 =	vsel vm5, v15, v8;
	v15 =	vld [tilespmem:s29+$0xFFFFFFE0]  }
0x13f: {  	v35 =	vadd.s32 $0x6000, v58;
	v38 =	vor.u32 $0x4000, v58;
	v29 =	vadd.f32 v6, v7;
	v6 =	vld [tilespmem:s16+$0xFFFFFFE0]  }
0x140: {  	v30 =	vsel vm5, v17, v5;
	v56 =	vld [tilespmem:s3+$0x0];
	v14 =	vsub.f32 v14, v9;
	v9 =	vsub.f32 v11, v24  }
0x141: {  	v33 =	vld [tilespmem:s0+$0x0];
	v8 =	vsub.f32 v19, v22;
	v5 =	vand.u32 $0x3FFF, v21;
	v17 =	vshra.s32 v21, $0x1E  }
0x142: {  	s21 =	simm.s32 $0xD020;
	v57 =	vld [tilespmem:s2+$0xFFFFFFF0];
	v7 =	vand.u32 $0x7F, v10;
	v24 =	vsub.f32 v13, v18;
	v13 =	vcvt.s32.f32 v17  }
0x143: {  	v11 =	vld [tilespmem:s21+$0xFFFFFFF0];
	v17 =	vadd.s32 $0x6000, v5;
	v23 =	vadd.s32 $0x2000, v5;
	v27 =	vadd.f32 v12, v8  }
0x144: {  	v22 =	vld [tilespmem:s21+$0xFFFFFFE0];
	v31 =	vand.u32 $0xFF80, v17;
	v8 =	vand.u32 $0x3FFF, v15;
	v17 =	vshra.s32 v15, $0x1E  }
0x145: {  	v62 =	vld [tilespmem:s17+$0x0];
	v61 =	vand.u32 $0x7F80, v23;
	v12 =	vsub.f32 $1.000000000e+00, v13;
	v13 =	vsub.f32 v6, v16  }
0x146: {  	v18 =	vld [tilespmem:s2+$0x0];
	v16 =	vcvt.s32.f32 v17;
	v6 =	vor.u32 $0x4000, v8;
	v19 =	vadd.s32 $0x6000, v8  }
0x147: {  	v42 =	vld [tilespmem:s30+$0xFFFFFFF0];
	v17 =	vand.u32 $0x7F, v15;
	vm8 =	vne.s32 v8, v4;
	vm5 =	vne.s32 v5, v8  }
0x148: {  	s22 =	simm.s32 $0xE020;
	v49 =	vld [tilespmem:s30+$0x0];
	v44 =	vsel vm8, $0x80000000, v25;
	v48 =	vsel vm8, $0x80000000, v29;
	v59 =	vadd.f32 v11, v9  }
0x149: {  	v15 =	vld [tilespmem:s22+$0xFFFFFFE0];
	v22 =	vadd.f32 v22, v13;
	v9 =	vadd.s32 $0x2000, v8;
	v60 =	vsub.f32 $1.000000000e+00, v16  }
0x14a: {  	v50 =	vld [tilespmem:s22+$0xFFFFFFF0];
	v43 =	vsub.f32 $1.000000000e+00, v12;
	v11 =	vand.u32 $0x3FFF, v10;
	v10 =	vshra.s32 v10, $0x1E  }
0x14b: {  	v53 =	vld [tilespmem:s29+$0x10];
	v37 =	vsub.f32 v18, v62;
	v9 =	vand.u32 $0x7F80, v9;
	v18 =	vcvt.s32.f32 v10  }
0x14c: {  	v13 =	vld [tilespmem:s17+$0xFFFFFFF0];
	vm7 =	vne.s32 v11, v5;
	v41 =	vmul.f32 v12, v59;
	v45 =	vsub.f32 $1.000000000e+00, v60  }
0x14d: {  	v16 =	vld [tilespmem:s4+$0x0];
	v47 =	vor.u32 v17, v9;
	v46 =	vmul.f32 v60, v27;
	v52 =	vmul.f32 v60, v22  }
0x14e: {  	v62 =	vld [tilespmem:s22+$0x0];
	v51 =	vadd.f32 v15, v14;
	v15 =	vand.u32 $0x7F, v21;
	v23 =	vsub.f32 $1.000000000e+00, v18  }
0x14f: {  	v9 =	vld [tilespmem:s22+$0x10];
	v21 =	vor.u32 $0x8000, v58;
	v18 =	vadd.f32 v44, v60;
	v14 =	vadd.f32 v46, v20  }
0x150: {  	v10 =	vor.u32 v15, v31;
	v31 =	vld [tilespmem:s16+$0x0];
	v22 =	vmul.f32 v52, v22;
	v55 =	vmul.f32 v41, v59  }
0x151: {  	[tilespmem:v4+s14+$0x0] =	vst.idx.add.f32.msk vm8, v30;
	v15 =	vor.u32 v15, v61;
	v4 =	vand.u32 $0x3FFF, v53;
	v34 =	vsub.f32 v57, v13  }
0x152: {  	v13 =	vld [tilespmem:s30+$0x10];
	v32 =	vsub.f32 v56, v16;
	v16 =	vadd.f32 v45, v48;
	v45 =	vmul.f32 v46, v27  }
0x153: {  	[tilespmem:v63+s14+$0x0] =	vst.idx.add.f32.msk vm8, v28;
	v27 =	vsub.f32 $1.000000000e+00, v23;
	v40 =	vmul.f32 v60, v51;
	v63 =	vadd.f32 v52, v30  }
0x154: {  	v57 =	vadd.f32 v50, v24;
	v24 =	vadd.s32 $0x2000, v11;
	v56 =	vadd.f32 v22, v26;
	v26 =	vld [tilespmem:s21+$0x0]  }
0x155: {  	vm6 =	vne.s32 v4, v11;
	v14 =	vsel vm8, v46, v14;
	[tilespmem:v38+s14+$0x0] =	vst.idx.add.f32.msk vm8, v20;
	v24 =	vand.u32 $0x7F80, v24  }
0x156: {  	v38 =	vsel vm5, $0x80000000, v18;
	v34 =	vadd.f32 v42, v34;
	v20 =	vadd.f32 v40, v28;
	[tilespmem:v35+s14+$0x0] =	vst.idx.add.f32.msk vm8, v25  }
0x157: {  	v30 =	vld [tilespmem:s21+$0x10];
	v59 =	vmul.f32 v40, v51;
	v36 =	vmul.f32 v12, v57;
	v60 =	vadd.f32 v62, v32  }
0x158: {  	v28 =	vld [tilespmem:s16+$0x10];
	v25 =	vor.u32 v7, v24;
	v24 =	vshra.s32 v53, $0x1E;
	v31 =	vsub.f32 v31, v33  }
0x159: {  	[tilespmem:v21+s14+$0x0] =	vst.idx.add.f32.msk vm8, v29;
	v21 =	vsel vm5, $0x80000000, v16;
	v54 =	vmul.f32 v12, v34;
	v61 =	vsel vm8, v40, v20  }
0x15a: {  	v35 =	vld [tilespmem:s3+$0x10];
	v39 =	vmul.f32 v23, v60;
	v20 =	vadd.f32 v43, v21;
	v31 =	vadd.f32 v26, v31  }
0x15b: {  	v29 =	vld [tilespmem:s4+$0x10];
	v21 =	vcvt.s32.f32 v24;
	v62 =	vadd.f32 v56, v59;
	v24 =	vsel vm8, v52, v63  }
0x15c: {  	v40 =	vld [tilespmem:s0+$0x10];
	v44 =	vmul.f32 v36, v57;
	v46 =	vadd.f32 v36, v61;
	v42 =	vmul.f32 v23, v31  }
0x15d: {  	v63 =	vadd.s32 $0x6000, v11;
	[tilespmem:v8+s14+$0x0] =	vst.idx.add.f32.msk vm5, v24;
	v58 =	vadd.f32 v54, v14;
	v26 =	vadd.f32 v49, v37  }
0x15e: {  	v22 =	vld [tilespmem:s17+$0x10];
	v43 =	vadd.f32 v62, v45;
	v32 =	vmul.f32 v42, v31;
	v31 =	vadd.f32 v41, v24  }
0x15f: {  	s31 =	simm.s32 $0x0;
	s22 =	simm.s32 $0xE060;
	s17 =	simm.s32 $0xB060;
	v34 =	vmul.f32 v54, v34;
	v21 =	vsub.f32 $1.000000000e+00, v21;
	[tilespmem:v47+s14+$0x0] =	vst.idx.add.f32.msk vm5, v61;
	v33 =	vmul.f32 v39, v60  }
0x160: {  	s21 =	simm.s32 $0xD060;
	s16 =	simm.s32 $0xA060;
	s3 =	simm.s32 $0x12060;
	v47 =	vsel vm7, $0x80000000, v20;
	v37 =	vld [tilespmem:s2+$0x10];
	v45 =	vadd.f32 v55, v43;
	v48 =	vsel vm5, v41, v31  }
0x161: {  	s4 =	simm.s32 $0xC060;
	s0 =	simm.s32 $0x10060;
	s2 =	simm.s32 $0x11060;
	v43 =	vand.u32 $0xFF80, v63;
	v24 =	vsel vm5, v54, v58;
	v41 =	vmul.f32 v23, v26;
	[tilespmem:v5+s14+$0x0] =	vst.idx.add.f32.msk vm7, v48  }
.LBB2_6:
0x162: {  	v31 =	vld [tilespmem:s4+$0x0];
	s31 =	sadd.s32 $0x40, s31;
	v36 =	vsel vm5, v36, v46;
	v40 =	vsub.f32 v28, v40;
	v35 =	vsub.f32 v35, v29;
	s29 =	sadd.s32 $0x40, s29;
	s30 =	sadd.s32 $0x40, s30  }
0x163: {  	v19 =	vand.u32 $0xFF80, v19;
	v29 =	vld [tilespmem:s17+$0x0];
	p0 =	slt.u32 s31, $0xFC0;
	v44 =	vadd.f32 v45, v44;
	v45 =	vadd.f32 v41, v24  }
0x164: {  	v48 =	vadd.f32 v42, v48;
	v46 =	vmul.f32 v41, v26;
	v28 =	vld [tilespmem:s0+$0x0];
	v9 =	vadd.f32 v9, v35  }
0x165: {  	v30 =	vadd.f32 v30, v40;
	v40 =	vor.u32 $0x4000, v11;
	v26 =	vld [tilespmem:s2+$0x0];
	v44 =	vadd.f32 v44, v34  }
0x166: {  	v42 =	vsel vm7, v42, v48;
	v41 =	vsel vm7, v41, v45;
	v34 =	vld [tilespmem:s30+$0xFFFFFFF0];
	v45 =	vmul.f32 v21, v9  }
0x167: {  	v37 =	vsub.f32 v37, v22;
	v35 =	vld [tilespmem:s22+$0xFFFFFFE0];
	v32 =	vadd.f32 v32, v44;
	v44 =	vmul.f32 v21, v30  }
0x168: {  	v47 =	vadd.f32 v27, v47;
	v17 =	vor.u32 v17, v19;
	v19 =	vadd.f32 v39, v36;
	v22 =	vld [tilespmem:s4+$0xFFFFFFF0]  }
0x169: {  	v27 =	vld [tilespmem:s29+$0x0];
	v32 =	vadd.f32 v32, v33;
	v33 =	vmul.f32 v44, v30;
	v30 =	vadd.f32 v44, v42  }
0x16a: {  	v19 =	vsel vm7, v39, v19;
	v13 =	vadd.f32 v13, v37;
	v37 =	vsel vm6, $0x80000000, v47;
	v48 =	vld [tilespmem:s21+$0xFFFFFFE0]  }
0x16b: {  	v39 =	vld [tilespmem:s17+$0xFFFFFFE0];
	v32 =	vadd.f32 v32, v46;
	v30 =	vsel vm6, v44, v30;
	v44 =	vadd.f32 v45, v19  }
0x16c: {  	v38 =	vadd.f32 v38, v12;
	v9 =	vmul.f32 v45, v9;
	v12 =	vmul.f32 v21, v13;
	v46 =	vld [tilespmem:s0+$0xFFFFFFE0]  }
0x16d: {  	v49 =	vld [tilespmem:s29+$0xFFFFFFE0];
	v33 =	vadd.f32 v33, v32;
	v32 =	vsel vm6, v45, v44;
	v44 =	vsub.f32 $1.000000000e+00, v21  }
0x16e: {  	v50 =	vsel vm7, $0x80000000, v38;
	v13 =	vmul.f32 v12, v13;
	v51 =	vadd.f32 v12, v41;
	v45 =	vld [tilespmem:s3+$0x0]  }
0x16f: {  	v52 =	vld [tilespmem:s16+$0xFFFFFFE0];
	v9 =	vadd.f32 v33, v9;
	v33 =	vadd.f32 v44, v37  }
0x170: {  	v23 =	vadd.f32 v50, v23;
	v37 =	vsel vm6, v12, v51;
	v44 =	vld [tilespmem:s2+$0xFFFFFFE0]  }
0x171: {  	v50 =	vld [tilespmem:s29+$0xFFFFFFF0];
	v51 =	vadd.f32 v9, v13  }
0x172: {  	v12 =	vsel vm6, $0x80000000, v23;
	v9 =	vld [tilespmem:s4+$0xFFFFFFE0]  }
0x173: {  	v21 =	vadd.f32 v12, v21;
	v13 =	vld [tilespmem:s3+$0xFFFFFFE0]  }
0x174: {  	v12 =	vld [tilespmem:s16+$0xFFFFFFF0]  }
0x175: {  	v39 =	vsub.f32 v39, v44;
	v44 =	vld [tilespmem:s3+$0xFFFFFFF0]  }
0x176: {  	v53 =	vld [tilespmem:s0+$0xFFFFFFF0]  }
0x177: {  	v54 =	vld [tilespmem:s17+$0xFFFFFFF0]  }
0x178: {  	v55 =	vld [tilespmem:s21+$0xFFFFFFF0]  }
0x179: {  	v56 =	vld [tilespmem:s2+$0xFFFFFFF0]  }
0x17a: {  	v43 =	vor.u32 v7, v43;
	v57 =	vld [tilespmem:s30+$0xFFFFFFE0]  }
0x17b: {  	v58 =	vor.u32 $0x8000, v5;
	v53 =	vsub.f32 v12, v53;
	[tilespmem:v11+s14+$0x0] =	vst.idx.add.f32.msk vm6, v42;
	v11 =	vor.u32 $0x8000, v11  }
0x17c: {  	v12 =	vsub.f32 v9, v13;
	v13 =	vor.u32 $0x8000, v8;
	v42 =	vor.u32 $0x4000, v5;
	v9 =	vld [tilespmem:s22+$0x10]  }
0x17d: {  	v7 =	vand.u32 $0x7F, v27;
	v5 =	vand.u32 $0x3FFF, v50;
	v8 =	vshra.s32 v50, $0x1E;
	[tilespmem:v25+s14+$0x0] =	vst.idx.add.f32.msk vm6, v19  }
0x17e: {  	v19 =	vcvt.s32.f32 v8;
	v8 =	vadd.s32 $0x6000, v5;
	v25 =	vsub.f32 v54, v56;
	[tilespmem:v40+s14+$0x0] =	vst.idx.add.f32.msk vm6, v41  }
0x17f: {  	v41 =	vadd.s32 $0x2000, v5;
	v54 =	vand.u32 $0xFF80, v8;
	v40 =	vadd.f32 v57, v12;
	[tilespmem:v43+s14+$0x0] =	vst.idx.add.f32.msk vm6, v23  }
0x180: {  	v8 =	vand.u32 $0x3FFF, v49;
	v23 =	vshra.s32 v49, $0x1E;
	v12 =	vsub.f32 $1.000000000e+00, v19;
	[tilespmem:v11+s14+$0x0] =	vst.idx.add.f32.msk vm6, v47  }
0x181: {  	v11 =	vsub.f32 v52, v46;
	v23 =	vcvt.s32.f32 v23;
	[tilespmem:v6+s14+$0x0] =	vst.idx.add.f32.msk vm5, v14;
	v6 =	vor.u32 $0x4000, v8  }
0x182: {  	v43 =	vadd.f32 v55, v53;
	v19 =	vadd.s32 $0x6000, v8;
	v14 =	vand.u32 $0x3FFF, v4;
	[tilespmem:v17+s14+$0x0] =	vst.idx.add.f32.msk vm5, v18  }
0x183: {  	v18 =	vadd.f32 v48, v11;
	v46 =	vor.u32 $0x4000, v14;
	v17 =	vand.u32 $0x7F, v49;
	[tilespmem:v13+s14+$0x0] =	vst.idx.add.f32.msk vm5, v16  }
0x184: {  	v47 =	vadd.s32 $0x2000, v14;
	v48 =	vmul.f32 v12, v43;
	v11 =	vadd.s32 $0x2000, v8;
	[tilespmem:v15+s14+$0x0] =	vst.idx.add.f32.msk vm7, v36  }
0x185: {  	v49 =	vsub.f32 $1.000000000e+00, v12;
	v13 =	vand.u32 $0x7F80, v11;
	v36 =	vsub.f32 $1.000000000e+00, v23;
	[tilespmem:v42+s14+$0x0] =	vst.idx.add.f32.msk vm7, v24  }
0x186: {  	vm8 =	vne.s32 v8, v4;
	vm5 =	vne.s32 v5, v8;
	v11 =	vand.u32 $0x3FFF, v27;
	[tilespmem:v10+s14+$0x0] =	vst.idx.add.f32.msk vm7, v38  }
0x187: {  	v52 =	vor.u32 v17, v13;
	v24 =	vsel vm8, $0x80000000, v21;
	v15 =	vsub.f32 $1.000000000e+00, v36;
	[tilespmem:v58+s14+$0x0] =	vst.idx.add.f32.msk vm7, v20  }
0x188: {  	v16 =	vsel vm8, $0x80000000, v33;
	v10 =	vshra.s32 v27, $0x1E;
	v20 =	vmul.f32 v36, v40;
	v38 =	vld [tilespmem:s30+$0x0]  }
0x189: {  	v31 =	vsub.f32 v31, v45;
	v22 =	vsub.f32 v22, v44;
	v23 =	vcvt.s32.f32 v10;
	v42 =	vld [tilespmem:s22+$0xFFFFFFF0]  }
0x18a: {  	v35 =	vadd.f32 v35, v39;
	v44 =	vmul.f32 v36, v18;
	v27 =	vand.u32 $0x7F, v50;
	v13 =	vld [tilespmem:s30+$0x10]  }
0x18b: {  	v39 =	vor.u32 $0x8000, v14;
	v10 =	vor.u32 v27, v54;
	v45 =	vadd.f32 v20, v37;
	v50 =	vld [tilespmem:s16+$0x0]  }
0x18c: {  	v34 =	vadd.f32 v34, v22;
	v22 =	vand.u32 $0x7F80, v41;
	v53 =	vadd.s32 $0x6000, v14;
	v54 =	vld [tilespmem:s22+$0x0]  }
0x18d: {  	v29 =	vsub.f32 v29, v26;
	v18 =	vmul.f32 v44, v18;
	v14 =	vsel vm8, v20, v45;
	v41 =	vld [tilespmem:s29+$0x10]  }
0x18e: {  	v43 =	vmul.f32 v48, v43;
	v23 =	vsub.f32 $1.000000000e+00, v23;
	v45 =	vmul.f32 v12, v34;
	[tilespmem:v4+s14+$0x0] =	vst.idx.add.f32.msk vm8, v30  }
0x18f: {  	v16 =	vadd.f32 v15, v16;
	v15 =	vor.u32 v27, v22;
	v51 =	vadd.f32 v18, v51;
	v26 =	vld [tilespmem:s21+$0x0]  }
0x190: {  	v55 =	vmul.f32 v20, v40;
	v18 =	vadd.f32 v24, v36;
	v27 =	vsub.f32 $1.000000000e+00, v23;
	[tilespmem:v47+s14+$0x0] =	vst.idx.add.f32.msk vm8, v32  }
0x191: {  	vm7 =	vne.s32 v11, v5;
	v20 =	vmul.f32 v36, v35;
	v24 =	vsub.f32 v50, v28;
	v22 =	vld [tilespmem:s3+$0x10]  }
0x192: {  	v47 =	vadd.f32 v42, v25;
	v25 =	vadd.s32 $0x2000, v11;
	[tilespmem:v46+s14+$0x0] =	vst.idx.add.f32.msk vm8, v37;
	v37 =	vadd.f32 v44, v30  }
0x193: {  	v50 =	vadd.f32 v45, v14;
	v4 =	vand.u32 $0x3FFF, v41;
	[tilespmem:v53+s14+$0x0] =	vst.idx.add.f32.msk vm8, v21;
	v21 =	vadd.f32 v20, v32  }
0x194: {  	v25 =	vand.u32 $0x7F80, v25;
	v32 =	vmul.f32 v20, v35;
	[tilespmem:v39+s14+$0x0] =	vst.idx.add.f32.msk vm8, v33;
	v24 =	vadd.f32 v26, v24  }
0x195: {  	vm6 =	vne.s32 v4, v11;
	v33 =	vsel vm5, $0x80000000, v16;
	v26 =	vadd.f32 v38, v31  }
0x196: {  	v36 =	vmul.f32 v12, v47;
	v25 =	vor.u32 v7, v25;
	v31 =	vadd.f32 v54, v29;
	v28 =	vld [tilespmem:s16+$0x10]  }
0x197: {  	v53 =	vsel vm8, v20, v21;
	v21 =	vshra.s32 v41, $0x1E;
	v42 =	vmul.f32 v23, v24;
	v29 =	vld [tilespmem:s2+$0x10]  }
0x198: {  	v38 =	vsel vm5, $0x80000000, v18;
	v46 =	vadd.f32 v36, v53;
	v39 =	vmul.f32 v23, v31;
	v30 =	vld [tilespmem:s21+$0x10]  }
0x199: {  	v34 =	vmul.f32 v45, v34;
	v20 =	vadd.f32 v49, v33;
	v21 =	vcvt.s32.f32 v21;
	v35 =	vld [tilespmem:s17+$0x10]  }
.Ltmp2:
0x19a: {  	v37 =	vsel vm8, v44, v37;
	v33 =	vadd.f32 v51, v32;
	v32 =	vmul.f32 v42, v24;
	v40 =	vld [tilespmem:s0+$0x10];
	(pc) =	sbr.rel @p0 .LBB2_6-.Ltmp2, $4  }
0x19b: {  	v24 =	vsel vm5, v45, v50;
	v21 =	vsub.f32 $1.000000000e+00, v21;
	[tilespmem:v8+s14+$0x0] =	vst.idx.add.f32.msk vm5, v37;
	v37 =	vadd.f32 v48, v37  }
0x19c: {  	s16 =	sadd.s32 $0x40, s16;
	v41 =	vadd.f32 v33, v55;
	v33 =	vmul.f32 v39, v31;
	v31 =	vadd.s32 $0x6000, v11;
	s0 =	sadd.s32 $0x40, s0;
	[tilespmem:v52+s14+$0x0] =	vst.idx.add.f32.msk vm5, v53  }
0x19d: {  	v44 =	vmul.f32 v36, v47;
	v47 =	vsel vm7, $0x80000000, v20;
	s2 =	sadd.s32 $0x40, s2;
	s21 =	sadd.s32 $0x40, s21;
	s17 =	sadd.s32 $0x40, s17;
	v48 =	vsel vm5, v48, v37;
	v37 =	vld [tilespmem:s4+$0x10]  }
0x19e: {  	s22 =	sadd.s32 $0x40, s22;
	s3 =	sadd.s32 $0x40, s3;
	v45 =	vadd.f32 v43, v41;
	v41 =	vmul.f32 v23, v26;
	v43 =	vand.u32 $0xFF80, v31;
	s4 =	sadd.s32 $0x40, s4;
	[tilespmem:v5+s14+$0x0] =	vst.idx.add.f32.msk vm7, v48  }
0x19f: {  	_ =	sdelay $0x1  }
0x1a0: {  	v31 =	vsel vm5, v36, v46  }
0x1a1: {  	v63 =	vadd.f32 v42, v48;
	v52 =	vor.u32 $0x4000, v11;
	v12 =	vadd.f32 v38, v12  }
0x1a2: {  	v7 =	vor.u32 v7, v43;
	v62 =	vadd.f32 v41, v24;
	v49 =	vadd.f32 v39, v31  }
0x1a3: {  	v19 =	vand.u32 $0xFF80, v19;
	v54 =	vor.u32 $0x8000, v11;
	[tilespmem:v6+s14+$0x0] =	vst.idx.add.f32.msk vm5, v14;
	v53 =	vsel vm7, v42, v63  }
0x1a4: {  	v55 =	vsel vm7, $0x80000000, v12;
	v36 =	vsel vm7, v41, v62;
	v39 =	vsel vm7, v39, v49;
	[tilespmem:v11+s14+$0x0] =	vst.idx.add.f32.msk vm6, v53  }
0x1a5: {  	v11 =	vor.u32 v17, v19;
	v17 =	vadd.f32 v55, v23;
	[tilespmem:v25+s14+$0x0] =	vst.idx.add.f32.msk vm6, v39  }
0x1a6: {  	v8 =	vor.u32 $0x8000, v8;
	[tilespmem:v52+s14+$0x0] =	vst.idx.add.f32.msk vm6, v36  }
0x1a7: {  	v19 =	vadd.f32 v27, v47;
	[tilespmem:v7+s14+$0x0] =	vst.idx.add.f32.msk vm6, v17;
	v7 =	vor.u32 $0x4000, v5  }
0x1a8: {  	[tilespmem:v15+s14+$0x0] =	vst.idx.add.f32.msk vm7, v31  }
0x1a9: {  	v5 =	vor.u32 $0x8000, v5;
	[tilespmem:v54+s14+$0x0] =	vst.idx.add.f32.msk vm6, v19  }
0x1aa: {  	[tilespmem:v11+s14+$0x0] =	vst.idx.add.f32.msk vm5, v18  }
0x1ab: {  	[tilespmem:v8+s14+$0x0] =	vst.idx.add.f32.msk vm5, v16  }
0x1ac: {  	[tilespmem:v7+s14+$0x0] =	vst.idx.add.f32.msk vm7, v24  }
0x1ad: {  	[tilespmem:v10+s14+$0x0] =	vst.idx.add.f32.msk vm7, v12  }
0x1ae: {  	s0 =	simm.s32 $0xA000;
	[tilespmem:v5+s14+$0x0] =	vst.idx.add.f32.msk vm7, v20  }
0x1af: {  	[tilespmem:s0], [sflag:$0x2] =	stream.linear.gather [hbm4b:s5+s1], $0x1000, $0x38;
	[tilespmem:$0x1E080] =	vst v63  }
0x1b0: {  	s3 =	simm.s32 $0xD000  }
0x1b1: {  	[tilespmem:s3], [sflag:$0x2] =	stream.linear.gather [hbm4b:s7+s1], $0x1000, $0x38;
	[tilespmem:$0x1E080] =	vst v63  }
0x1b2: {  	s4 =	simm.s32 $0x10000  }
0x1b3: {  	[tilespmem:s4], [sflag:$0x2] =	stream.linear.gather [hbm4b:s10+s1], $0x1000, $0x38;
	[tilespmem:$0x1E080] =	vst v63  }
0x1b4: {  	s2 =	simm.s32 $0xB000;
	s16 =	rddreg [dreg:$0x1c]  }
0x1b5: {  	[tilespmem:s2], [sflag:$0x2] =	stream.linear.gather [hbm4b:s16+s1], $0x1000, $0x38;
	[tilespmem:$0x1E080] =	vst v63  }
0x1b6: {  	s21 =	simm.s32 $0xE000;
	s17 =	rddreg [dreg:$0x1d]  }
0x1b7: {  	[tilespmem:s21], [sflag:$0x2] =	stream.linear.gather [hbm4b:s17+s1], $0x1000, $0x38;
	[tilespmem:$0x1E080] =	vst v63  }
0x1b8: {  	s22 =	rddreg [dreg:$0x1e]  }
0x1b9: {  	[tilespmem:s15], [sflag:$0x2] =	stream.linear.gather [hbm4b:s22+s1], $0x1000, $0x38;
	[tilespmem:$0x1E080] =	vst v63  }
0x1ba: {  	_ = 	snop  }
0x1bb: {  	[tilespmem:s23], [sflag:$0x2] =	stream.linear.gather [hbm4b:s6+s1], $0x1000, $0x38;
	[tilespmem:$0x1E080] =	vst v63  }
0x1bc: {  	_ = 	snop  }
0x1bd: {  	[tilespmem:s18], [sflag:$0x2] =	stream.linear.gather [hbm4b:s8+s1], $0x1000, $0x38;
	[tilespmem:$0x1E080] =	vst v63  }
0x1be: {  	_ = 	snop  }
0x1bf: {  	[tilespmem:s24], [sflag:$0x2] =	stream.linear.gather [hbm4b:s9+s1], $0x1000, $0x38;
	[tilespmem:$0x1E080] =	vst v63  }
0x1c0: {  	_ = 	snop  }
0x1c1: {  	[tilespmem:s25], [sflag:$0x2] =	stream.linear.gather [hbm4b:s11+s1], $0x1000, $0x38;
	[tilespmem:$0x1E080] =	vst v63  }
0x1c2: {  	_ =	swait.ge [sflag:s26], $0x1000  }
0x1c3: {  	[sflag:s26] =	ssyncset.done $0x0  }
0x1c4: {  	[sflag:s26] =	ssyncadd.s32 $0xFFFFF000  }
0x1c5: {  	_ =	swait.ge [sflag:s26], $0x1000  }
0x1c6: {  	[sflag:s26] =	ssyncset.done $0x0  }
0x1c7: {  	[sflag:s26] =	ssyncadd.s32 $0xFFFFF000  }
0x1c8: {  	_ =	swait.ge [sflag:s26], $0x1000  }
0x1c9: {  	[sflag:s26] =	ssyncset.done $0x0  }
0x1ca: {  	[sflag:s26] =	ssyncadd.s32 $0xFFFFF000  }
0x1cb: {  	_ =	swait.ge [sflag:s26], $0x1000  }
0x1cc: {  	[sflag:s26] =	ssyncset.done $0x0  }
0x1cd: {  	[sflag:s26] =	ssyncadd.s32 $0xFFFFF000  }
0x1ce: {  	_ =	swait.ge [sflag:s26], $0x1000  }
0x1cf: {  	[sflag:s26] =	ssyncset.done $0x0  }
0x1d0: {  	[sflag:s26] =	ssyncadd.s32 $0xFFFFF000  }
0x1d1: {  	_ =	swait.ge [sflag:s26], $0x1000  }
0x1d2: {  	[sflag:s26] =	ssyncset.done $0x0  }
0x1d3: {  	[sflag:s26] =	ssyncadd.s32 $0xFFFFF000  }
0x1d4: {  	_ =	swait.ge [sflag:s26], $0x1000  }
0x1d5: {  	[sflag:s26] =	ssyncset.done $0x0  }
0x1d6: {  	[sflag:s26] =	ssyncadd.s32 $0xFFFFF000  }
0x1d7: {  	_ =	swait.ge [sflag:s26], $0x1000  }
0x1d8: {  	[sflag:s26] =	ssyncset.done $0x0  }
0x1d9: {  	[sflag:s26] =	ssyncadd.s32 $0xFFFFF000  }
0x1da: {  	_ =	swait.ge [sflag:s26], $0x1000  }
0x1db: {  	[sflag:s26] =	ssyncset.done $0x0  }
0x1dc: {  	[sflag:s26] =	ssyncadd.s32 $0xFFFFF000  }
0x1dd: {  	v5 =	vadd.f32 v45, v44;
	_ =	swait.ge [sflag:s26], $0x1000  }
0x1de: {  	v6 =	vsub.f32 v28, v40;
	[sflag:s26] =	ssyncset.done $0x0  }
0x1df: {  	s29 =	simm.s32 $0x9020;
	v5 =	vadd.f32 v5, v34;
	[sflag:s26] =	ssyncadd.s32 $0xFFFFF000  }
0x1e0: {  	v6 =	vadd.f32 v30, v6;
	v7 =	vsub.f32 v35, v29;
	s3 =	simm.s32 $0x1020;
	v10 =	vld [tilespmem:s29+$0x0]  }
0x1e1: {  	s0 =	simm.s32 $0x6020;
	v5 =	vadd.f32 v32, v5;
	v8 =	vld [tilespmem:s3+$0xFFFFFFE0]  }
0x1e2: {  	v14 =	vmul.f32 v21, v6;
	v7 =	vadd.f32 v9, v7;
	s4 =	simm.s32 $0x7020;
	v12 =	vld [tilespmem:s0+$0xFFFFFFE0]  }
0x1e3: {  	v11 =	vmul.f32 v41, v26;
	v9 =	vsub.f32 v37, v22;
	v5 =	vadd.f32 v5, v33;
	v15 =	vld [tilespmem:s4+$0xFFFFFFE0]  }
0x1e4: {  	v6 =	vmul.f32 v14, v6;
	s2 =	simm.s32 $0x2020;
	v18 =	vld [tilespmem:s29+$0xFFFFFFF0]  }
0x1e5: {  	v16 =	vmul.f32 v21, v7;
	v9 =	vadd.f32 v13, v9;
	v5 =	vadd.f32 v5, v11;
	s17 =	simm.s32 $0x8020;
	v11 =	vld [tilespmem:s2+$0xFFFFFFE0]  }
0x1e6: {  	s16 =	simm.s32 $0x20;
	v13 =	vld [tilespmem:s17+$0xFFFFFFE0]  }
0x1e7: {  	v20 =	vmul.f32 v21, v9;
	v7 =	vmul.f32 v16, v7;
	v5 =	vadd.f32 v6, v5;
	v6 =	vld [tilespmem:s16+$0xFFFFFFF0]  }
0x1e8: {  	v57 =	vand.u32 $0x3FFF, v4;
	v22 =	vadd.f32 v14, v53;
	v23 =	vld [tilespmem:s0+$0xFFFFFFF0]  }
0x1e9: {  	v38 =	vadd.s32 $0x2000, v57;
	v9 =	vmul.f32 v20, v9;
	v5 =	vadd.f32 v5, v7;
	v7 =	vld [tilespmem:s3+$0xFFFFFFF0]  }
0x1ea: {  	s30 =	simm.s32 $0x5020;
	v51 =	vor.u32 $0x8000, v57;
	v22 =	vsel vm6, v14, v22;
	v14 =	vadd.f32 v16, v39;
	v26 =	vld [tilespmem:s4+$0xFFFFFFF0]  }
0x1eb: {  	v24 =	vsub.f32 $1.000000000e+00, v21;
	v5 =	vadd.f32 v5, v9;
	v9 =	vsel vm6, $0x80000000, v17;
	v17 =	vld [tilespmem:s30+$0xFFFFFFE0]  }
0x1ec: {  	v19 =	vsel vm6, $0x80000000, v19;
	v25 =	vadd.f32 v20, v36;
	v27 =	vsel vm6, v16, v14;
	v16 =	vld [tilespmem:s16+$0xFFFFFFE0]  }
0x1ed: {  	v24 =	vadd.f32 v24, v19;
	v37 =	vor.u32 $0x4000, v57;
	v34 =	vadd.s32 $0x6000, v57;
	s21 =	simm.s32 $0x3020;
	v14 =	vld [tilespmem:s29+$0xFFFFFFE0]  }
0x1ee: {  	v20 =	vsel vm6, v20, v25;
	v28 =	vadd.f32 v9, v21;
	v21 =	vld [tilespmem:s21+$0xFFFFFFE0];
	v15 =	vsub.f32 v8, v15  }
0x1ef: {  	s22 =	simm.s32 $0x4020;
	v31 =	vld [tilespmem:s3+$0x0];
	v19 =	vsub.f32 v6, v23;
	v9 =	vsub.f32 v11, v13;
	v6 =	vand.u32 $0x3FFF, v18  }
0x1f0: {  	v60 =	vld [tilespmem:s22+$0xFFFFFFE0];
	v13 =	vshra.s32 v18, $0x1E;
	v8 =	vand.u32 $0x7F, v10;
	v25 =	vsub.f32 v7, v26  }
0x1f1: {  	v32 =	vld [tilespmem:s0+$0x0];
	v12 =	vsub.f32 v16, v12;
	v18 =	vand.u32 $0x7F, v18;
	v7 =	vcvt.s32.f32 v13  }
0x1f2: {  	v56 =	vld [tilespmem:s2+$0xFFFFFFF0];
	v13 =	vadd.s32 $0x6000, v6;
	v29 =	vadd.s32 $0x2000, v6;
	v26 =	vadd.f32 v17, v9  }
0x1f3: {  	v11 =	vld [tilespmem:s21+$0xFFFFFFF0];
	v30 =	vand.u32 $0xFF80, v13;
	v9 =	vand.u32 $0x3FFF, v14;
	v17 =	vshra.s32 v14, $0x1E  }
0x1f4: {  	v59 =	vld [tilespmem:s17+$0x0];
	v21 =	vadd.f32 v21, v12;
	v12 =	vand.u32 $0x3FFF, v10;
	v10 =	vshra.s32 v10, $0x1E  }
0x1f5: {  	v23 =	vld [tilespmem:s2+$0x0];
	v39 =	vadd.f32 v60, v15;
	v29 =	vand.u32 $0x7F80, v29;
	v13 =	vsub.f32 $1.000000000e+00, v7  }
0x1f6: {  	v61 =	vld [tilespmem:s30+$0xFFFFFFF0];
	v16 =	vcvt.s32.f32 v17;
	v7 =	vor.u32 $0x4000, v9;
	v17 =	vand.u32 $0x7F, v14  }
0x1f7: {  	v49 =	vld [tilespmem:s30+$0x0];
	vm8 =	vne.s32 v9, v4;
	vm5 =	vne.s32 v6, v9;
	vm7 =	vne.s32 v12, v6  }
0x1f8: {  	v14 =	vld [tilespmem:s17+$0xFFFFFFF0];
	v44 =	vsel vm8, $0x80000000, v28;
	v63 =	vsel vm8, $0x80000000, v24;
	v58 =	vadd.f32 v11, v19  }
0x1f9: {  	v36 =	vld [tilespmem:s22+$0xFFFFFFF0];
	v19 =	vadd.s32 $0x6000, v9;
	v11 =	vadd.s32 $0x2000, v9;
	v40 =	vsub.f32 $1.000000000e+00, v16  }
0x1fa: {  	v35 =	vld [tilespmem:s3+$0x10];
	v43 =	vsub.f32 $1.000000000e+00, v13;
	v33 =	vsub.f32 v23, v59;
	v23 =	vcvt.s32.f32 v10  }
0x1fb: {  	v15 =	vld [tilespmem:s30+$0x10];
	v10 =	vor.u32 v18, v30;
	v11 =	vand.u32 $0x7F80, v11;
	v42 =	vmul.f32 v13, v58  }
0x1fc: {  	v16 =	vld [tilespmem:s4+$0x0];
	v62 =	vsub.f32 $1.000000000e+00, v40;
	v46 =	vmul.f32 v40, v26;
	v50 =	vmul.f32 v40, v21  }
0x1fd: {  	v30 =	vld [tilespmem:s16+$0x0];
	v47 =	vor.u32 v17, v11;
	v41 =	vmul.f32 v40, v39;
	v14 =	vsub.f32 v56, v14  }
0x1fe: {  	v11 =	vld [tilespmem:s22+$0x10];
	v52 =	vadd.f32 v46, v20;
	v60 =	vmul.f32 v50, v21;
	v55 =	vmul.f32 v42, v58  }
0x1ff: {  	[tilespmem:v4+s14+$0x0] =	vst.idx.add.f32.msk vm8, v22;
	v21 =	vsub.f32 $1.000000000e+00, v23;
	v4 =	vor.u32 v18, v29;
	v18 =	vadd.f32 v44, v40  }
0x200: {  	v29 =	vld [tilespmem:s22+$0x0];
	v22 =	vadd.f32 v50, v22;
	v44 =	vadd.f32 v36, v25;
	v25 =	vadd.s32 $0x2000, v12  }
0x201: {  	v58 =	vmul.f32 v41, v39;
	v53 =	vadd.f32 v61, v14;
	v31 =	vsub.f32 v31, v16;
	v61 =	vld [tilespmem:s29+$0x10]  }
0x202: {  	v16 =	vadd.f32 v62, v63;
	v62 =	vld [tilespmem:s21+$0x0];
	v63 =	vmul.f32 v46, v26;
	v30 =	vsub.f32 v30, v32  }
0x203: {  	[tilespmem:v38+s14+$0x0] =	vst.idx.add.f32.msk vm8, v27;
	v25 =	vand.u32 $0x7F80, v25;
	v14 =	vsel vm8, v46, v52;
	v56 =	vadd.f32 v60, v5  }
0x204: {  	v26 =	vsub.f32 $1.000000000e+00, v21;
	[tilespmem:v37+s14+$0x0] =	vst.idx.add.f32.msk vm8, v20;
	v20 =	vadd.f32 v41, v27;
	v36 =	vmul.f32 v13, v44  }
0x205: {  	v25 =	vor.u32 v8, v25;
	v37 =	vsel vm5, $0x80000000, v18;
	v54 =	vmul.f32 v13, v53;
	[tilespmem:v34+s14+$0x0] =	vst.idx.add.f32.msk vm8, v28  }
0x206: {  	v22 =	vsel vm8, v50, v22;
	v28 =	vadd.f32 v49, v33;
	[tilespmem:v51+s14+$0x0] =	vst.idx.add.f32.msk vm8, v24;
	v24 =	vsel vm5, $0x80000000, v16  }
0x207: {  	v23 =	vld [tilespmem:s17+$0x10];
	v38 =	vsel vm8, v41, v20;
	v34 =	vadd.f32 v56, v58;
	v57 =	vadd.f32 v54, v14  }
0x208: {  	v40 =	vld [tilespmem:s0+$0x10];
	v44 =	vmul.f32 v36, v44;
	v59 =	vadd.f32 v29, v31;
	v30 =	vadd.f32 v62, v30  }
0x209: {  	v27 =	vld [tilespmem:s16+$0x10];
	v46 =	vadd.f32 v36, v38;
	v32 =	vmul.f32 v54, v53;
	v20 =	vadd.f32 v43, v24  }
0x20a: {  	[tilespmem:v9+s14+$0x0] =	vst.idx.add.f32.msk vm5, v22;
	v43 =	vmul.f32 v21, v28;
	v5 =	vand.u32 $0x3FFF, v61;
	v41 =	vmul.f32 v21, v30  }
0x20b: {  	v29 =	vld [tilespmem:s4+$0x10];
	v60 =	vshra.s32 v61, $0x1E;
	v62 =	vadd.f32 v34, v63;
	v63 =	vadd.s32 $0x6000, v12  }
0x20c: {  	v31 =	vld [tilespmem:s21+$0x10];
	vm6 =	vne.s32 v5, v12;
	v33 =	vmul.f32 v41, v30;
	v30 =	vadd.f32 v42, v22  }
0x20d: {  	s31 =	simm.s32 $0x0;
	s3 =	simm.s32 $0x8060;
	s0 =	simm.s32 $0x6060;
	[tilespmem:v47+s14+$0x0] =	vst.idx.add.f32.msk vm5, v38;
	v39 =	vmul.f32 v21, v59;
	v61 =	vcvt.s32.f32 v60;
	v24 =	vsel vm5, v54, v57  }
0x20e: {  	s17 =	simm.s32 $0x1060;
	s22 =	simm.s32 $0x4060;
	s16 =	simm.s32 $0x60;
	v38 =	vld [tilespmem:s2+$0x10];
	v47 =	vsel vm7, $0x80000000, v20;
	v45 =	vadd.f32 v55, v62;
	v48 =	vsel vm5, v42, v30  }
0x20f: {  	s2 =	simm.s32 $0x7060;
	s21 =	simm.s32 $0x3060;
	s4 =	simm.s32 $0x2060;
	v34 =	vmul.f32 v39, v59;
	v22 =	vsub.f32 $1.000000000e+00, v61;
	v42 =	vand.u32 $0xFF80, v63;
	[tilespmem:v6+s14+$0x0] =	vst.idx.add.f32.msk vm7, v48  }
.LBB2_8:
0x210: {  	v30 =	vld [tilespmem:s4+$0x0];
	s31 =	sadd.s32 $0x40, s31;
	v36 =	vsel vm5, v36, v46;
	v40 =	vsub.f32 v27, v40;
	v35 =	vsub.f32 v35, v29;
	s29 =	sadd.s32 $0x40, s29;
	s30 =	sadd.s32 $0x40, s30  }
0x211: {  	v19 =	vand.u32 $0xFF80, v19;
	v29 =	vld [tilespmem:s17+$0x0];
	p0 =	slt.u32 s31, $0xFC0;
	v44 =	vadd.f32 v45, v44;
	v45 =	vadd.f32 v43, v24  }
0x212: {  	v48 =	vadd.f32 v41, v48;
	v46 =	vmul.f32 v43, v28;
	v27 =	vld [tilespmem:s0+$0x0];
	v11 =	vadd.f32 v11, v35  }
0x213: {  	v31 =	vadd.f32 v31, v40;
	v40 =	vor.u32 $0x4000, v12;
	v28 =	vld [tilespmem:s2+$0x0];
	v44 =	vadd.f32 v44, v32  }
0x214: {  	v41 =	vsel vm7, v41, v48;
	v43 =	vsel vm7, v43, v45;
	v32 =	vld [tilespmem:s30+$0xFFFFFFF0];
	v45 =	vmul.f32 v22, v11  }
0x215: {  	v38 =	vsub.f32 v38, v23;
	v35 =	vld [tilespmem:s22+$0xFFFFFFE0];
	v33 =	vadd.f32 v33, v44;
	v44 =	vmul.f32 v22, v31  }
0x216: {  	v47 =	vadd.f32 v26, v47;
	v17 =	vor.u32 v17, v19;
	v19 =	vadd.f32 v39, v36;
	v23 =	vld [tilespmem:s4+$0xFFFFFFF0]  }
0x217: {  	v26 =	vld [tilespmem:s29+$0x0];
	v33 =	vadd.f32 v33, v34;
	v34 =	vmul.f32 v44, v31;
	v31 =	vadd.f32 v44, v41  }
0x218: {  	v19 =	vsel vm7, v39, v19;
	v15 =	vadd.f32 v15, v38;
	v38 =	vsel vm6, $0x80000000, v47;
	v48 =	vld [tilespmem:s21+$0xFFFFFFE0]  }
0x219: {  	v39 =	vld [tilespmem:s17+$0xFFFFFFE0];
	v33 =	vadd.f32 v33, v46;
	v31 =	vsel vm6, v44, v31;
	v44 =	vadd.f32 v45, v19  }
0x21a: {  	v49 =	vadd.f32 v37, v13;
	v11 =	vmul.f32 v45, v11;
	v13 =	vmul.f32 v22, v15;
	v46 =	vld [tilespmem:s0+$0xFFFFFFE0]  }
0x21b: {  	v37 =	vsub.f32 $1.000000000e+00, v22;
	v50 =	vld [tilespmem:s29+$0xFFFFFFE0];
	v34 =	vadd.f32 v34, v33;
	v33 =	vsel vm6, v45, v44  }
0x21c: {  	v15 =	vmul.f32 v13, v15;
	v51 =	vadd.f32 v13, v43;
	v45 =	vsel vm7, $0x80000000, v49;
	v44 =	vld [tilespmem:s3+$0x0]  }
0x21d: {  	v52 =	vld [tilespmem:s16+$0xFFFFFFE0];
	v11 =	vadd.f32 v34, v11;
	v34 =	vadd.f32 v37, v38  }
0x21e: {  	v21 =	vadd.f32 v45, v21;
	v37 =	vsel vm6, v13, v51;
	v38 =	vld [tilespmem:s2+$0xFFFFFFE0]  }
0x21f: {  	v45 =	vld [tilespmem:s29+$0xFFFFFFF0];
	v51 =	vadd.f32 v11, v15  }
0x220: {  	v13 =	vsel vm6, $0x80000000, v21;
	v11 =	vld [tilespmem:s4+$0xFFFFFFE0]  }
0x221: {  	v22 =	vadd.f32 v13, v22;
	v15 =	vld [tilespmem:s3+$0xFFFFFFE0]  }
0x222: {  	v13 =	vld [tilespmem:s16+$0xFFFFFFF0]  }
0x223: {  	v38 =	vsub.f32 v39, v38;
	v39 =	vld [tilespmem:s3+$0xFFFFFFF0]  }
0x224: {  	v53 =	vld [tilespmem:s0+$0xFFFFFFF0]  }
0x225: {  	v54 =	vld [tilespmem:s17+$0xFFFFFFF0]  }
0x226: {  	v55 =	vld [tilespmem:s21+$0xFFFFFFF0]  }
0x227: {  	v56 =	vld [tilespmem:s2+$0xFFFFFFF0]  }
0x228: {  	v42 =	vor.u32 v8, v42;
	v57 =	vld [tilespmem:s30+$0xFFFFFFE0]  }
0x229: {  	v58 =	vor.u32 $0x8000, v6;
	v53 =	vsub.f32 v13, v53;
	[tilespmem:v12+s14+$0x0] =	vst.idx.add.f32.msk vm6, v41;
	v12 =	vor.u32 $0x8000, v12  }
0x22a: {  	v13 =	vsub.f32 v11, v15;
	v15 =	vor.u32 $0x8000, v9;
	v41 =	vor.u32 $0x4000, v6;
	v11 =	vld [tilespmem:s22+$0x10]  }
0x22b: {  	v8 =	vand.u32 $0x7F, v26;
	v6 =	vand.u32 $0x3FFF, v45;
	v9 =	vshra.s32 v45, $0x1E;
	[tilespmem:v25+s14+$0x0] =	vst.idx.add.f32.msk vm6, v19  }
0x22c: {  	v19 =	vcvt.s32.f32 v9;
	v9 =	vadd.s32 $0x6000, v6;
	v25 =	vsub.f32 v54, v56;
	[tilespmem:v40+s14+$0x0] =	vst.idx.add.f32.msk vm6, v43  }
0x22d: {  	v43 =	vadd.s32 $0x2000, v6;
	v54 =	vand.u32 $0xFF80, v9;
	v40 =	vadd.f32 v57, v13;
	[tilespmem:v42+s14+$0x0] =	vst.idx.add.f32.msk vm6, v21  }
0x22e: {  	v9 =	vand.u32 $0x3FFF, v50;
	v21 =	vshra.s32 v50, $0x1E;
	v13 =	vsub.f32 $1.000000000e+00, v19;
	[tilespmem:v12+s14+$0x0] =	vst.idx.add.f32.msk vm6, v47  }
0x22f: {  	v12 =	vsub.f32 v52, v46;
	v21 =	vcvt.s32.f32 v21;
	[tilespmem:v7+s14+$0x0] =	vst.idx.add.f32.msk vm5, v14;
	v7 =	vor.u32 $0x4000, v9  }
0x230: {  	v42 =	vadd.f32 v55, v53;
	v19 =	vadd.s32 $0x6000, v9;
	v14 =	vand.u32 $0x3FFF, v5;
	[tilespmem:v17+s14+$0x0] =	vst.idx.add.f32.msk vm5, v18  }
0x231: {  	v18 =	vadd.f32 v48, v12;
	v46 =	vor.u32 $0x4000, v14;
	v17 =	vand.u32 $0x7F, v50;
	[tilespmem:v15+s14+$0x0] =	vst.idx.add.f32.msk vm5, v16  }
0x232: {  	v47 =	vadd.s32 $0x2000, v14;
	v48 =	vmul.f32 v13, v42;
	v12 =	vadd.s32 $0x2000, v9;
	[tilespmem:v4+s14+$0x0] =	vst.idx.add.f32.msk vm7, v36  }
0x233: {  	v50 =	vsub.f32 $1.000000000e+00, v13;
	v36 =	vsub.f32 $1.000000000e+00, v21;
	v4 =	vand.u32 $0x7F80, v12;
	[tilespmem:v41+s14+$0x0] =	vst.idx.add.f32.msk vm7, v24  }
0x234: {  	vm8 =	vne.s32 v9, v5;
	vm5 =	vne.s32 v6, v9;
	v12 =	vand.u32 $0x3FFF, v26;
	[tilespmem:v10+s14+$0x0] =	vst.idx.add.f32.msk vm7, v49  }
0x235: {  	v24 =	vsel vm8, $0x80000000, v22;
	v16 =	vsub.f32 $1.000000000e+00, v36;
	v49 =	vor.u32 v17, v4;
	[tilespmem:v58+s14+$0x0] =	vst.idx.add.f32.msk vm7, v20  }
0x236: {  	v4 =	vsel vm8, $0x80000000, v34;
	v10 =	vshra.s32 v26, $0x1E;
	v20 =	vmul.f32 v36, v40;
	v41 =	vld [tilespmem:s30+$0x0]  }
0x237: {  	v30 =	vsub.f32 v30, v44;
	v21 =	vsub.f32 v23, v39;
	v23 =	vcvt.s32.f32 v10;
	v52 =	vld [tilespmem:s22+$0xFFFFFFF0]  }
0x238: {  	v35 =	vadd.f32 v35, v38;
	v38 =	vmul.f32 v36, v18;
	v26 =	vand.u32 $0x7F, v45;
	v15 =	vld [tilespmem:s30+$0x10]  }
0x239: {  	v39 =	vor.u32 $0x8000, v14;
	v10 =	vor.u32 v26, v54;
	v44 =	vadd.f32 v20, v37;
	v45 =	vld [tilespmem:s16+$0x0]  }
0x23a: {  	v43 =	vand.u32 $0x7F80, v43;
	v53 =	vadd.s32 $0x6000, v14;
	v32 =	vadd.f32 v32, v21;
	v54 =	vld [tilespmem:s22+$0x0]  }
0x23b: {  	v29 =	vsub.f32 v29, v28;
	v18 =	vmul.f32 v38, v18;
	v14 =	vsel vm8, v20, v44;
	v44 =	vld [tilespmem:s29+$0x10]  }
0x23c: {  	v42 =	vmul.f32 v48, v42;
	v55 =	vmul.f32 v13, v32;
	v21 =	vsub.f32 $1.000000000e+00, v23;
	[tilespmem:v5+s14+$0x0] =	vst.idx.add.f32.msk vm8, v31  }
0x23d: {  	v16 =	vadd.f32 v16, v4;
	v4 =	vor.u32 v26, v43;
	v51 =	vadd.f32 v18, v51;
	v28 =	vld [tilespmem:s21+$0x0]  }
0x23e: {  	v43 =	vmul.f32 v20, v40;
	v18 =	vadd.f32 v24, v36;
	v26 =	vsub.f32 $1.000000000e+00, v21;
	[tilespmem:v47+s14+$0x0] =	vst.idx.add.f32.msk vm8, v33  }
0x23f: {  	vm7 =	vne.s32 v12, v6;
	v20 =	vmul.f32 v36, v35;
	v24 =	vsub.f32 v45, v27;
	v23 =	vld [tilespmem:s3+$0x10]  }
0x240: {  	v40 =	vadd.f32 v38, v31;
	v45 =	vadd.f32 v52, v25;
	v25 =	vadd.s32 $0x2000, v12;
	[tilespmem:v46+s14+$0x0] =	vst.idx.add.f32.msk vm8, v37  }
0x241: {  	v47 =	vadd.f32 v55, v14;
	v5 =	vand.u32 $0x3FFF, v44;
	[tilespmem:v53+s14+$0x0] =	vst.idx.add.f32.msk vm8, v22;
	v22 =	vadd.f32 v20, v33  }
0x242: {  	v25 =	vand.u32 $0x7F80, v25;
	v33 =	vmul.f32 v20, v35;
	[tilespmem:v39+s14+$0x0] =	vst.idx.add.f32.msk vm8, v34;
	v24 =	vadd.f32 v28, v24  }
0x243: {  	vm6 =	vne.s32 v5, v12;
	v34 =	vsel vm5, $0x80000000, v16;
	v28 =	vadd.f32 v41, v30  }
0x244: {  	v36 =	vmul.f32 v13, v45;
	v25 =	vor.u32 v8, v25;
	v30 =	vadd.f32 v54, v29;
	v27 =	vld [tilespmem:s16+$0x10]  }
0x245: {  	v52 =	vsel vm8, v20, v22;
	v22 =	vshra.s32 v44, $0x1E;
	v41 =	vmul.f32 v21, v24;
	v29 =	vld [tilespmem:s2+$0x10]  }
0x246: {  	v37 =	vsel vm5, $0x80000000, v18;
	v46 =	vadd.f32 v36, v52;
	v39 =	vmul.f32 v21, v30;
	v31 =	vld [tilespmem:s21+$0x10]  }
0x247: {  	v32 =	vmul.f32 v55, v32;
	v20 =	vadd.f32 v50, v34;
	v22 =	vcvt.s32.f32 v22;
	v35 =	vld [tilespmem:s17+$0x10]  }
.Ltmp3:
0x248: {  	v38 =	vsel vm8, v38, v40;
	v34 =	vadd.f32 v51, v33;
	v33 =	vmul.f32 v41, v24;
	v40 =	vld [tilespmem:s0+$0x10];
	(pc) =	sbr.rel @p0 .LBB2_8-.Ltmp3, $4  }
0x249: {  	v24 =	vsel vm5, v55, v47;
	v22 =	vsub.f32 $1.000000000e+00, v22;
	[tilespmem:v9+s14+$0x0] =	vst.idx.add.f32.msk vm5, v38;
	v38 =	vadd.f32 v48, v38  }
0x24a: {  	s16 =	sadd.s32 $0x40, s16;
	v43 =	vadd.f32 v34, v43;
	v34 =	vmul.f32 v39, v30;
	v30 =	vadd.s32 $0x6000, v12;
	s0 =	sadd.s32 $0x40, s0;
	[tilespmem:v49+s14+$0x0] =	vst.idx.add.f32.msk vm5, v52  }
0x24b: {  	v44 =	vmul.f32 v36, v45;
	s2 =	sadd.s32 $0x40, s2;
	v47 =	vsel vm7, $0x80000000, v20;
	s21 =	sadd.s32 $0x40, s21;
	s17 =	sadd.s32 $0x40, s17;
	v48 =	vsel vm5, v48, v38;
	v38 =	vld [tilespmem:s4+$0x10]  }
0x24c: {  	s22 =	sadd.s32 $0x40, s22;
	s3 =	sadd.s32 $0x40, s3;
	v45 =	vadd.f32 v42, v43;
	v43 =	vmul.f32 v21, v28;
	v42 =	vand.u32 $0xFF80, v30;
	s4 =	sadd.s32 $0x40, s4;
	[tilespmem:v6+s14+$0x0] =	vst.idx.add.f32.msk vm7, v48  }
0x24d: {  	_ =	sdelay $0x1  }
0x24e: {  	v30 =	vsel vm5, v36, v46  }
0x24f: {  	v62 =	vadd.f32 v41, v48;
	v63 =	vor.u32 $0x4000, v12;
	v13 =	vadd.f32 v37, v13  }
0x250: {  	v8 =	vor.u32 v8, v42;
	v61 =	vadd.f32 v43, v24;
	v49 =	vadd.f32 v39, v30  }
0x251: {  	v19 =	vand.u32 $0xFF80, v19;
	v53 =	vor.u32 $0x8000, v12;
	[tilespmem:v7+s14+$0x0] =	vst.idx.add.f32.msk vm5, v14;
	v52 =	vsel vm7, v41, v62  }
0x252: {  	v54 =	vsel vm7, $0x80000000, v13;
	v36 =	vsel vm7, v43, v61;
	v39 =	vsel vm7, v39, v49;
	[tilespmem:v12+s14+$0x0] =	vst.idx.add.f32.msk vm6, v52  }
0x253: {  	v12 =	vor.u32 v17, v19;
	v17 =	vadd.f32 v54, v21;
	[tilespmem:v25+s14+$0x0] =	vst.idx.add.f32.msk vm6, v39  }
0x254: {  	v9 =	vor.u32 $0x8000, v9;
	[tilespmem:v63+s14+$0x0] =	vst.idx.add.f32.msk vm6, v36  }
0x255: {  	v19 =	vadd.f32 v26, v47;
	[tilespmem:v8+s14+$0x0] =	vst.idx.add.f32.msk vm6, v17;
	v8 =	vor.u32 $0x4000, v6  }
0x256: {  	[tilespmem:v4+s14+$0x0] =	vst.idx.add.f32.msk vm7, v30  }
0x257: {  	v6 =	vor.u32 $0x8000, v6;
	[tilespmem:v53+s14+$0x0] =	vst.idx.add.f32.msk vm6, v19  }
0x258: {  	[tilespmem:v12+s14+$0x0] =	vst.idx.add.f32.msk vm5, v18  }
0x259: {  	[tilespmem:v9+s14+$0x0] =	vst.idx.add.f32.msk vm5, v16  }
0x25a: {  	[tilespmem:v8+s14+$0x0] =	vst.idx.add.f32.msk vm7, v24  }
0x25b: {  	[tilespmem:v10+s14+$0x0] =	vst.idx.add.f32.msk vm7, v13  }
0x25c: {  	[tilespmem:v6+s14+$0x0] =	vst.idx.add.f32.msk vm7, v20  }
0x25d: {  	_ =	swait.ge [sflag:s28], $0x1000  }
0x25e: {  	[sflag:s28] =	ssyncset.done $0x0  }
0x25f: {  	[sflag:s28] =	ssyncadd.s32 $0xFFFFF000  }
0x260: {  	_ =	swait.ge [sflag:s28], $0x1000  }
0x261: {  	[sflag:s28] =	ssyncset.done $0x0  }
0x262: {  	[sflag:s28] =	ssyncadd.s32 $0xFFFFF000  }
0x263: {  	_ =	swait.ge [sflag:s28], $0x1000  }
0x264: {  	[sflag:s28] =	ssyncset.done $0x0  }
0x265: {  	[sflag:s28] =	ssyncadd.s32 $0xFFFFF000  }
0x266: {  	_ =	swait.ge [sflag:s28], $0x1000  }
0x267: {  	[sflag:s28] =	ssyncset.done $0x0  }
0x268: {  	[sflag:s28] =	ssyncadd.s32 $0xFFFFF000  }
0x269: {  	_ =	swait.ge [sflag:s28], $0x1000  }
0x26a: {  	[sflag:s28] =	ssyncset.done $0x0  }
0x26b: {  	[sflag:s28] =	ssyncadd.s32 $0xFFFFF000  }
0x26c: {  	_ =	swait.ge [sflag:s28], $0x1000  }
0x26d: {  	[sflag:s28] =	ssyncset.done $0x0  }
0x26e: {  	[sflag:s28] =	ssyncadd.s32 $0xFFFFF000  }
0x26f: {  	_ =	swait.ge [sflag:s28], $0x1000  }
0x270: {  	[sflag:s28] =	ssyncset.done $0x0  }
0x271: {  	[sflag:s28] =	ssyncadd.s32 $0xFFFFF000  }
0x272: {  	_ =	swait.ge [sflag:s28], $0x1000  }
0x273: {  	[sflag:s28] =	ssyncset.done $0x0  }
0x274: {  	[sflag:s28] =	ssyncadd.s32 $0xFFFFF000  }
0x275: {  	_ =	swait.ge [sflag:s28], $0x1000  }
0x276: {  	[sflag:s28] =	ssyncset.done $0x0  }
0x277: {  	v4 =	vadd.f32 v45, v44;
	[sflag:s28] =	ssyncadd.s32 $0xFFFFF000  }
0x278: {  	_ =	swait.ge [sflag:s28], $0x1000  }
0x279: {  	v7 =	vadd.f32 v4, v32;
	[sflag:s28] =	ssyncset.done $0x0  }
0x27a: {  	s29 =	simm.s32 $0x13020;
	v6 =	vsub.f32 v27, v40;
	[sflag:s28] =	ssyncadd.s32 $0xFFFFF000  }
0x27b: {  	s3 =	simm.s32 $0xB020;
	v7 =	vadd.f32 v33, v7;
	v8 =	vsub.f32 v35, v29;
	v10 =	vld [tilespmem:s29+$0x0]  }
0x27c: {  	s0 =	simm.s32 $0x10020;
	v6 =	vadd.f32 v31, v6;
	v9 =	vld [tilespmem:s3+$0xFFFFFFE0]  }
0x27d: {  	s4 =	simm.s32 $0x11020;
	v7 =	vadd.f32 v7, v34;
	v12 =	vmul.f32 v43, v28;
	v8 =	vadd.f32 v11, v8;
	v11 =	vld [tilespmem:s0+$0xFFFFFFE0]  }
0x27e: {  	v13 =	vsub.f32 v38, v23;
	v14 =	vmul.f32 v22, v6;
	v16 =	vld [tilespmem:s4+$0xFFFFFFE0]  }
0x27f: {  	s2 =	simm.s32 $0xC020;
	v7 =	vadd.f32 v7, v12;
	v20 =	vld [tilespmem:s29+$0xFFFFFFF0]  }
0x280: {  	s17 =	simm.s32 $0x12020;
	v13 =	vadd.f32 v15, v13;
	v18 =	vmul.f32 v22, v8;
	v6 =	vmul.f32 v14, v6;
	v12 =	vld [tilespmem:s2+$0xFFFFFFE0]  }
0x281: {  	s16 =	simm.s32 $0xA020;
	v15 =	vld [tilespmem:s17+$0xFFFFFFE0]  }
0x282: {  	v21 =	vmul.f32 v22, v13;
	v8 =	vmul.f32 v18, v8;
	v6 =	vadd.f32 v6, v7;
	v7 =	vld [tilespmem:s16+$0xFFFFFFF0]  }
0x283: {  	v23 =	vadd.f32 v14, v52;
	v24 =	vld [tilespmem:s0+$0xFFFFFFF0]  }
0x284: {  	v13 =	vmul.f32 v21, v13;
	v6 =	vadd.f32 v6, v8;
	v26 =	vld [tilespmem:s3+$0xFFFFFFF0]  }
0x285: {  	s30 =	simm.s32 $0xF020;
	v23 =	vsel vm6, v14, v23;
	v14 =	vadd.f32 v21, v36;
	v27 =	vld [tilespmem:s4+$0xFFFFFFF0]  }
0x286: {  	v25 =	vsub.f32 $1.000000000e+00, v22;
	v13 =	vadd.f32 v6, v13;
	v6 =	vsel vm6, $0x80000000, v17;
	v17 =	vld [tilespmem:s30+$0xFFFFFFE0]  }
0x287: {  	v19 =	vsel vm6, $0x80000000, v19;
	v31 =	vsel vm6, v21, v14;
	v14 =	vld [tilespmem:s16+$0xFFFFFFE0]  }
0x288: {  	v28 =	vadd.f32 v25, v19;
	v25 =	vld [tilespmem:s2+$0x0]  }
0x289: {  	v35 =	vand.u32 $0x3FFF, v5;
	v32 =	vld [tilespmem:s3+$0x0]  }
0x28a: {  	v38 =	vor.u32 $0x4000, v35;
	v8 =	vadd.f32 v18, v39;
	v56 =	vld [tilespmem:s17+$0x0]  }
0x28b: {  	v53 =	vor.u32 $0x8000, v35;
	v39 =	vadd.s32 $0x2000, v35;
	v35 =	vadd.s32 $0x6000, v35;
	v59 =	vld [tilespmem:s4+$0x0]  }
0x28c: {  	s21 =	simm.s32 $0xD020;
	v29 =	vsel vm6, v18, v8;
	v30 =	vadd.f32 v6, v22;
	v18 =	vld [tilespmem:s29+$0xFFFFFFE0];
	v22 =	vsub.f32 v9, v16  }
0x28d: {  	s22 =	simm.s32 $0xE020;
	v21 =	vld [tilespmem:s21+$0xFFFFFFE0];
	v16 =	vsub.f32 v7, v24;
	v7 =	vsub.f32 v12, v15;
	v6 =	vand.u32 $0x3FFF, v20  }
0x28e: {  	v58 =	vld [tilespmem:s22+$0xFFFFFFE0];
	v9 =	vshra.s32 v20, $0x1E;
	v8 =	vand.u32 $0x7F, v10;
	v24 =	vsub.f32 v26, v27  }
0x28f: {  	v60 =	vld [tilespmem:s22+$0xFFFFFFF0];
	v11 =	vsub.f32 v14, v11;
	v34 =	vsub.f32 v25, v56;
	v20 =	vand.u32 $0x7F, v20  }
0x290: {  	v32 =	vsub.f32 v32, v59;
	v12 =	vcvt.s32.f32 v9;
	v9 =	vadd.s32 $0x6000, v6  }
0x291: {  	v26 =	vadd.s32 $0x2000, v6;
	v17 =	vadd.f32 v17, v7;
	v27 =	vand.u32 $0xFF80, v9  }
0x292: {  	v4 =	vld [tilespmem:$0x13FF0];
	v9 =	vand.u32 $0x3FFF, v18;
	v7 =	vshra.s32 v18, $0x1E;
	v57 =	vadd.f32 v21, v11  }
0x293: {  	v15 =	vld [tilespmem:s21+$0xFFFFFFF0];
	v18 =	vand.u32 $0x7F, v18;
	v41 =	vadd.f32 v58, v22;
	v26 =	vand.u32 $0x7F80, v26  }
0x294: {  	v55 =	vld [tilespmem:s2+$0xFFFFFFF0];
	v49 =	vadd.f32 v60, v24;
	v12 =	vsub.f32 $1.000000000e+00, v12;
	v14 =	vcvt.s32.f32 v7  }
0x295: {  	v21 =	vld [tilespmem:s17+$0xFFFFFFF0];
	v7 =	vor.u32 $0x4000, v9;
	v19 =	vadd.s32 $0x6000, v9;
	v11 =	vadd.s32 $0x2000, v9  }
0x296: {  	v33 =	vld [tilespmem:s0+$0x0];
	vm8 =	vne.s32 v9, v5;
	vm5 =	vne.s32 v6, v9;
	v42 =	vsub.f32 $1.000000000e+00, v14  }
0x297: {  	v61 =	vld [tilespmem:s30+$0xFFFFFFF0];
	v14 =	vand.u32 $0x7F80, v11;
	v11 =	vand.u32 $0x3FFF, v10;
	v10 =	vshra.s32 v10, $0x1E  }
0x298: {  	v51 =	vld [tilespmem:s30+$0x0];
	v15 =	vadd.f32 v15, v16;
	v48 =	vor.u32 v18, v14;
	v25 =	vcvt.s32.f32 v10  }
0x299: {  	v36 =	vld [tilespmem:s21+$0x10];
	v10 =	vor.u32 v20, v27;
	vm6 =	vne.s32 v11, v6;
	v24 =	vadd.s32 $0x2000, v11  }
0x29a: {  	v16 =	vld [tilespmem:s22+$0x10];
	v40 =	vmul.f32 v12, v15;
	v63 =	vmul.f32 v42, v17;
	v14 =	vsub.f32 v55, v21  }
0x29b: {  	v27 =	vld [tilespmem:s16+$0x0];
	v62 =	vsub.f32 $1.000000000e+00, v42;
	v52 =	vmul.f32 v42, v57;
	v24 =	vand.u32 $0x7F80, v24  }
0x29c: {  	v21 =	vld [tilespmem:s30+$0x10];
	v24 =	vor.u32 v8, v24;
	v22 =	vadd.f32 v63, v31;
	v45 =	vadd.f32 v61, v14  }
0x29d: {  	v50 =	vsel vm8, $0x80000000, v28;
	v37 =	vmul.f32 v52, v57;
	[tilespmem:v5+s14+$0x0] =	vst.idx.add.f32.msk vm8, v23;
	v55 =	vmul.f32 v40, v15  }
0x29e: {  	v46 =	vsel vm8, $0x80000000, v30;
	v15 =	vadd.f32 v62, v50;
	v23 =	vadd.f32 v52, v23;
	[tilespmem:v39+s14+$0x0] =	vst.idx.add.f32.msk vm8, v29  }
0x29f: {  	v61 =	vld [tilespmem:s29+$0x10];
	v14 =	vsel vm8, v63, v22;
	v54 =	vmul.f32 v12, v45;
	v56 =	vadd.f32 v37, v13  }
0x2a0: {  	v62 =	vld [tilespmem:s21+$0x0];
	v13 =	vor.u32 v20, v26;
	v63 =	vmul.f32 v63, v17;
	v17 =	vadd.f32 v46, v42  }
0x2a1: {  	v22 =	vsub.f32 $1.000000000e+00, v25;
	v46 =	vmul.f32 v42, v41;
	v26 =	vsub.f32 v27, v33;
	[tilespmem:v38+s14+$0x0] =	vst.idx.add.f32.msk vm8, v31  }
0x2a2: {  	v44 =	vsub.f32 $1.000000000e+00, v12;
	v37 =	vmul.f32 v12, v49;
	[tilespmem:v35+s14+$0x0] =	vst.idx.add.f32.msk vm8, v30;
	v30 =	vadd.f32 v51, v34  }
0x2a3: {  	v20 =	vld [tilespmem:s22+$0x0];
	v23 =	vsel vm8, v52, v23;
	v25 =	vsub.f32 $1.000000000e+00, v22;
	v29 =	vadd.f32 v46, v29  }
0x2a4: {  	v31 =	vadd.f32 v54, v14;
	v57 =	vmul.f32 v46, v41;
	[tilespmem:v53+s14+$0x0] =	vst.idx.add.f32.msk vm8, v28;
	v28 =	vsel vm5, $0x80000000, v15  }
0x2a5: {  	v42 =	vld [tilespmem:s3+$0x10];
	v34 =	vsel vm5, $0x80000000, v17;
	v33 =	vmul.f32 v54, v45;
	v47 =	vmul.f32 v37, v49  }
0x2a6: {  	[tilespmem:v9+s14+$0x0] =	vst.idx.add.f32.msk vm5, v23;
	v5 =	vand.u32 $0x3FFF, v61;
	v58 =	vadd.f32 v62, v26;
	v60 =	vshra.s32 v61, $0x1E  }
0x2a7: {  	v26 =	vld [tilespmem:s16+$0x10];
	v62 =	vadd.f32 v40, v23;
	v41 =	vmul.f32 v22, v30;
	vm7 =	vne.s32 v5, v11  }
0x2a8: {  	v59 =	vsel vm8, v46, v29;
	v29 =	vld [tilespmem:s4+$0x10];
	v61 =	vadd.f32 v56, v57;
	v23 =	vsel vm5, v54, v31  }
0x2a9: {  	v46 =	vld [tilespmem:s0+$0x10];
	v32 =	vadd.f32 v20, v32;
	v39 =	vmul.f32 v22, v58;
	v43 =	vadd.f32 v37, v59  }
0x2aa: {  	v27 =	vld [tilespmem:s17+$0x10];
	v20 =	vadd.f32 v44, v28;
	v28 =	vcvt.s32.f32 v60;
	v49 =	vsel vm5, v40, v62  }
0x2ab: {  	s31 =	simm.s32 $0x0;
	s21 =	simm.s32 $0xD060;
	s17 =	simm.s32 $0xB060;
	[tilespmem:v48+s14+$0x0] =	vst.idx.add.f32.msk vm5, v59;
	v31 =	vadd.f32 v61, v63;
	v63 =	vadd.s32 $0x6000, v11;
	v38 =	vmul.f32 v22, v32  }
0x2ac: {  	s3 =	simm.s32 $0x12060;
	s22 =	simm.s32 $0xE060;
	s16 =	simm.s32 $0xA060;
	v44 =	vld [tilespmem:s2+$0x10];
	v35 =	vmul.f32 v39, v58;
	v28 =	vsub.f32 $1.000000000e+00, v28;
	v45 =	vsel vm6, $0x80000000, v20  }
0x2ad: {  	s0 =	simm.s32 $0x10060;
	s4 =	simm.s32 $0xC060;
	s2 =	simm.s32 $0x11060;
	[tilespmem:v6+s14+$0x0] =	vst.idx.add.f32.msk vm6, v49;
	v40 =	vand.u32 $0xFF80, v63;
	v48 =	vadd.f32 v55, v31;
	v32 =	vmul.f32 v38, v32  }
.LBB2_10:
0x2ae: {  	v31 =	vld [tilespmem:s4+$0x0];
	s31 =	sadd.s32 $0x40, s31;
	v37 =	vsel vm5, v37, v43;
	v43 =	vsub.f32 v26, v46;
	v42 =	vsub.f32 v42, v29;
	s29 =	sadd.s32 $0x40, s29;
	s30 =	sadd.s32 $0x40, s30  }
0x2af: {  	v19 =	vand.u32 $0xFF80, v19;
	v29 =	vld [tilespmem:s17+$0x0];
	p0 =	slt.u32 s31, $0xFC0;
	v46 =	vadd.f32 v48, v47;
	v47 =	vadd.f32 v41, v23  }
0x2b0: {  	v49 =	vadd.f32 v39, v49;
	v48 =	vmul.f32 v41, v30;
	v26 =	vld [tilespmem:s0+$0x0];
	v16 =	vadd.f32 v16, v42  }
0x2b1: {  	v43 =	vadd.f32 v36, v43;
	v30 =	vld [tilespmem:s2+$0x0];
	v42 =	vadd.f32 v46, v33;
	v46 =	vor.u32 $0x4000, v11  }
0x2b2: {  	v39 =	vsel vm6, v39, v49;
	v41 =	vsel vm6, v41, v47;
	v33 =	vld [tilespmem:s30+$0xFFFFFFF0];
	v47 =	vmul.f32 v28, v16  }
0x2b3: {  	v36 =	vld [tilespmem:s22+$0xFFFFFFE0];
	v35 =	vadd.f32 v35, v42;
	v42 =	vsub.f32 v44, v27;
	v44 =	vmul.f32 v28, v43  }
0x2b4: {  	v45 =	vadd.f32 v25, v45;
	v18 =	vor.u32 v18, v19;
	v19 =	vadd.f32 v38, v37;
	v27 =	vld [tilespmem:s4+$0xFFFFFFF0]  }
0x2b5: {  	v25 =	vld [tilespmem:s29+$0x0];
	v32 =	vadd.f32 v35, v32;
	v35 =	vmul.f32 v44, v43;
	v43 =	vadd.f32 v44, v39  }
0x2b6: {  	v19 =	vsel vm6, v38, v19;
	v38 =	vsel vm7, $0x80000000, v45;
	v21 =	vadd.f32 v21, v42;
	v49 =	vld [tilespmem:s21+$0xFFFFFFE0]  }
0x2b7: {  	v42 =	vld [tilespmem:s17+$0xFFFFFFE0];
	v48 =	vadd.f32 v32, v48;
	v32 =	vsel vm7, v44, v43;
	v43 =	vadd.f32 v47, v19  }
0x2b8: {  	v50 =	vadd.f32 v34, v12;
	v16 =	vmul.f32 v47, v16;
	v12 =	vmul.f32 v28, v21;
	v44 =	vld [tilespmem:s0+$0xFFFFFFE0]  }
0x2b9: {  	v51 =	vld [tilespmem:s29+$0xFFFFFFE0];
	v35 =	vadd.f32 v35, v48;
	v34 =	vsel vm7, v47, v43;
	v43 =	vsub.f32 $1.000000000e+00, v28  }
0x2ba: {  	v48 =	vsel vm6, $0x80000000, v50;
	v21 =	vmul.f32 v12, v21;
	v52 =	vadd.f32 v12, v41;
	v47 =	vld [tilespmem:s3+$0x0]  }
0x2bb: {  	v53 =	vld [tilespmem:s16+$0xFFFFFFE0];
	v16 =	vadd.f32 v35, v16;
	v35 =	vadd.f32 v43, v38  }
0x2bc: {  	v22 =	vadd.f32 v48, v22;
	v38 =	vsel vm7, v12, v52;
	v43 =	vld [tilespmem:s2+$0xFFFFFFE0]  }
0x2bd: {  	v48 =	vld [tilespmem:s29+$0xFFFFFFF0];
	v52 =	vadd.f32 v16, v21  }
0x2be: {  	v16 =	vsel vm7, $0x80000000, v22;
	v12 =	vld [tilespmem:s4+$0xFFFFFFE0]  }
0x2bf: {  	v28 =	vadd.f32 v16, v28;
	v21 =	vld [tilespmem:s3+$0xFFFFFFE0]  }
0x2c0: {  	v16 =	vld [tilespmem:s16+$0xFFFFFFF0]  }
0x2c1: {  	v42 =	vsub.f32 v42, v43;
	v43 =	vld [tilespmem:s3+$0xFFFFFFF0]  }
0x2c2: {  	v54 =	vld [tilespmem:s0+$0xFFFFFFF0]  }
0x2c3: {  	v55 =	vld [tilespmem:s17+$0xFFFFFFF0]  }
0x2c4: {  	v56 =	vld [tilespmem:s21+$0xFFFFFFF0]  }
0x2c5: {  	v57 =	vld [tilespmem:s2+$0xFFFFFFF0]  }
0x2c6: {  	v40 =	vor.u32 v8, v40;
	v58 =	vld [tilespmem:s30+$0xFFFFFFE0]  }
0x2c7: {  	v59 =	vor.u32 $0x8000, v6;
	v54 =	vsub.f32 v16, v54;
	[tilespmem:v11+s14+$0x0] =	vst.idx.add.f32.msk vm7, v39;
	v11 =	vor.u32 $0x8000, v11  }
0x2c8: {  	v12 =	vsub.f32 v12, v21;
	v21 =	vor.u32 $0x8000, v9;
	v39 =	vor.u32 $0x4000, v6;
	v16 =	vld [tilespmem:s22+$0x10]  }
0x2c9: {  	v8 =	vand.u32 $0x7F, v25;
	v9 =	vshra.s32 v48, $0x1E;
	v6 =	vand.u32 $0x3FFF, v48;
	[tilespmem:v24+s14+$0x0] =	vst.idx.add.f32.msk vm7, v19  }
0x2ca: {  	v19 =	vcvt.s32.f32 v9;
	v9 =	vadd.s32 $0x6000, v6;
	v24 =	vsub.f32 v55, v57;
	[tilespmem:v46+s14+$0x0] =	vst.idx.add.f32.msk vm7, v41  }
0x2cb: {  	v46 =	vadd.s32 $0x2000, v6;
	v55 =	vand.u32 $0xFF80, v9;
	v41 =	vadd.f32 v58, v12;
	[tilespmem:v40+s14+$0x0] =	vst.idx.add.f32.msk vm7, v22  }
0x2cc: {  	v9 =	vand.u32 $0x3FFF, v51;
	v22 =	vshra.s32 v51, $0x1E;
	v12 =	vsub.f32 $1.000000000e+00, v19;
	[tilespmem:v11+s14+$0x0] =	vst.idx.add.f32.msk vm7, v45  }
0x2cd: {  	v11 =	vsub.f32 v53, v44;
	v22 =	vcvt.s32.f32 v22;
	[tilespmem:v7+s14+$0x0] =	vst.idx.add.f32.msk vm5, v14;
	v7 =	vor.u32 $0x4000, v9  }
0x2ce: {  	v40 =	vadd.f32 v56, v54;
	v19 =	vadd.s32 $0x6000, v9;
	v14 =	vand.u32 $0x3FFF, v5;
	[tilespmem:v18+s14+$0x0] =	vst.idx.add.f32.msk vm5, v17  }
0x2cf: {  	v17 =	vadd.f32 v49, v11;
	v44 =	vor.u32 $0x4000, v14;
	v18 =	vand.u32 $0x7F, v51;
	[tilespmem:v21+s14+$0x0] =	vst.idx.add.f32.msk vm5, v15  }
0x2d0: {  	v45 =	vadd.s32 $0x2000, v14;
	v49 =	vmul.f32 v12, v40;
	v11 =	vadd.s32 $0x2000, v9;
	[tilespmem:v13+s14+$0x0] =	vst.idx.add.f32.msk vm6, v37  }
0x2d1: {  	v51 =	vsub.f32 $1.000000000e+00, v12;
	v37 =	vsub.f32 $1.000000000e+00, v22;
	v13 =	vand.u32 $0x7F80, v11;
	[tilespmem:v39+s14+$0x0] =	vst.idx.add.f32.msk vm6, v23  }
0x2d2: {  	vm8 =	vne.s32 v9, v5;
	vm5 =	vne.s32 v6, v9;
	v11 =	vand.u32 $0x3FFF, v25;
	[tilespmem:v10+s14+$0x0] =	vst.idx.add.f32.msk vm6, v50  }
0x2d3: {  	v23 =	vsel vm8, $0x80000000, v28;
	v15 =	vsub.f32 $1.000000000e+00, v37;
	v50 =	vor.u32 v18, v13;
	[tilespmem:v59+s14+$0x0] =	vst.idx.add.f32.msk vm6, v20  }
0x2d4: {  	v13 =	vsel vm8, $0x80000000, v35;
	v10 =	vshra.s32 v25, $0x1E;
	v20 =	vmul.f32 v37, v41;
	v39 =	vld [tilespmem:s30+$0x0]  }
0x2d5: {  	v31 =	vsub.f32 v31, v47;
	v22 =	vsub.f32 v27, v43;
	v25 =	vcvt.s32.f32 v10;
	v53 =	vld [tilespmem:s22+$0xFFFFFFF0]  }
0x2d6: {  	v36 =	vadd.f32 v36, v42;
	v27 =	vand.u32 $0x7F, v48;
	v47 =	vmul.f32 v37, v17;
	v21 =	vld [tilespmem:s30+$0x10]  }
0x2d7: {  	v42 =	vor.u32 $0x8000, v14;
	v10 =	vor.u32 v27, v55;
	v43 =	vadd.f32 v20, v38;
	v48 =	vld [tilespmem:s16+$0x0]  }
0x2d8: {  	v46 =	vand.u32 $0x7F80, v46;
	v54 =	vadd.s32 $0x6000, v14;
	v33 =	vadd.f32 v33, v22;
	v55 =	vld [tilespmem:s22+$0x0]  }
0x2d9: {  	v29 =	vsub.f32 v29, v30;
	v17 =	vmul.f32 v47, v17;
	v14 =	vsel vm8, v20, v43;
	v43 =	vld [tilespmem:s29+$0x10]  }
0x2da: {  	v40 =	vmul.f32 v49, v40;
	v56 =	vmul.f32 v12, v33;
	v22 =	vsub.f32 $1.000000000e+00, v25;
	[tilespmem:v5+s14+$0x0] =	vst.idx.add.f32.msk vm8, v32  }
0x2db: {  	v15 =	vadd.f32 v15, v13;
	v13 =	vor.u32 v27, v46;
	v52 =	vadd.f32 v17, v52;
	v30 =	vld [tilespmem:s21+$0x0]  }
0x2dc: {  	v41 =	vmul.f32 v20, v41;
	v17 =	vadd.f32 v23, v37;
	v25 =	vsub.f32 $1.000000000e+00, v22;
	[tilespmem:v45+s14+$0x0] =	vst.idx.add.f32.msk vm8, v34  }
0x2dd: {  	vm6 =	vne.s32 v11, v6;
	v20 =	vmul.f32 v37, v36;
	v23 =	vsub.f32 v48, v26;
	v27 =	vld [tilespmem:s3+$0x10]  }
0x2de: {  	v32 =	vadd.f32 v47, v32;
	[tilespmem:v44+s14+$0x0] =	vst.idx.add.f32.msk vm8, v38;
	v44 =	vadd.f32 v53, v24;
	v24 =	vadd.s32 $0x2000, v11  }
0x2df: {  	v45 =	vadd.f32 v56, v14;
	v5 =	vand.u32 $0x3FFF, v43;
	[tilespmem:v54+s14+$0x0] =	vst.idx.add.f32.msk vm8, v28;
	v28 =	vadd.f32 v20, v34  }
0x2e0: {  	v46 =	vmul.f32 v20, v36;
	v24 =	vand.u32 $0x7F80, v24;
	[tilespmem:v42+s14+$0x0] =	vst.idx.add.f32.msk vm8, v35;
	v23 =	vadd.f32 v30, v23  }
0x2e1: {  	vm7 =	vne.s32 v5, v11;
	v35 =	vsel vm5, $0x80000000, v15;
	v30 =	vadd.f32 v39, v31  }
0x2e2: {  	v37 =	vmul.f32 v12, v44;
	v31 =	vadd.f32 v55, v29;
	v24 =	vor.u32 v8, v24;
	v26 =	vld [tilespmem:s16+$0x10]  }
0x2e3: {  	v48 =	vsel vm8, v20, v28;
	v28 =	vshra.s32 v43, $0x1E;
	v39 =	vmul.f32 v22, v23;
	v29 =	vld [tilespmem:s2+$0x10]  }
0x2e4: {  	v34 =	vsel vm5, $0x80000000, v17;
	v43 =	vadd.f32 v37, v48;
	v38 =	vmul.f32 v22, v31;
	v36 =	vld [tilespmem:s21+$0x10]  }
0x2e5: {  	v33 =	vmul.f32 v56, v33;
	v20 =	vadd.f32 v51, v35;
	v28 =	vcvt.s32.f32 v28;
	v42 =	vld [tilespmem:s17+$0x10]  }
.Ltmp4:
0x2e6: {  	v32 =	vsel vm8, v47, v32;
	v51 =	vadd.f32 v52, v46;
	v35 =	vmul.f32 v39, v23;
	v46 =	vld [tilespmem:s0+$0x10];
	(pc) =	sbr.rel @p0 .LBB2_10-.Ltmp4, $4  }
0x2e7: {  	v52 =	vadd.f32 v49, v32;
	v23 =	vsel vm5, v56, v45;
	v28 =	vsub.f32 $1.000000000e+00, v28;
	[tilespmem:v9+s14+$0x0] =	vst.idx.add.f32.msk vm5, v32  }
0x2e8: {  	s16 =	sadd.s32 $0x40, s16;
	v41 =	vadd.f32 v51, v41;
	s0 =	sadd.s32 $0x40, s0;
	v32 =	vmul.f32 v38, v31;
	v31 =	vadd.s32 $0x6000, v11;
	[tilespmem:v50+s14+$0x0] =	vst.idx.add.f32.msk vm5, v48  }
0x2e9: {  	v47 =	vmul.f32 v37, v44;
	v49 =	vsel vm5, v49, v52;
	s2 =	sadd.s32 $0x40, s2;
	v45 =	vsel vm6, $0x80000000, v20;
	s21 =	sadd.s32 $0x40, s21;
	s17 =	sadd.s32 $0x40, s17;
	v44 =	vld [tilespmem:s4+$0x10]  }
0x2ea: {  	s22 =	sadd.s32 $0x40, s22;
	s3 =	sadd.s32 $0x40, s3;
	v48 =	vadd.f32 v40, v41;
	v41 =	vmul.f32 v22, v30;
	v40 =	vand.u32 $0xFF80, v31;
	s4 =	sadd.s32 $0x40, s4;
	[tilespmem:v6+s14+$0x0] =	vst.idx.add.f32.msk vm6, v49  }
0x2eb: {  	_ =	sdelay $0x1  }
0x2ec: {  	v31 =	vsel vm5, v37, v43  }
0x2ed: {  	v55 =	vadd.f32 v39, v49;
	v56 =	vor.u32 $0x4000, v11;
	v12 =	vadd.f32 v34, v12  }
0x2ee: {  	v8 =	vor.u32 v8, v40;
	v57 =	vadd.f32 v41, v23;
	v58 =	vadd.f32 v38, v31  }
0x2ef: {  	v19 =	vand.u32 $0xFF80, v19;
	v62 =	vor.u32 $0x4000, v6;
	[tilespmem:v7+s14+$0x0] =	vst.idx.add.f32.msk vm5, v14;
	v37 =	vsel vm6, v39, v55  }
0x2f0: {  	v60 =	vsel vm6, $0x80000000, v12;
	v34 =	vsel vm6, v41, v57;
	v38 =	vsel vm6, v38, v58;
	[tilespmem:v11+s14+$0x0] =	vst.idx.add.f32.msk vm7, v37  }
0x2f1: {  	v59 =	vor.u32 $0x8000, v11;
	v11 =	vor.u32 v18, v19;
	v18 =	vadd.f32 v60, v22;
	[tilespmem:v24+s14+$0x0] =	vst.idx.add.f32.msk vm7, v38  }
0x2f2: {  	v9 =	vor.u32 $0x8000, v9;
	(v2sf) =	vpush v3, $0x0;
	v22 =	vsub.f32 v26, v46;
	[tilespmem:v56+s14+$0x0] =	vst.idx.add.f32.msk vm7, v34  }
0x2f3: {  	v61 =	vadd.f32 v48, v47;
	[tilespmem:v8+s14+$0x0] =	vst.idx.add.f32.msk vm7, v18;
	v8 =	vsub.f32 v42, v29  }
0x2f4: {  	[tilespmem:v13+s14+$0x0] =	vst.idx.add.f32.msk vm6, v31;
	v63 =	vsub.f32 v44, v27;
	v22 =	vadd.f32 v36, v22  }
0x2f5: {  	v6 =	vor.u32 $0x8000, v6;
	v19 =	vadd.f32 v25, v45;
	[tilespmem:v62+s14+$0x0] =	vst.idx.add.f32.msk vm6, v23;
	v7 =	vadd.f32 v16, v8  }
0x2f6: {  	(v2sf) =	vpush v4, $0xF;
	v3 =	vmul.f32 v28, v22;
	[tilespmem:v11+s14+$0x0] =	vst.idx.add.f32.msk vm5, v17;
	v11 =	vadd.f32 v21, v63  }
0x2f7: {  	v4 =	vadd.f32 v61, v33;
	v8 =	vadd.s32 $0x2000, v5;
	[tilespmem:v9+s14+$0x0] =	vst.idx.add.f32.msk vm5, v15;
	v9 =	vmul.f32 v28, v7  }
0x2f8: {  	[tilespmem:v10+s14+$0x0] =	vst.idx.add.f32.msk vm6, v12;
	v13 =	vadd.f32 v3, v37;
	v15 =	vor.u32 $0x4000, v5;
	v14 =	vmul.f32 v28, v11  }
0x2f9: {  	v4 =	vadd.f32 v35, v4;
	v10 =	vadd.s32 $0x6000, v5;
	[tilespmem:v59+s14+$0x0] =	vst.idx.add.f32.msk vm7, v19;
	v16 =	vadd.f32 v9, v38  }
0x2fa: {  	s3 =	simm.s32 $0x14000;
	[tilespmem:v6+s14+$0x0] =	vst.idx.add.f32.msk vm6, v20;
	v6 =	vor.u32 $0x8000, v5;
	v12 =	vsel vm7, v3, v13;
	v13 =	vadd.f32 v14, v34  }
0x2fb: {  	v18 =	vsel vm7, $0x80000000, v18;
	v17 =	vsub.f32 $1.000000000e+00, v28;
	[tilespmem:v5+s3+$0x0] =	vst.idx.add.f32.msk $0xffff, v12;
	v16 =	vsel vm7, v9, v16  }
0x2fc: {  	v5 =	vsel vm7, $0x80000000, v19;
	v12 =	vsel vm7, v14, v13;
	v13 =	vadd.f32 v18, v28;
	[tilespmem:v8+s3+$0x0] =	vst.idx.add.f32.msk $0xffff, v16  }
0x2fd: {  	v5 =	vadd.f32 v17, v5;
	[tilespmem:v15+s3+$0x0] =	vst.idx.add.f32.msk $0xffff, v12  }
0x2fe: {  	s4 =	simm.s32 $0x0;
	v4 =	vadd.f32 v4, v32;
	v8 =	vmul.f32 v41, v30;
	[tilespmem:v10+s3+$0x0] =	vst.idx.add.f32.msk $0xffff, v13  }
0x2ff: {  	s16 =	sand.u32 $0x1FE0, s4;
	[tilespmem:v6+s3+$0x0] =	vst.idx.add.f32.msk $0xffff, v5  }
0x300: {  	v4 =	vadd.f32 v4, v8;
	v8 =	vld [tilespmem:s16+$0x1A000];
	_ =	sdelay $0x1  }
0x301: {  	v5 =	vld [tilespmem:s3+$0x6010]  }
0x302: {  	v3 =	vmul.f32 v3, v22;
	v10 =	vld [tilespmem:s3+$0x10]  }
0x303: {  	v6 =	vmul.f32 v9, v7;
	v7 =	vld [tilespmem:s3+$0x0]  }
0x304: {  	v3 =	vadd.f32 v3, v4;
	v18 =	vld [tilespmem:s16+$0x16000];
	v9 =	vmax.f32 v8, $1.000000000e+00  }
0x305: {  	s0 =	spop (v2sf);
	v12 =	vld [tilespmem:s3+$0x2010];
	(erf) = vrcp.f32 v9  }
0x306: {  	s21 =	simm.s32 $0x10;
	s2 =	spop (v2sf);
	v4 =	vmul.f32 v14, v11;
	v14 =	vld [tilespmem:s16+$0x18000];
	v3 =	vadd.f32 v3, v6;
	v13 =	vmax.f32 v5, $1.000000000e+00  }
0x307: {  	v20 =	vor.u32 s21, v1;
	v16 =	vor.u32 s4, v1;
	s0 =	sand.u32 $0x3FFF, s0;
	s2 =	sand.u32 $0x3FFF, s2;
	v11 =	vld [tilespmem:s3+$0x8010];
	(erf) = vrcp.f32 v13  }
0x308: {  	v15 =	vld [tilespmem:s3+$0x4010];
	s3 =	simm.s32 $0x14020;
	v6 =	vmov s2;
	v3 =	vadd.f32 v3, v4;
	v4 =	vmov s0  }
0x309: {  	s4 =	simm.s32 $0x20;
	v17 =	vmul.f32 v7, v7;
	v18 =	vmul.f32 v18, v18;
	vm5 =	vgt.u32 v16, v4;
	v7 =	vld [tilespmem:s3+$0x6010]  }
0x30a: {  	s17 =	simm.s32 $0x40;
	v19 =	vmul.f32 v10, v10;
	v10 =	vimm.f32 $0.0e+00;
	v9 =	vimm.f32 $0.0e+00;
	v13 =	vld [tilespmem:s16+$0x1C000];
	s16 =	sand.u32 $0x1FE0, s4  }
.LBB2_12:
0x30b: {  	p0 =	slt.u32 s17, $0x1FE0;
	v21 =	vld [tilespmem:s16+$0x1A000];
	v17 =	vadd.f32 v18, v17;
	v14 =	vmul.f32 v14, v14;
	v12 =	vmul.f32 v12, v12  }
0x30c: {  	vm6 =	vlt.u32 v16, v6;
	vm7 =	vgt.u32 v20, v4;
	vm8 =	vlt.u32 v20, v6  }
0x30d: {  	v14 =	vadd.f32 v14, v17;
	v12 =	vadd.f32 v12, v19;
	v15 =	vmul.f32 v15, v15  }
0x30e: {  	vm5 =	vmand vm5, vm6;
	vm6 =	vmand vm7, vm8;
	vm7 =	veq.f32 v11, $0.0e+00;
	v19 =	vld [tilespmem:s3+$0x10];
	v11 =	vpop (erf)  }
0x30f: {  	vm8 =	veq.f32 v13, $0.0e+00;
	v17 =	vld [tilespmem:s3+$0x0];
	v11 =	vmul.f32 v11, v14;
	v13 =	vadd.f32 v15, v12  }
0x310: {  	v15 =	vmax.f32 v7, $1.000000000e+00;
	vm5 =	vmand vm5, vm8;
	v18 =	vld [tilespmem:s16+$0x16000];
	v14 =	vmax.f32 v21, $1.000000000e+00;
	v16 =	vpop (erf)  }
0x311: {  	v12 =	vld [tilespmem:s3+$0x2010];
	(erf) = vrcp.f32 v14;
	v11 =	vnsel vm5, $0x0, v11;
	v13 =	vmul.f32 v16, v13  }
.Ltmp5:
0x312: {  	v10 =	vadd.f32 v8, v10;
	v8 =	vmovc v21;
	vm5 =	vmand vm6, vm7;
	v14 =	vld [tilespmem:s16+$0x18000];
	v9 =	vadd.f32 v11, v9;
	(pc) =	sbr.rel @p0 .LBB2_12-.Ltmp5, $4  }
0x313: {  	v11 =	vld [tilespmem:s3+$0x8010];
	(erf) = vrcp.f32 v15;
	v13 =	vnsel vm5, $0x0, v13  }
0x314: {  	v10 =	vadd.f32 v5, v10;
	v5 =	vmov v7;
	v15 =	vld [tilespmem:s3+$0x4010];
	v9 =	vadd.f32 v13, v9  }
0x315: {  	s21 =	sadd.s32 $0x10, s4;
	v16 =	vor.u32 s4, v1;
	s4 =	smov.u32 s17;
	v17 =	vmul.f32 v17, v17;
	s3 =	sadd.s32 $0x20, s3;
	v13 =	vld [tilespmem:s16+$0x1C000];
	v18 =	vmul.f32 v18, v18  }
0x316: {  	v20 =	vor.u32 s21, v1;
	s17 =	sadd.s32 $0x20, s17;
	vm5 =	vgt.u32 v16, v4;
	v19 =	vmul.f32 v19, v19;
	s16 =	sand.u32 $0x1FE0, s4;
	v7 =	vld [tilespmem:s3+$0x6010]  }
0x317: {  	v17 =	vadd.f32 v18, v17;
	v14 =	vmul.f32 v14, v14  }
0x318: {  	v12 =	vmul.f32 v12, v12;
	vm6 =	vlt.u32 v16, v6;
	vm7 =	vgt.u32 v20, v4  }
0x319: {  	v21 =	vld [tilespmem:s16+$0x1A000];
	vm8 =	vlt.u32 v20, v6;
	v8 =	vadd.f32 v8, v10;
	v48 =	vor.u32 s4, v1  }
0x31a: {  	v51 =	vnsel vm0, $0x0, v6;
	v62 =	vsel vm3, $0x0, v6;
	vm5 =	vmand vm5, vm6  }
0x31b: {  	s30 =	sadd.s32 $0x10, s4;
	vm6 =	vmand vm7, vm8;
	v12 =	vadd.f32 v12, v19;
	v15 =	vmul.f32 v15, v15  }
0x31c: {  	v38 =	vld [tilespmem:s3+$0x0];
	vm14 =	veq.f32 v11, $0.0e+00;
	v56 =	vor.u32 s30, v1;
	v14 =	vadd.f32 v14, v17  }
0x31d: {  	v40 =	vld [tilespmem:s16+$0x16000];
	vm15 =	vlt.u32 v56, v6;
	v37 =	vpop (erf);
	vm7 =	veq.f32 v13, $0.0e+00;
	v12 =	vadd.f32 v15, v12  }
0x31e: {  	v43 =	vld [tilespmem:s3+$0x10];
	v39 =	vmul.f32 v37, v14;
	vm5 =	vmand vm5, vm7;
	v41 =	vmax.f32 v21, $1.000000000e+00;
	v42 =	vpop (erf)  }
0x31f: {  	v46 =	vld [tilespmem:s3+$0x2010];
	v44 =	vmax.f32 v7, $1.000000000e+00;
	v12 =	vmul.f32 v42, v12;
	(erf) = vrcp.f32 v41  }
0x320: {  	v45 =	vld [tilespmem:s16+$0x18000];
	v13 =	vnsel vm5, $0x0, v39;
	vm5 =	vmand vm6, vm14;
	(erf) = vrcp.f32 v44  }
0x321: {  	v50 =	vld [tilespmem:s3+$0x4010];
	v5 =	vadd.f32 v5, v8;
	v47 =	vnsel vm5, $0x0, v12;
	vm5 =	vmmov $0x1f  }
0x322: {  	v49 =	vmul.f32 v38, v38;
	v11 =	vmul.f32 v40, v40;
	v17 =	vsel vm5, v4, v51  }
0x323: {  	v16 =	vmul.f32 v43, v43;
	v9 =	vadd.f32 v13, v9;
	v54 =	vadd.s32 v2, v17  }
0x324: {  	v52 =	vld [tilespmem:s16+$0x1C000];
	v13 =	vmul.f32 v46, v46;
	v17 =	vand.u32 $0x7F, v17;
	v14 =	vand.u32 $0x1FF80, v54  }
0x325: {  	v55 =	vld [tilespmem:s3+$0x8010];
	v53 =	vmul.f32 v45, v45;
	v11 =	vadd.f32 v11, v49;
	v57 =	vor.u32 v17, v14  }
0x326: {  	vm7 =	vgt.u32 v56, v4;
	v59 =	vmul.f32 v50, v50;
	v58 =	vadd.f32 v13, v16  }
0x327: {  	vm7 =	vmand vm7, vm15;
	vm6 =	vgt.u32 v48, v4;
	v11 =	vadd.f32 v53, v11  }
0x328: {  	v9 =	vadd.f32 v47, v9;
	vm5 =	vlt.u32 v48, v6;
	v12 =	vadd.f32 v59, v58;
	v60 =	vpop (erf)  }
0x329: {  	vm5 =	vmand vm6, vm5;
	vm6 =	veq.f32 v52, $0.0e+00;
	v11 =	vmul.f32 v60, v11;
	v61 =	vpop (erf)  }
0x32a: {  	vm5 =	vmand vm5, vm6;
	vm6 =	veq.f32 v55, $0.0e+00;
	v8 =	vmul.f32 v61, v12;
	v10 =	vld.idx.msk [tilespmem:v57+s14+$0x0], $0xffff  }
0x32b: {  	v5 =	vadd.f32 v21, v5;
	v11 =	vnsel vm5, $0x0, v11;
	vm5 =	vmand vm7, vm6  }
0x32c: {  	p0 =	seq.s32 s0, s2;
	v9 =	vadd.f32 v11, v9;
	v8 =	vnsel vm5, $0x0, v8;
	vm5 =	vmmov vm1  }
0x32d: {  	v63 =	vsel vm4, v62, v4;
	v5 =	vadd.f32 v7, v5;
	vm5 =	vmneg @p0 vm5  }
0x32e: {  	v4 =	vcvt.s32.f32 v63;
	[tilespmem:$0x1E000] =	vst v3;
	v8 =	vadd.f32 v8, v9;
	vm5 =	vmand vm5, vm2  }
0x32f: {  	s20 =	sadd.s32 $0x1, s20;
	[tilespmem:$0x1E020] =	vst v5;
	v3 =	vsel vm5, $0x0, v10;
	vm5 =	vmmov $0x3ff  }
0x330: {  	p0 =	sne.s32 s20, s13;
	[tilespmem:$0x1E010] =	vst v8;
	v3 =	vsel vm5, v3, v4  }
.Ltmp6:
0x331: {  	s31 =	simm.s32 $0x1E000;
	[tilespmem:$0x1E030] =	vst v3;
	(pc) =	sbr.rel @p0 .LBB2_1-.Ltmp6, $4  }
0x332: {  	[hbm4b:s12+s1] =	stream.linear.scatter [tilespmem:s31], [sflag:$0x3], $0x80, $0x38;
	[tilespmem:$0x1E080] =	vst v63  }
0x333: {  	_ =	swait.ge [sflag:s19], $0x80  }
0x334: {  	[sflag:s19] =	ssyncset.done $0x0  }
0x335: {  	[sflag:s19] =	ssyncadd.s32 $0xFFFFFF80  }
0x336: {  	_ =	sfence.sel $0x180000  }
0x337: {  	[bflag:$0x0] =	sbarrier.arrive $0xFFFF  }
0x338: {  	_ =	strace $0x90000047  }
0x339: {  	s0 =	stileid.u32;
	[bflag:$0x2] =	sbarrier.arrive $0xFFFF  }
0x33a: {  	p0 =	sne.s32 s0, $0x0;
	s0 =	rddreg [dreg:$0x1]  }
0x33b: {  	s0 =	sadd.s32 @!p0 $0x100000, s0  }
0x33c: {  	[sflag:s0] =	ssyncadd.tile.s32 @!p0 $0x1;
	_ =	shalt  }
.Lfunc_end2:
_tile_overlayer_lowered:
.L_overlay_start_2:
0x33d: {  	(tag) =	ssettag $0x2  }
0x33e: {  	s0 =	rddreg [dreg:$0x0];
	s2 =	stileid.u32  }
0x33f: {  	s1 =	rddreg [dreg:$0x1];
	p0 =	sne.s32 s2, $0x0  }
0x340: {  	s3 =	rddreg [dreg:$0x2];
	[bflag:$0x3] =	sbarrier.arrive $0xFFFF;
	s2 =	simm.s32 @!p0 $0x1C03  }
0x341: {  	[timem:s3], [sflag:s2] =	dma.local @!p0 [hbm:s0], s1  }
0x342: {  	s0 =	simm.s32 @!p0 $0x3  }
0x343: {  	_ =	swait.ge @!p0 [sflag:s0], s1  }
0x344: {  	s1 =	ssub.s32 @!p0 $0x0, s1;
	[sflag:s0] =	ssyncset.done @!p0 $0x0  }
0x345: {  	[sflag:s0] =	ssyncadd.s32 @!p0 s1  }
0x346: {  	[bflag:$0x3] =	sbarrier.arrive $0xFFFF  }
0x347: {  	_ =	shalt  }

</sc_bundles>
